<compile_context>
chip_gen: v7x
topology: tpu7x:2x2x1
jax: 0.10.2.dev20260603
libtpu: 0.0.44.dev20260713+nightly
codegen_flags: <defaults>
</compile_context>

<pallas_src>
import functools
import jax
import jax.numpy as jnp
from jax import lax
from jax.experimental import pallas as pl
from jax.experimental.pallas import tpu as pltpu
from jax.experimental.pallas import tpu_sc as plsc

INPUT_MIN, INPUT_MAX = 0.0, 1.0

_NC, _NS = 2, 16
_NW = _NC * _NS
_B, _IN, _OUT, _K = 1024, 128, 128, 16
_RPW = _B // _NW


def _sc_body(x_hbm, w2_hbm, bias_hbm, out_hbm, xv, idxv, rows, outv, biasv, sem):
    wid = lax.axis_index("s") * _NC + lax.axis_index("c")
    base = wid * _RPW
    pltpu.sync_copy(x_hbm.at[pl.ds(base, _RPW)], xv)
    pltpu.sync_copy(bias_hbm, biasv)
    lane = lax.broadcasted_iota(jnp.int32, (16,), 0)

    def row_body(r, carry):
        for j in range(_IN // 16):
            xs = xv[r, pl.ds(16 * j, 16)]
            xn = (xs - INPUT_MIN) / (INPUT_MAX - INPUT_MIN)
            ki = jnp.clip((xn * _K).astype(jnp.int32), 0, _K - 1)
            idxv[pl.ds(16 * j, 16)] = (lane + 16 * j) * _K + ki
        pltpu.async_copy(w2_hbm.at[idxv], rows, sem).wait()

        def group_body(jj, acc):
            xs = xv[r, pl.ds(jj * 16, 16)]
            acc = list(acc)
            for l in range(16):
                i = jj * 16 + l
                xb = jnp.full((16,), xs[l], jnp.float32)
                for g in range(_OUT // 16):
                    acc[g] = (acc[g] + xb * rows[i, pl.ds(16 * g, 16)]
                              + rows[i, pl.ds(_OUT + 16 * g, 16)])
            return tuple(acc)

        acc0 = tuple(jnp.zeros((16,), jnp.float32) for _ in range(_OUT // 16))
        acc = lax.fori_loop(0, _IN // 16, group_body, acc0)
        for g in range(_OUT // 16):
            outv[r, pl.ds(16 * g, 16)] = acc[g] + biasv[pl.ds(16 * g, 16)]
        return carry

    lax.fori_loop(0, _RPW, row_body, 0)
    pltpu.sync_copy(outv, out_hbm.at[pl.ds(base, _RPW)])


def kernel(x, slopes, intercepts, bias):
    out_dim, in_dim, k = slopes.shape
    b = x.shape[0]
    s_r = jnp.transpose(slopes, (1, 2, 0)).reshape(in_dim * k, out_dim)
    t_r = jnp.transpose(intercepts, (1, 2, 0)).reshape(in_dim * k, out_dim)
    w2 = jnp.concatenate([s_r, t_r], axis=1)

    mesh = plsc.VectorSubcoreMesh(core_axis_name="c", subcore_axis_name="s")
    run = functools.partial(
        pl.kernel,
        mesh=mesh,
        out_type=jax.ShapeDtypeStruct((b, out_dim), jnp.float32),
        scratch_types=[
            pltpu.VMEM((_RPW, in_dim), jnp.float32),
            pltpu.VMEM((in_dim,), jnp.int32),
            pltpu.VMEM((in_dim, 2 * out_dim), jnp.float32),
            pltpu.VMEM((_RPW, out_dim), jnp.float32),
            pltpu.VMEM((out_dim,), jnp.float32),
            pltpu.SemaphoreType.DMA,
        ],
    )(_sc_body)
    return run(x, w2, bias)

# --- scband reference (transcript-rebuilt; emitter-appended) ---
"""Pipeline reference for scband-spline-layer-65884798321345 (READ-ONLY COPY).

The authoritative reference and input builder live on the scoring server;
editing this copy changes nothing except your own understanding.
"""

import jax, jax.numpy as jnp
import numpy as np

B, IN, OUT, K = 1024, 128, 128, 16
INPUT_MIN, INPUT_MAX = 0.0, 1.0


def setup_inputs(seed: int = 0) -> dict:
    key = jax.random.key(seed)
    k1, k2, k3 = jax.random.split(key, 3)
    x = jax.random.uniform(k1, (B, IN), dtype=jnp.float32)  # fill=rand, spans [0,1) -> hits all intervals
    slopes = jax.random.normal(k2, (OUT, IN, K), dtype=jnp.float32) * 0.1
    intercepts = jax.random.normal(k3, (OUT, IN, K), dtype=jnp.float32) * 0.01
    bias = jnp.zeros((OUT,), dtype=jnp.float32)
    return {"x": x, "slopes": slopes, "intercepts": intercepts, "bias": bias}


def reference(x, slopes, intercepts, bias):
    num_intervals = slopes.shape[-1]
    b, i = x.shape
    o = slopes.shape[0]
    # _get_interval_indices
    x_norm = (x - INPUT_MIN) / (INPUT_MAX - INPUT_MIN)
    x_norm = x_norm * num_intervals
    indices = jnp.clip(jnp.floor(x_norm).astype(jnp.int32), 0, num_intervals - 1)  # [B, IN]
    # gather slopes/intercepts per (batch, out, in) element (mirrors torch expand+gather)
    idx_expanded = jnp.broadcast_to(indices[:, None, :, None], (b, o, i, 1))
    slopes_expanded = jnp.broadcast_to(slopes[None, :, :, :], (b, o, i, num_intervals))
    intercepts_expanded = jnp.broadcast_to(intercepts[None, :, :, :], (b, o, i, num_intervals))
    gathered_slopes = jnp.take_along_axis(slopes_expanded, idx_expanded, axis=-1)[..., 0]
    gathered_intercepts = jnp.take_along_axis(intercepts_expanded, idx_expanded, axis=-1)[..., 0]
    x_expanded = x[:, None, :]
    contributions = gathered_slopes * x_expanded + gathered_intercepts  # [B, OUT, IN]
    output = contributions.sum(axis=-1) + bias  # [B, OUT]
    return output

if __name__ == "__main__":
    import jax
    _d = setup_inputs()
    print(jax.jit(kernel)(*tuple(_d.values())))

</pallas_src>

<mosaic_0001>
#map = affine_map<(d0, d1) -> (0, 0)>
#map1 = affine_map<(d0, d1) -> (0)>
module attributes {stable_mosaic.version = 14 : i64} {
  func.func @_sc_body(%arg0: i32, %arg1: i32, %arg2: memref<1024x128xf32, #tpu.memory_space<hbm>>, %arg3: memref<2048x256xf32, #tpu.memory_space<hbm>>, %arg4: memref<128xf32, #tpu.memory_space<hbm>>, %arg5: memref<1024x128xf32, #tpu.memory_space<hbm>>, %arg6: memref<32x128xf32, #tpu.memory_space<vmem>>, %arg7: memref<128xi32, #tpu.memory_space<vmem>>, %arg8: memref<128x256xf32, #tpu.memory_space<vmem>>, %arg9: memref<32x128xf32, #tpu.memory_space<vmem>>, %arg10: memref<128xf32, #tpu.memory_space<vmem>>, %arg11: memref<!tpu.dma_semaphore, #tpu.memory_space<semaphore_mem>>) attributes {dimension_semantics = [#tpu.dimension_semantics<core_parallel>, #tpu.dimension_semantics<subcore_parallel>], iteration_bounds = array<i64: 2, 16>, scalar_prefetch = 0 : i64, scratch_operands = 6 : i64, tpu.core_type = #tpu.core_type<sc_vector_subcore>, window_params = [{transform_indices = #map}, {transform_indices = #map}, {transform_indices = #map1}, {transform_indices = #map}]} {
    %mul3A = arith.constant 2 : i32
    %mul3A_0 = arith.muli %arg1, %mul3A : i32
    %add3A = arith.addi %mul3A_0, %arg0 : i32
    %mul3A_1 = arith.constant 32 : i32
    %mul3A_2 = arith.muli %add3A, %mul3A_1 : i32
    "tpu.region"() ({
      %run_scoped3A = tpu.sem_alloc : memref<!tpu.dma_semaphore, #tpu.memory_space<semaphore_mem>>
      %dma_start3A = arith.constant 0 : i32
      %dma_start3A_8 = tpu.memref_slice %arg2[%mul3A_2, %dma_start3A] : memref<1024x128xf32, #tpu.memory_space<hbm>> -> memref<32x128xf32, #tpu.memory_space<hbm>>
      %dma_start3A_9 = arith.constant 0 : i32
      %dma_start3A_10 = tpu.memref_slice %arg2[%mul3A_2, %dma_start3A_9] : memref<1024x128xf32, #tpu.memory_space<hbm>> -> memref<32x128xf32, #tpu.memory_space<hbm>>
      tpu.enqueue_dma source(%dma_start3A_10 : memref<32x128xf32, #tpu.memory_space<hbm>>) target(%arg6 : memref<32x128xf32, #tpu.memory_space<vmem>>) target_semaphore(%run_scoped3A : memref<!tpu.dma_semaphore, #tpu.memory_space<semaphore_mem>>)
      %dma_wait3A = arith.constant 0 : i32
      %dma_wait3A_11 = tpu.memref_slice %arg2[%mul3A_2, %dma_wait3A] : memref<1024x128xf32, #tpu.memory_space<hbm>> -> memref<32x128xf32, #tpu.memory_space<hbm>>
      %dma_wait3A_12 = arith.constant 0 : i32
      %dma_wait3A_13 = tpu.memref_slice %arg2[%mul3A_2, %dma_wait3A_12] : memref<1024x128xf32, #tpu.memory_space<hbm>> -> memref<32x128xf32, #tpu.memory_space<hbm>>
      tpu.wait_dma2 semaphore(%run_scoped3A : memref<!tpu.dma_semaphore, #tpu.memory_space<semaphore_mem>>) src(%dma_wait3A_13 : memref<32x128xf32, #tpu.memory_space<hbm>>) dst(%arg6 : memref<32x128xf32, #tpu.memory_space<vmem>>)
      tpu.yield
    }) : () -> ()
    "tpu.region"() ({
      %run_scoped3A = tpu.sem_alloc : memref<!tpu.dma_semaphore, #tpu.memory_space<semaphore_mem>>
      tpu.enqueue_dma source(%arg4 : memref<128xf32, #tpu.memory_space<hbm>>) target(%arg10 : memref<128xf32, #tpu.memory_space<vmem>>) target_semaphore(%run_scoped3A : memref<!tpu.dma_semaphore, #tpu.memory_space<semaphore_mem>>)
      tpu.wait_dma2 semaphore(%run_scoped3A : memref<!tpu.dma_semaphore, #tpu.memory_space<semaphore_mem>>) src(%arg4 : memref<128xf32, #tpu.memory_space<hbm>>) dst(%arg10 : memref<128xf32, #tpu.memory_space<vmem>>)
      tpu.yield
    }) : () -> ()
    %iota3A = tpu.iota {dimensions = array<i32: 0>} : vector<16xi32>
    %scan3A = arith.constant 0 : i32
    %scan3A_3 = arith.constant 0 : i32
    %scan3A_4 = arith.constant 32 : i32
    %scan3A_5 = arith.addi %scan3A_3, %scan3A_4 : i32
    %scan3A_6 = arith.constant 1 : i32
    scf.for %scan3A_8 = %scan3A_3 to %scan3A_5 step %scan3A_6  : i32 {
      %get3A = arith.index_cast %scan3A_8 : i32 to index
      %get3A_9 = arith.constant 0 : index
      %get3A_10 = tpu.vector_load %arg6[%get3A, %get3A_9] {strides = array<i32>} : memref<32x128xf32, #tpu.memory_space<vmem>>, vector<1x16xf32>,
      %get3A_11 = vector.shape_cast %get3A_10 : vector<1x16xf32> to vector<16xf32>
      %sub3A = arith.constant 0.000000e+00 : f32
      %sub3A_12 = vector.broadcast %sub3A : f32 to vector<16xf32>
      %sub3A_13 = arith.subf %get3A_11, %sub3A_12 : vector<16xf32>
      %div3A = arith.constant 1.000000e+00 : f32
      %div3A_14 = vector.broadcast %div3A : f32 to vector<16xf32>
      %div3A_15 = arith.divf %sub3A_13, %div3A_14 : vector<16xf32>
      %mul3A_16 = arith.constant 1.600000e+01 : f32
      %mul3A_17 = vector.broadcast %mul3A_16 : f32 to vector<16xf32>
      %mul3A_18 = arith.mulf %div3A_15, %mul3A_17 : vector<16xf32>
      %convert_element_type3A = arith.fptosi %mul3A_18 : vector<16xf32> to vector<16xi32>
      %jit3A = arith.constant 0 : i32
      %jit3A_19 = arith.constant 15 : i32
      %max3A = vector.broadcast %jit3A : i32 to vector<16xi32>
      %max3A_20 = arith.maxsi %max3A, %convert_element_type3A : vector<16xi32>
      %min3A = vector.broadcast %jit3A_19 : i32 to vector<16xi32>
      %min3A_21 = arith.minsi %min3A, %max3A_20 : vector<16xi32>
      %add3A_22 = arith.constant 0 : i32
      %add3A_23 = vector.broadcast %add3A_22 : i32 to vector<16xi32>
      %add3A_24 = arith.addi %iota3A, %add3A_23 : vector<16xi32>
      %mul3A_25 = arith.constant 16 : i32
      %mul3A_26 = vector.broadcast %mul3A_25 : i32 to vector<16xi32>
      %mul3A_27 = arith.muli %add3A_24, %mul3A_26 : vector<16xi32>
      %add3A_28 = arith.addi %mul3A_27, %min3A_21 : vector<16xi32>
      %swap3A = arith.constant 0 : index
      %swap3A_29 = tpu.vector_load %arg7[%swap3A] {strides = array<i32>} : memref<128xi32, #tpu.memory_space<vmem>>, vector<16xi32>,
      %swap3A_30 = vector.shape_cast %swap3A_29 : vector<16xi32> to vector<16xi32>
      %swap3A_31 = vector.shape_cast %add3A_28 : vector<16xi32> to vector<16xi32>
      tpu.vector_store %arg7[%swap3A], %swap3A_31 {strides = array<i32>} : memref<128xi32, #tpu.memory_space<vmem>>, vector<16xi32>,
      %get3A_32 = arith.index_cast %scan3A_8 : i32 to index
      %get3A_33 = arith.constant 16 : index
      %get3A_34 = tpu.vector_load %arg6[%get3A_32, %get3A_33] {strides = array<i32>} : memref<32x128xf32, #tpu.memory_space<vmem>>, vector<1x16xf32>,
      %get3A_35 = vector.shape_cast %get3A_34 : vector<1x16xf32> to vector<16xf32>
      %sub3A_36 = arith.constant 0.000000e+00 : f32
      %sub3A_37 = vector.broadcast %sub3A_36 : f32 to vector<16xf32>
      %sub3A_38 = arith.subf %get3A_35, %sub3A_37 : vector<16xf32>
      %div3A_39 = arith.constant 1.000000e+00 : f32
      %div3A_40 = vector.broadcast %div3A_39 : f32 to vector<16xf32>
      %div3A_41 = arith.divf %sub3A_38, %div3A_40 : vector<16xf32>
      %mul3A_42 = arith.constant 1.600000e+01 : f32
      %mul3A_43 = vector.broadcast %mul3A_42 : f32 to vector<16xf32>
      %mul3A_44 = arith.mulf %div3A_41, %mul3A_43 : vector<16xf32>
      %convert_element_type3A_45 = arith.fptosi %mul3A_44 : vector<16xf32> to vector<16xi32>
      %jit3A_46 = arith.constant 0 : i32
      %jit3A_47 = arith.constant 15 : i32
      %max3A_48 = vector.broadcast %jit3A_46 : i32 to vector<16xi32>
      %max3A_49 = arith.maxsi %max3A_48, %convert_element_type3A_45 : vector<16xi32>
      %min3A_50 = vector.broadcast %jit3A_47 : i32 to vector<16xi32>
      %min3A_51 = arith.minsi %min3A_50, %max3A_49 : vector<16xi32>
      %add3A_52 = arith.constant 16 : i32
      %add3A_53 = vector.broadcast %add3A_52 : i32 to vector<16xi32>
      %add3A_54 = arith.addi %iota3A, %add3A_53 : vector<16xi32>
      %mul3A_55 = arith.constant 16 : i32
      %mul3A_56 = vector.broadcast %mul3A_55 : i32 to vector<16xi32>
      %mul3A_57 = arith.muli %add3A_54, %mul3A_56 : vector<16xi32>
      %add3A_58 = arith.addi %mul3A_57, %min3A_51 : vector<16xi32>
      %swap3A_59 = arith.constant 16 : index
      %swap3A_60 = tpu.vector_load %arg7[%swap3A_59] {strides = array<i32>} : memref<128xi32, #tpu.memory_space<vmem>>, vector<16xi32>,
      %swap3A_61 = vector.shape_cast %swap3A_60 : vector<16xi32> to vector<16xi32>
      %swap3A_62 = vector.shape_cast %add3A_58 : vector<16xi32> to vector<16xi32>
      tpu.vector_store %arg7[%swap3A_59], %swap3A_62 {strides = array<i32>} : memref<128xi32, #tpu.memory_space<vmem>>, vector<16xi32>,
      %get3A_63 = arith.index_cast %scan3A_8 : i32 to index
      %get3A_64 = arith.constant 32 : index
      %get3A_65 = tpu.vector_load %arg6[%get3A_63, %get3A_64] {strides = array<i32>} : memref<32x128xf32, #tpu.memory_space<vmem>>, vector<1x16xf32>,
      %get3A_66 = vector.shape_cast %get3A_65 : vector<1x16xf32> to vector<16xf32>
      %sub3A_67 = arith.constant 0.000000e+00 : f32
      %sub3A_68 = vector.broadcast %sub3A_67 : f32 to vector<16xf32>
      %sub3A_69 = arith.subf %get3A_66, %sub3A_68 : vector<16xf32>
      %div3A_70 = arith.constant 1.000000e+00 : f32
      %div3A_71 = vector.broadcast %div3A_70 : f32 to vector<16xf32>
      %div3A_72 = arith.divf %sub3A_69, %div3A_71 : vector<16xf32>
      %mul3A_73 = arith.constant 1.600000e+01 : f32
      %mul3A_74 = vector.broadcast %mul3A_73 : f32 to vector<16xf32>
      %mul3A_75 = arith.mulf %div3A_72, %mul3A_74 : vector<16xf32>
      %convert_element_type3A_76 = arith.fptosi %mul3A_75 : vector<16xf32> to vector<16xi32>
      %jit3A_77 = arith.constant 0 : i32
      %jit3A_78 = arith.constant 15 : i32
      %max3A_79 = vector.broadcast %jit3A_77 : i32 to vector<16xi32>
      %max3A_80 = arith.maxsi %max3A_79, %convert_element_type3A_76 : vector<16xi32>
      %min3A_81 = vector.broadcast %jit3A_78 : i32 to vector<16xi32>
      %min3A_82 = arith.minsi %min3A_81, %max3A_80 : vector<16xi32>
      %add3A_83 = arith.constant 32 : i32
      %add3A_84 = vector.broadcast %add3A_83 : i32 to vector<16xi32>
      %add3A_85 = arith.addi %iota3A, %add3A_84 : vector<16xi32>
      %mul3A_86 = arith.constant 16 : i32
      %mul3A_87 = vector.broadcast %mul3A_86 : i32 to vector<16xi32>
      %mul3A_88 = arith.muli %add3A_85, %mul3A_87 : vector<16xi32>
      %add3A_89 = arith.addi %mul3A_88, %min3A_82 : vector<16xi32>
      %swap3A_90 = arith.constant 32 : index
      %swap3A_91 = tpu.vector_load %arg7[%swap3A_90] {strides = array<i32>} : memref<128xi32, #tpu.memory_space<vmem>>, vector<16xi32>,
      %swap3A_92 = vector.shape_cast %swap3A_91 : vector<16xi32> to vector<16xi32>
      %swap3A_93 = vector.shape_cast %add3A_89 : vector<16xi32> to vector<16xi32>
      tpu.vector_store %arg7[%swap3A_90], %swap3A_93 {strides = array<i32>} : memref<128xi32, #tpu.memory_space<vmem>>, vector<16xi32>,
      %get3A_94 = arith.index_cast %scan3A_8 : i32 to index
      %get3A_95 = arith.constant 48 : index
      %get3A_96 = tpu.vector_load %arg6[%get3A_94, %get3A_95] {strides = array<i32>} : memref<32x128xf32, #tpu.memory_space<vmem>>, vector<1x16xf32>,
      %get3A_97 = vector.shape_cast %get3A_96 : vector<1x16xf32> to vector<16xf32>
      %sub3A_98 = arith.constant 0.000000e+00 : f32
      %sub3A_99 = vector.broadcast %sub3A_98 : f32 to vector<16xf32>
      %sub3A_100 = arith.subf %get3A_97, %sub3A_99 : vector<16xf32>
      %div3A_101 = arith.constant 1.000000e+00 : f32
      %div3A_102 = vector.broadcast %div3A_101 : f32 to vector<16xf32>
      %div3A_103 = arith.divf %sub3A_100, %div3A_102 : vector<16xf32>
      %mul3A_104 = arith.constant 1.600000e+01 : f32
      %mul3A_105 = vector.broadcast %mul3A_104 : f32 to vector<16xf32>
      %mul3A_106 = arith.mulf %div3A_103, %mul3A_105 : vector<16xf32>
      %convert_element_type3A_107 = arith.fptosi %mul3A_106 : vector<16xf32> to vector<16xi32>
      %jit3A_108 = arith.constant 0 : i32
      %jit3A_109 = arith.constant 15 : i32
      %max3A_110 = vector.broadcast %jit3A_108 : i32 to vector<16xi32>
      %max3A_111 = arith.maxsi %max3A_110, %convert_element_type3A_107 : vector<16xi32>
      %min3A_112 = vector.broadcast %jit3A_109 : i32 to vector<16xi32>
      %min3A_113 = arith.minsi %min3A_112, %max3A_111 : vector<16xi32>
      %add3A_114 = arith.constant 48 : i32
      %add3A_115 = vector.broadcast %add3A_114 : i32 to vector<16xi32>
      %add3A_116 = arith.addi %iota3A, %add3A_115 : vector<16xi32>
      %mul3A_117 = arith.constant 16 : i32
      %mul3A_118 = vector.broadcast %mul3A_117 : i32 to vector<16xi32>
      %mul3A_119 = arith.muli %add3A_116, %mul3A_118 : vector<16xi32>
      %add3A_120 = arith.addi %mul3A_119, %min3A_113 : vector<16xi32>
      %swap3A_121 = arith.constant 48 : index
      %swap3A_122 = tpu.vector_load %arg7[%swap3A_121] {strides = array<i32>} : memref<128xi32, #tpu.memory_space<vmem>>, vector<16xi32>,
      %swap3A_123 = vector.shape_cast %swap3A_122 : vector<16xi32> to vector<16xi32>
      %swap3A_124 = vector.shape_cast %add3A_120 : vector<16xi32> to vector<16xi32>
      tpu.vector_store %arg7[%swap3A_121], %swap3A_124 {strides = array<i32>} : memref<128xi32, #tpu.memory_space<vmem>>, vector<16xi32>,
      %get3A_125 = arith.index_cast %scan3A_8 : i32 to index
      %get3A_126 = arith.constant 64 : index
      %get3A_127 = tpu.vector_load %arg6[%get3A_125, %get3A_126] {strides = array<i32>} : memref<32x128xf32, #tpu.memory_space<vmem>>, vector<1x16xf32>,
      %get3A_128 = vector.shape_cast %get3A_127 : vector<1x16xf32> to vector<16xf32>
      %sub3A_129 = arith.constant 0.000000e+00 : f32
      %sub3A_130 = vector.broadcast %sub3A_129 : f32 to vector<16xf32>
      %sub3A_131 = arith.subf %get3A_128, %sub3A_130 : vector<16xf32>
      %div3A_132 = arith.constant 1.000000e+00 : f32
      %div3A_133 = vector.broadcast %div3A_132 : f32 to vector<16xf32>
      %div3A_134 = arith.divf %sub3A_131, %div3A_133 : vector<16xf32>
      %mul3A_135 = arith.constant 1.600000e+01 : f32
      %mul3A_136 = vector.broadcast %mul3A_135 : f32 to vector<16xf32>
      %mul3A_137 = arith.mulf %div3A_134, %mul3A_136 : vector<16xf32>
      %convert_element_type3A_138 = arith.fptosi %mul3A_137 : vector<16xf32> to vector<16xi32>
      %jit3A_139 = arith.constant 0 : i32
      %jit3A_140 = arith.constant 15 : i32
      %max3A_141 = vector.broadcast %jit3A_139 : i32 to vector<16xi32>
      %max3A_142 = arith.maxsi %max3A_141, %convert_element_type3A_138 : vector<16xi32>
      %min3A_143 = vector.broadcast %jit3A_140 : i32 to vector<16xi32>
      %min3A_144 = arith.minsi %min3A_143, %max3A_142 : vector<16xi32>
      %add3A_145 = arith.constant 64 : i32
      %add3A_146 = vector.broadcast %add3A_145 : i32 to vector<16xi32>
      %add3A_147 = arith.addi %iota3A, %add3A_146 : vector<16xi32>
      %mul3A_148 = arith.constant 16 : i32
      %mul3A_149 = vector.broadcast %mul3A_148 : i32 to vector<16xi32>
      %mul3A_150 = arith.muli %add3A_147, %mul3A_149 : vector<16xi32>
      %add3A_151 = arith.addi %mul3A_150, %min3A_144 : vector<16xi32>
      %swap3A_152 = arith.constant 64 : index
      %swap3A_153 = tpu.vector_load %arg7[%swap3A_152] {strides = array<i32>} : memref<128xi32, #tpu.memory_space<vmem>>, vector<16xi32>,
      %swap3A_154 = vector.shape_cast %swap3A_153 : vector<16xi32> to vector<16xi32>
      %swap3A_155 = vector.shape_cast %add3A_151 : vector<16xi32> to vector<16xi32>
      tpu.vector_store %arg7[%swap3A_152], %swap3A_155 {strides = array<i32>} : memref<128xi32, #tpu.memory_space<vmem>>, vector<16xi32>,
      %get3A_156 = arith.index_cast %scan3A_8 : i32 to index
      %get3A_157 = arith.constant 80 : index
      %get3A_158 = tpu.vector_load %arg6[%get3A_156, %get3A_157] {strides = array<i32>} : memref<32x128xf32, #tpu.memory_space<vmem>>, vector<1x16xf32>,
      %get3A_159 = vector.shape_cast %get3A_158 : vector<1x16xf32> to vector<16xf32>
      %sub3A_160 = arith.constant 0.000000e+00 : f32
      %sub3A_161 = vector.broadcast %sub3A_160 : f32 to vector<16xf32>
      %sub3A_162 = arith.subf %get3A_159, %sub3A_161 : vector<16xf32>
      %div3A_163 = arith.constant 1.000000e+00 : f32
      %div3A_164 = vector.broadcast %div3A_163 : f32 to vector<16xf32>
      %div3A_165 = arith.divf %sub3A_162, %div3A_164 : vector<16xf32>
      %mul3A_166 = arith.constant 1.600000e+01 : f32
      %mul3A_167 = vector.broadcast %mul3A_166 : f32 to vector<16xf32>
      %mul3A_168 = arith.mulf %div3A_165, %mul3A_167 : vector<16xf32>
      %convert_element_type3A_169 = arith.fptosi %mul3A_168 : vector<16xf32> to vector<16xi32>
      %jit3A_170 = arith.constant 0 : i32
      %jit3A_171 = arith.constant 15 : i32
      %max3A_172 = vector.broadcast %jit3A_170 : i32 to vector<16xi32>
      %max3A_173 = arith.maxsi %max3A_172, %convert_element_type3A_169 : vector<16xi32>
      %min3A_174 = vector.broadcast %jit3A_171 : i32 to vector<16xi32>
      %min3A_175 = arith.minsi %min3A_174, %max3A_173 : vector<16xi32>
      %add3A_176 = arith.constant 80 : i32
      %add3A_177 = vector.broadcast %add3A_176 : i32 to vector<16xi32>
      %add3A_178 = arith.addi %iota3A, %add3A_177 : vector<16xi32>
      %mul3A_179 = arith.constant 16 : i32
      %mul3A_180 = vector.broadcast %mul3A_179 : i32 to vector<16xi32>
      %mul3A_181 = arith.muli %add3A_178, %mul3A_180 : vector<16xi32>
      %add3A_182 = arith.addi %mul3A_181, %min3A_175 : vector<16xi32>
      %swap3A_183 = arith.constant 80 : index
      %swap3A_184 = tpu.vector_load %arg7[%swap3A_183] {strides = array<i32>} : memref<128xi32, #tpu.memory_space<vmem>>, vector<16xi32>,
      %swap3A_185 = vector.shape_cast %swap3A_184 : vector<16xi32> to vector<16xi32>
      %swap3A_186 = vector.shape_cast %add3A_182 : vector<16xi32> to vector<16xi32>
      tpu.vector_store %arg7[%swap3A_183], %swap3A_186 {strides = array<i32>} : memref<128xi32, #tpu.memory_space<vmem>>, vector<16xi32>,
      %get3A_187 = arith.index_cast %scan3A_8 : i32 to index
      %get3A_188 = arith.constant 96 : index
      %get3A_189 = tpu.vector_load %arg6[%get3A_187, %get3A_188] {strides = array<i32>} : memref<32x128xf32, #tpu.memory_space<vmem>>, vector<1x16xf32>,
      %get3A_190 = vector.shape_cast %get3A_189 : vector<1x16xf32> to vector<16xf32>
      %sub3A_191 = arith.constant 0.000000e+00 : f32
      %sub3A_192 = vector.broadcast %sub3A_191 : f32 to vector<16xf32>
      %sub3A_193 = arith.subf %get3A_190, %sub3A_192 : vector<16xf32>
      %div3A_194 = arith.constant 1.000000e+00 : f32
      %div3A_195 = vector.broadcast %div3A_194 : f32 to vector<16xf32>
      %div3A_196 = arith.divf %sub3A_193, %div3A_195 : vector<16xf32>
      %mul3A_197 = arith.constant 1.600000e+01 : f32
      %mul3A_198 = vector.broadcast %mul3A_197 : f32 to vector<16xf32>
      %mul3A_199 = arith.mulf %div3A_196, %mul3A_198 : vector<16xf32>
      %convert_element_type3A_200 = arith.fptosi %mul3A_199 : vector<16xf32> to vector<16xi32>
      %jit3A_201 = arith.constant 0 : i32
      %jit3A_202 = arith.constant 15 : i32
      %max3A_203 = vector.broadcast %jit3A_201 : i32 to vector<16xi32>
      %max3A_204 = arith.maxsi %max3A_203, %convert_element_type3A_200 : vector<16xi32>
      %min3A_205 = vector.broadcast %jit3A_202 : i32 to vector<16xi32>
      %min3A_206 = arith.minsi %min3A_205, %max3A_204 : vector<16xi32>
      %add3A_207 = arith.constant 96 : i32
      %add3A_208 = vector.broadcast %add3A_207 : i32 to vector<16xi32>
      %add3A_209 = arith.addi %iota3A, %add3A_208 : vector<16xi32>
      %mul3A_210 = arith.constant 16 : i32
      %mul3A_211 = vector.broadcast %mul3A_210 : i32 to vector<16xi32>
      %mul3A_212 = arith.muli %add3A_209, %mul3A_211 : vector<16xi32>
      %add3A_213 = arith.addi %mul3A_212, %min3A_206 : vector<16xi32>
      %swap3A_214 = arith.constant 96 : index
      %swap3A_215 = tpu.vector_load %arg7[%swap3A_214] {strides = array<i32>} : memref<128xi32, #tpu.memory_space<vmem>>, vector<16xi32>,
      %swap3A_216 = vector.shape_cast %swap3A_215 : vector<16xi32> to vector<16xi32>
      %swap3A_217 = vector.shape_cast %add3A_213 : vector<16xi32> to vector<16xi32>
      tpu.vector_store %arg7[%swap3A_214], %swap3A_217 {strides = array<i32>} : memref<128xi32, #tpu.memory_space<vmem>>, vector<16xi32>,
      %get3A_218 = arith.index_cast %scan3A_8 : i32 to index
      %get3A_219 = arith.constant 112 : index
      %get3A_220 = tpu.vector_load %arg6[%get3A_218, %get3A_219] {strides = array<i32>} : memref<32x128xf32, #tpu.memory_space<vmem>>, vector<1x16xf32>,
      %get3A_221 = vector.shape_cast %get3A_220 : vector<1x16xf32> to vector<16xf32>
      %sub3A_222 = arith.constant 0.000000e+00 : f32
      %sub3A_223 = vector.broadcast %sub3A_222 : f32 to vector<16xf32>
      %sub3A_224 = arith.subf %get3A_221, %sub3A_223 : vector<16xf32>
      %div3A_225 = arith.constant 1.000000e+00 : f32
      %div3A_226 = vector.broadcast %div3A_225 : f32 to vector<16xf32>
      %div3A_227 = arith.divf %sub3A_224, %div3A_226 : vector<16xf32>
      %mul3A_228 = arith.constant 1.600000e+01 : f32
      %mul3A_229 = vector.broadcast %mul3A_228 : f32 to vector<16xf32>
      %mul3A_230 = arith.mulf %div3A_227, %mul3A_229 : vector<16xf32>
      %convert_element_type3A_231 = arith.fptosi %mul3A_230 : vector<16xf32> to vector<16xi32>
      %jit3A_232 = arith.constant 0 : i32
      %jit3A_233 = arith.constant 15 : i32
      %max3A_234 = vector.broadcast %jit3A_232 : i32 to vector<16xi32>
      %max3A_235 = arith.maxsi %max3A_234, %convert_element_type3A_231 : vector<16xi32>
      %min3A_236 = vector.broadcast %jit3A_233 : i32 to vector<16xi32>
      %min3A_237 = arith.minsi %min3A_236, %max3A_235 : vector<16xi32>
      %add3A_238 = arith.constant 112 : i32
      %add3A_239 = vector.broadcast %add3A_238 : i32 to vector<16xi32>
      %add3A_240 = arith.addi %iota3A, %add3A_239 : vector<16xi32>
      %mul3A_241 = arith.constant 16 : i32
      %mul3A_242 = vector.broadcast %mul3A_241 : i32 to vector<16xi32>
      %mul3A_243 = arith.muli %add3A_240, %mul3A_242 : vector<16xi32>
      %add3A_244 = arith.addi %mul3A_243, %min3A_237 : vector<16xi32>
      %swap3A_245 = arith.constant 112 : index
      %swap3A_246 = tpu.vector_load %arg7[%swap3A_245] {strides = array<i32>} : memref<128xi32, #tpu.memory_space<vmem>>, vector<16xi32>,
      %swap3A_247 = vector.shape_cast %swap3A_246 : vector<16xi32> to vector<16xi32>
      %swap3A_248 = vector.shape_cast %add3A_244 : vector<16xi32> to vector<16xi32>
      tpu.vector_store %arg7[%swap3A_245], %swap3A_248 {strides = array<i32>} : memref<128xi32, #tpu.memory_space<vmem>>, vector<16xi32>,
      %dma_start3A = arith.constant 0 : i32
      %dma_start3A_249 = arith.constant 0 : i32
      %dma_start3A_250 = tpu.memref_slice %arg3[%dma_start3A, %dma_start3A_249] : memref<2048x256xf32, #tpu.memory_space<hbm>> -> memref<2048x256xf32, #tpu.memory_space<hbm>>
      tpu.enqueue_indirect_dma source(%dma_start3A_250 : memref<2048x256xf32, #tpu.memory_space<hbm>>) target(%arg8 : memref<128x256xf32, #tpu.memory_space<vmem>>) offsets(%arg7 : memref<128xi32, #tpu.memory_space<vmem>>) semaphore(%arg11 : memref<!tpu.dma_semaphore, #tpu.memory_space<semaphore_mem>>)
      %dma_wait3A = arith.constant 0 : i32
      %dma_wait3A_251 = arith.constant 0 : i32
      %dma_wait3A_252 = tpu.memref_slice %arg3[%dma_wait3A, %dma_wait3A_251] : memref<2048x256xf32, #tpu.memory_space<hbm>> -> memref<2048x256xf32, #tpu.memory_space<hbm>>
      tpu.wait_indirect_dma semaphore(%arg11 : memref<!tpu.dma_semaphore, #tpu.memory_space<semaphore_mem>>) src(%dma_wait3A_252 : memref<2048x256xf32, #tpu.memory_space<hbm>>) dst(%arg8 : memref<128x256xf32, #tpu.memory_space<vmem>>)
      %broadcast_in_dim3A = arith.constant 0.000000e+00 : f32
      %broadcast_in_dim3A_253 = vector.broadcast %broadcast_in_dim3A : f32 to vector<16xf32>
      %broadcast_in_dim3A_254 = arith.constant 0.000000e+00 : f32
      %broadcast_in_dim3A_255 = vector.broadcast %broadcast_in_dim3A_254 : f32 to vector<16xf32>
      %broadcast_in_dim3A_256 = arith.constant 0.000000e+00 : f32
      %broadcast_in_dim3A_257 = vector.broadcast %broadcast_in_dim3A_256 : f32 to vector<16xf32>
      %broadcast_in_dim3A_258 = arith.constant 0.000000e+00 : f32
      %broadcast_in_dim3A_259 = vector.broadcast %broadcast_in_dim3A_258 : f32 to vector<16xf32>
      %broadcast_in_dim3A_260 = arith.constant 0.000000e+00 : f32
      %broadcast_in_dim3A_261 = vector.broadcast %broadcast_in_dim3A_260 : f32 to vector<16xf32>
      %broadcast_in_dim3A_262 = arith.constant 0.000000e+00 : f32
      %broadcast_in_dim3A_263 = vector.broadcast %broadcast_in_dim3A_262 : f32 to vector<16xf32>
      %broadcast_in_dim3A_264 = arith.constant 0.000000e+00 : f32
      %broadcast_in_dim3A_265 = vector.broadcast %broadcast_in_dim3A_264 : f32 to vector<16xf32>
      %broadcast_in_dim3A_266 = arith.constant 0.000000e+00 : f32
      %broadcast_in_dim3A_267 = vector.broadcast %broadcast_in_dim3A_266 : f32 to vector<16xf32>
      %scan3A_268 = arith.constant 0 : i32
      %scan3A_269 = arith.constant 8 : i32
      %scan3A_270 = arith.addi %scan3A_268, %scan3A_269 : i32
      %scan3A_271 = arith.constant 1 : i32
      %scan3A_272:8 = scf.for %scan3A_346 = %scan3A_268 to %scan3A_270 step %scan3A_271 iter_args(%scan3A_347 = %broadcast_in_dim3A_253, %scan3A_348 = %broadcast_in_dim3A_255, %scan3A_349 = %broadcast_in_dim3A_257, %scan3A_350 = %broadcast_in_dim3A_259, %scan3A_351 = %broadcast_in_dim3A_261, %scan3A_352 = %broadcast_in_dim3A_263, %scan3A_353 = %broadcast_in_dim3A_265, %scan3A_354 = %broadcast_in_dim3A_267) -> (vector<16xf32>, vector<16xf32>, vector<16xf32>, vector<16xf32>, vector<16xf32>, vector<16xf32>, vector<16xf32>, vector<16xf32>)  : i32 {
        %mul3A_355 = arith.constant 16 : i32
        %mul3A_356 = arith.muli %scan3A_346, %mul3A_355 : i32
        %get3A_357 = arith.index_cast %scan3A_8 : i32 to index
        %get3A_358 = arith.index_cast %mul3A_356 : i32 to index
        %get3A_359 = tpu.vector_load %arg6[%get3A_357, %get3A_358] {strides = array<i32>} : memref<32x128xf32, #tpu.memory_space<vmem>>, vector<1x16xf32>,
        %get3A_360 = vector.shape_cast %get3A_359 : vector<1x16xf32> to vector<16xf32>
        %mul3A_361 = arith.constant 16 : i32
        %mul3A_362 = arith.muli %scan3A_346, %mul3A_361 : i32
        %add3A_363 = arith.constant 0 : i32
        %add3A_364 = arith.addi %mul3A_362, %add3A_363 : i32
        %slice3A = vector.extract_strided_slice %get3A_360 {offsets = [0], sizes = [1], strides = [1]} : vector<16xf32> to vector<1xf32>
        %squeeze3A = vector.extract %slice3A[0] : f32 from vector<1xf32>
        %broadcast_in_dim3A_365 = vector.broadcast %squeeze3A : f32 to vector<16xf32>
        %get3A_366 = arith.index_cast %add3A_364 : i32 to index
        %get3A_367 = arith.constant 0 : index
        %get3A_368 = tpu.vector_load %arg8[%get3A_366, %get3A_367] {strides = array<i32>} : memref<128x256xf32, #tpu.memory_space<vmem>>, vector<1x16xf32>,
        %get3A_369 = vector.shape_cast %get3A_368 : vector<1x16xf32> to vector<16xf32>
        %mul3A_370 = arith.mulf %broadcast_in_dim3A_365, %get3A_369 : vector<16xf32>
        %add3A_371 = arith.addf %scan3A_347, %mul3A_370 : vector<16xf32>
        %get3A_372 = arith.index_cast %add3A_364 : i32 to index
        %get3A_373 = arith.constant 128 : index
        %get3A_374 = tpu.vector_load %arg8[%get3A_372, %get3A_373] {strides = array<i32>} : memref<128x256xf32, #tpu.memory_space<vmem>>, vector<1x16xf32>,
        %get3A_375 = vector.shape_cast %get3A_374 : vector<1x16xf32> to vector<16xf32>
        %add3A_376 = arith.addf %add3A_371, %get3A_375 : vector<16xf32>
        %get3A_377 = arith.index_cast %add3A_364 : i32 to index
        %get3A_378 = arith.constant 16 : index
        %get3A_379 = tpu.vector_load %arg8[%get3A_377, %get3A_378] {strides = array<i32>} : memref<128x256xf32, #tpu.memory_space<vmem>>, vector<1x16xf32>,
        %get3A_380 = vector.shape_cast %get3A_379 : vector<1x16xf32> to vector<16xf32>
        %mul3A_381 = arith.mulf %broadcast_in_dim3A_365, %get3A_380 : vector<16xf32>
        %add3A_382 = arith.addf %scan3A_348, %mul3A_381 : vector<16xf32>
        %get3A_383 = arith.index_cast %add3A_364 : i32 to index
        %get3A_384 = arith.constant 144 : index
        %get3A_385 = tpu.vector_load %arg8[%get3A_383, %get3A_384] {strides = array<i32>} : memref<128x256xf32, #tpu.memory_space<vmem>>, vector<1x16xf32>,
        %get3A_386 = vector.shape_cast %get3A_385 : vector<1x16xf32> to vector<16xf32>
        %add3A_387 = arith.addf %add3A_382, %get3A_386 : vector<16xf32>
        %get3A_388 = arith.index_cast %add3A_364 : i32 to index
        %get3A_389 = arith.constant 32 : index
        %get3A_390 = tpu.vector_load %arg8[%get3A_388, %get3A_389] {strides = array<i32>} : memref<128x256xf32, #tpu.memory_space<vmem>>, vector<1x16xf32>,
        %get3A_391 = vector.shape_cast %get3A_390 : vector<1x16xf32> to vector<16xf32>
        %mul3A_392 = arith.mulf %broadcast_in_dim3A_365, %get3A_391 : vector<16xf32>
        %add3A_393 = arith.addf %scan3A_349, %mul3A_392 : vector<16xf32>
        %get3A_394 = arith.index_cast %add3A_364 : i32 to index
        %get3A_395 = arith.constant 160 : index
        %get3A_396 = tpu.vector_load %arg8[%get3A_394, %get3A_395] {strides = array<i32>} : memref<128x256xf32, #tpu.memory_space<vmem>>, vector<1x16xf32>,
        %get3A_397 = vector.shape_cast %get3A_396 : vector<1x16xf32> to vector<16xf32>
        %add3A_398 = arith.addf %add3A_393, %get3A_397 : vector<16xf32>
        %get3A_399 = arith.index_cast %add3A_364 : i32 to index
        %get3A_400 = arith.constant 48 : index
        %get3A_401 = tpu.vector_load %arg8[%get3A_399, %get3A_400] {strides = array<i32>} : memref<128x256xf32, #tpu.memory_space<vmem>>, vector<1x16xf32>,
        %get3A_402 = vector.shape_cast %get3A_401 : vector<1x16xf32> to vector<16xf32>
        %mul3A_403 = arith.mulf %broadcast_in_dim3A_365, %get3A_402 : vector<16xf32>
        %add3A_404 = arith.addf %scan3A_350, %mul3A_403 : vector<16xf32>
        %get3A_405 = arith.index_cast %add3A_364 : i32 to index
        %get3A_406 = arith.constant 176 : index
        %get3A_407 = tpu.vector_load %arg8[%get3A_405, %get3A_406] {strides = array<i32>} : memref<128x256xf32, #tpu.memory_space<vmem>>, vector<1x16xf32>,
        %get3A_408 = vector.shape_cast %get3A_407 : vector<1x16xf32> to vector<16xf32>
        %add3A_409 = arith.addf %add3A_404, %get3A_408 : vector<16xf32>
        %get3A_410 = arith.index_cast %add3A_364 : i32 to index
        %get3A_411 = arith.constant 64 : index
        %get3A_412 = tpu.vector_load %arg8[%get3A_410, %get3A_411] {strides = array<i32>} : memref<128x256xf32, #tpu.memory_space<vmem>>, vector<1x16xf32>,
        %get3A_413 = vector.shape_cast %get3A_412 : vector<1x16xf32> to vector<16xf32>
        %mul3A_414 = arith.mulf %broadcast_in_dim3A_365, %get3A_413 : vector<16xf32>
        %add3A_415 = arith.addf %scan3A_351, %mul3A_414 : vector<16xf32>
        %get3A_416 = arith.index_cast %add3A_364 : i32 to index
        %get3A_417 = arith.constant 192 : index
        %get3A_418 = tpu.vector_load %arg8[%get3A_416, %get3A_417] {strides = array<i32>} : memref<128x256xf32, #tpu.memory_space<vmem>>, vector<1x16xf32>,
        %get3A_419 = vector.shape_cast %get3A_418 : vector<1x16xf32> to vector<16xf32>
        %add3A_420 = arith.addf %add3A_415, %get3A_419 : vector<16xf32>
        %get3A_421 = arith.index_cast %add3A_364 : i32 to index
        %get3A_422 = arith.constant 80 : index
        %get3A_423 = tpu.vector_load %arg8[%get3A_421, %get3A_422] {strides = array<i32>} : memref<128x256xf32, #tpu.memory_space<vmem>>, vector<1x16xf32>,
        %get3A_424 = vector.shape_cast %get3A_423 : vector<1x16xf32> to vector<16xf32>
        %mul3A_425 = arith.mulf %broadcast_in_dim3A_365, %get3A_424 : vector<16xf32>
        %add3A_426 = arith.addf %scan3A_352, %mul3A_425 : vector<16xf32>
        %get3A_427 = arith.index_cast %add3A_364 : i32 to index
        %get3A_428 = arith.constant 208 : index
        %get3A_429 = tpu.vector_load %arg8[%get3A_427, %get3A_428] {strides = array<i32>} : memref<128x256xf32, #tpu.memory_space<vmem>>, vector<1x16xf32>,
        %get3A_430 = vector.shape_cast %get3A_429 : vector<1x16xf32> to vector<16xf32>
        %add3A_431 = arith.addf %add3A_426, %get3A_430 : vector<16xf32>
        %get3A_432 = arith.index_cast %add3A_364 : i32 to index
        %get3A_433 = arith.constant 96 : index
        %get3A_434 = tpu.vector_load %arg8[%get3A_432, %get3A_433] {strides = array<i32>} : memref<128x256xf32, #tpu.memory_space<vmem>>, vector<1x16xf32>,
        %get3A_435 = vector.shape_cast %get3A_434 : vector<1x16xf32> to vector<16xf32>
        %mul3A_436 = arith.mulf %broadcast_in_dim3A_365, %get3A_435 : vector<16xf32>
        %add3A_437 = arith.addf %scan3A_353, %mul3A_436 : vector<16xf32>
        %get3A_438 = arith.index_cast %add3A_364 : i32 to index
        %get3A_439 = arith.constant 224 : index
        %get3A_440 = tpu.vector_load %arg8[%get3A_438, %get3A_439] {strides = array<i32>} : memref<128x256xf32, #tpu.memory_space<vmem>>, vector<1x16xf32>,
        %get3A_441 = vector.shape_cast %get3A_440 : vector<1x16xf32> to vector<16xf32>
        %add3A_442 = arith.addf %add3A_437, %get3A_441 : vector<16xf32>
        %get3A_443 = arith.index_cast %add3A_364 : i32 to index
        %get3A_444 = arith.constant 112 : index
        %get3A_445 = tpu.vector_load %arg8[%get3A_443, %get3A_444] {strides = array<i32>} : memref<128x256xf32, #tpu.memory_space<vmem>>, vector<1x16xf32>,
        %get3A_446 = vector.shape_cast %get3A_445 : vector<1x16xf32> to vector<16xf32>
        %mul3A_447 = arith.mulf %broadcast_in_dim3A_365, %get3A_446 : vector<16xf32>
        %add3A_448 = arith.addf %scan3A_354, %mul3A_447 : vector<16xf32>
        %get3A_449 = arith.index_cast %add3A_364 : i32 to index
        %get3A_450 = arith.constant 240 : index
        %get3A_451 = tpu.vector_load %arg8[%get3A_449, %get3A_450] {strides = array<i32>} : memref<128x256xf32, #tpu.memory_space<vmem>>, vector<1x16xf32>,
        %get3A_452 = vector.shape_cast %get3A_451 : vector<1x16xf32> to vector<16xf32>
        %add3A_453 = arith.addf %add3A_448, %get3A_452 : vector<16xf32>
        %mul3A_454 = arith.constant 16 : i32
        %mul3A_455 = arith.muli %scan3A_346, %mul3A_454 : i32
        %add3A_456 = arith.constant 1 : i32
        %add3A_457 = arith.addi %mul3A_455, %add3A_456 : i32
        %slice3A_458 = vector.extract_strided_slice %get3A_360 {offsets = [1], sizes = [1], strides = [1]} : vector<16xf32> to vector<1xf32>
        %squeeze3A_459 = vector.extract %slice3A_458[0] : f32 from vector<1xf32>
        %broadcast_in_dim3A_460 = vector.broadcast %squeeze3A_459 : f32 to vector<16xf32>
        %get3A_461 = arith.index_cast %add3A_457 : i32 to index
        %get3A_462 = arith.constant 0 : index
        %get3A_463 = tpu.vector_load %arg8[%get3A_461, %get3A_462] {strides = array<i32>} : memref<128x256xf32, #tpu.memory_space<vmem>>, vector<1x16xf32>,
        %get3A_464 = vector.shape_cast %get3A_463 : vector<1x16xf32> to vector<16xf32>
        %mul3A_465 = arith.mulf %broadcast_in_dim3A_460, %get3A_464 : vector<16xf32>
        %add3A_466 = arith.addf %add3A_376, %mul3A_465 : vector<16xf32>
        %get3A_467 = arith.index_cast %add3A_457 : i32 to index
        %get3A_468 = arith.constant 128 : index
        %get3A_469 = tpu.vector_load %arg8[%get3A_467, %get3A_468] {strides = array<i32>} : memref<128x256xf32, #tpu.memory_space<vmem>>, vector<1x16xf32>,
        %get3A_470 = vector.shape_cast %get3A_469 : vector<1x16xf32> to vector<16xf32>
        %add3A_471 = arith.addf %add3A_466, %get3A_470 : vector<16xf32>
        %get3A_472 = arith.index_cast %add3A_457 : i32 to index
        %get3A_473 = arith.constant 16 : index
        %get3A_474 = tpu.vector_load %arg8[%get3A_472, %get3A_473] {strides = array<i32>} : memref<128x256xf32, #tpu.memory_space<vmem>>, vector<1x16xf32>,
        %get3A_475 = vector.shape_cast %get3A_474 : vector<1x16xf32> to vector<16xf32>
        %mul3A_476 = arith.mulf %broadcast_in_dim3A_460, %get3A_475 : vector<16xf32>
        %add3A_477 = arith.addf %add3A_387, %mul3A_476 : vector<16xf32>
        %get3A_478 = arith.index_cast %add3A_457 : i32 to index
        %get3A_479 = arith.constant 144 : index
        %get3A_480 = tpu.vector_load %arg8[%get3A_478, %get3A_479] {strides = array<i32>} : memref<128x256xf32, #tpu.memory_space<vmem>>, vector<1x16xf32>,
        %get3A_481 = vector.shape_cast %get3A_480 : vector<1x16xf32> to vector<16xf32>
        %add3A_482 = arith.addf %add3A_477, %get3A_481 : vector<16xf32>
        %get3A_483 = arith.index_cast %add3A_457 : i32 to index
        %get3A_484 = arith.constant 32 : index
        %get3A_485 = tpu.vector_load %arg8[%get3A_483, %get3A_484] {strides = array<i32>} : memref<128x256xf32, #tpu.memory_space<vmem>>, vector<1x16xf32>,
        %get3A_486 = vector.shape_cast %get3A_485 : vector<1x16xf32> to vector<16xf32>
        %mul3A_487 = arith.mulf %broadcast_in_dim3A_460, %get3A_486 : vector<16xf32>
        %add3A_488 = arith.addf %add3A_398, %mul3A_487 : vector<16xf32>
        %get3A_489 = arith.index_cast %add3A_457 : i32 to index
        %get3A_490 = arith.constant 160 : index
        %get3A_491 = tpu.vector_load %arg8[%get3A_489, %get3A_490] {strides = array<i32>} : memref<128x256xf32, #tpu.memory_space<vmem>>, vector<1x16xf32>,
        %get3A_492 = vector.shape_cast %get3A_491 : vector<1x16xf32> to vector<16xf32>
        %add3A_493 = arith.addf %add3A_488, %get3A_492 : vector<16xf32>
        %get3A_494 = arith.index_cast %add3A_457 : i32 to index
        %get3A_495 = arith.constant 48 : index
        %get3A_496 = tpu.vector_load %arg8[%get3A_494, %get3A_495] {strides = array<i32>} : memref<128x256xf32, #tpu.memory_space<vmem>>, vector<1x16xf32>,
        %get3A_497 = vector.shape_cast %get3A_496 : vector<1x16xf32> to vector<16xf32>
        %mul3A_498 = arith.mulf %broadcast_in_dim3A_460, %get3A_497 : vector<16xf32>
        %add3A_499 = arith.addf %add3A_409, %mul3A_498 : vector<16xf32>
        %get3A_500 = arith.index_cast %add3A_457 : i32 to index
        %get3A_501 = arith.constant 176 : index
        %get3A_502 = tpu.vector_load %arg8[%get3A_500, %get3A_501] {strides = array<i32>} : memref<128x256xf32, #tpu.memory_space<vmem>>, vector<1x16xf32>,
        %get3A_503 = vector.shape_cast %get3A_502 : vector<1x16xf32> to vector<16xf32>
        %add3A_504 = arith.addf %add3A_499, %get3A_503 : vector<16xf32>
        %get3A_505 = arith.index_cast %add3A_457 : i32 to index
        %get3A_506 = arith.constant 64 : index
        %get3A_507 = tpu.vector_load %arg8[%get3A_505, %get3A_506] {strides = array<i32>} : memref<128x256xf32, #tpu.memory_space<vmem>>, vector<1x16xf32>,
        %get3A_508 = vector.shape_cast %get3A_507 : vector<1x16xf32> to vector<16xf32>
        %mul3A_509 = arith.mulf %broadcast_in_dim3A_460, %get3A_508 : vector<16xf32>
        %add3A_510 = arith.addf %add3A_420, %mul3A_509 : vector<16xf32>
        %get3A_511 = arith.index_cast %add3A_457 : i32 to index
        %get3A_512 = arith.constant 192 : index
        %get3A_513 = tpu.vector_load %arg8[%get3A_511, %get3A_512] {strides = array<i32>} : memref<128x256xf32, #tpu.memory_space<vmem>>, vector<1x16xf32>,
        %get3A_514 = vector.shape_cast %get3A_513 : vector<1x16xf32> to vector<16xf32>
        %add3A_515 = arith.addf %add3A_510, %get3A_514 : vector<16xf32>
        %get3A_516 = arith.index_cast %add3A_457 : i32 to index
        %get3A_517 = arith.constant 80 : index
        %get3A_518 = tpu.vector_load %arg8[%get3A_516, %get3A_517] {strides = array<i32>} : memref<128x256xf32, #tpu.memory_space<vmem>>, vector<1x16xf32>,
        %get3A_519 = vector.shape_cast %get3A_518 : vector<1x16xf32> to vector<16xf32>
        %mul3A_520 = arith.mulf %broadcast_in_dim3A_460, %get3A_519 : vector<16xf32>
        %add3A_521 = arith.addf %add3A_431, %mul3A_520 : vector<16xf32>
        %get3A_522 = arith.index_cast %add3A_457 : i32 to index
        %get3A_523 = arith.constant 208 : index
        %get3A_524 = tpu.vector_load %arg8[%get3A_522, %get3A_523] {strides = array<i32>} : memref<128x256xf32, #tpu.memory_space<vmem>>, vector<1x16xf32>,
        %get3A_525 = vector.shape_cast %get3A_524 : vector<1x16xf32> to vector<16xf32>
        %add3A_526 = arith.addf %add3A_521, %get3A_525 : vector<16xf32>
        %get3A_527 = arith.index_cast %add3A_457 : i32 to index
        %get3A_528 = arith.constant 96 : index
        %get3A_529 = tpu.vector_load %arg8[%get3A_527, %get3A_528] {strides = array<i32>} : memref<128x256xf32, #tpu.memory_space<vmem>>, vector<1x16xf32>,
        %get3A_530 = vector.shape_cast %get3A_529 : vector<1x16xf32> to vector<16xf32>
        %mul3A_531 = arith.mulf %broadcast_in_dim3A_460, %get3A_530 : vector<16xf32>
        %add3A_532 = arith.addf %add3A_442, %mul3A_531 : vector<16xf32>
        %get3A_533 = arith.index_cast %add3A_457 : i32 to index
        %get3A_534 = arith.constant 224 : index
        %get3A_535 = tpu.vector_load %arg8[%get3A_533, %get3A_534] {strides = array<i32>} : memref<128x256xf32, #tpu.memory_space<vmem>>, vector<1x16xf32>,
        %get3A_536 = vector.shape_cast %get3A_535 : vector<1x16xf32> to vector<16xf32>
        %add3A_537 = arith.addf %add3A_532, %get3A_536 : vector<16xf32>
        %get3A_538 = arith.index_cast %add3A_457 : i32 to index
        %get3A_539 = arith.constant 112 : index
        %get3A_540 = tpu.vector_load %arg8[%get3A_538, %get3A_539] {strides = array<i32>} : memref<128x256xf32, #tpu.memory_space<vmem>>, vector<1x16xf32>,
        %get3A_541 = vector.shape_cast %get3A_540 : vector<1x16xf32> to vector<16xf32>
        %mul3A_542 = arith.mulf %broadcast_in_dim3A_460, %get3A_541 : vector<16xf32>
        %add3A_543 = arith.addf %add3A_453, %mul3A_542 : vector<16xf32>
        %get3A_544 = arith.index_cast %add3A_457 : i32 to index
        %get3A_545 = arith.constant 240 : index
        %get3A_546 = tpu.vector_load %arg8[%get3A_544, %get3A_545] {strides = array<i32>} : memref<128x256xf32, #tpu.memory_space<vmem>>, vector<1x16xf32>,
        %get3A_547 = vector.shape_cast %get3A_546 : vector<1x16xf32> to vector<16xf32>
        %add3A_548 = arith.addf %add3A_543, %get3A_547 : vector<16xf32>
        %mul3A_549 = arith.constant 16 : i32
        %mul3A_550 = arith.muli %scan3A_346, %mul3A_549 : i32
        %add3A_551 = arith.constant 2 : i32
        %add3A_552 = arith.addi %mul3A_550, %add3A_551 : i32
        %slice3A_553 = vector.extract_strided_slice %get3A_360 {offsets = [2], sizes = [1], strides = [1]} : vector<16xf32> to vector<1xf32>
        %squeeze3A_554 = vector.extract %slice3A_553[0] : f32 from vector<1xf32>
        %broadcast_in_dim3A_555 = vector.broadcast %squeeze3A_554 : f32 to vector<16xf32>
        %get3A_556 = arith.index_cast %add3A_552 : i32 to index
        %get3A_557 = arith.constant 0 : index
        %get3A_558 = tpu.vector_load %arg8[%get3A_556, %get3A_557] {strides = array<i32>} : memref<128x256xf32, #tpu.memory_space<vmem>>, vector<1x16xf32>,
        %get3A_559 = vector.shape_cast %get3A_558 : vector<1x16xf32> to vector<16xf32>
        %mul3A_560 = arith.mulf %broadcast_in_dim3A_555, %get3A_559 : vector<16xf32>
        %add3A_561 = arith.addf %add3A_471, %mul3A_560 : vector<16xf32>
        %get3A_562 = arith.index_cast %add3A_552 : i32 to index
        %get3A_563 = arith.constant 128 : index
        %get3A_564 = tpu.vector_load %arg8[%get3A_562, %get3A_563] {strides = array<i32>} : memref<128x256xf32, #tpu.memory_space<vmem>>, vector<1x16xf32>,
        %get3A_565 = vector.shape_cast %get3A_564 : vector<1x16xf32> to vector<16xf32>
        %add3A_566 = arith.addf %add3A_561, %get3A_565 : vector<16xf32>
        %get3A_567 = arith.index_cast %add3A_552 : i32 to index
        %get3A_568 = arith.constant 16 : index
        %get3A_569 = tpu.vector_load %arg8[%get3A_567, %get3A_568] {strides = array<i32>} : memref<128x256xf32, #tpu.memory_space<vmem>>, vector<1x16xf32>,
        %get3A_570 = vector.shape_cast %get3A_569 : vector<1x16xf32> to vector<16xf32>
        %mul3A_571 = arith.mulf %broadcast_in_dim3A_555, %get3A_570 : vector<16xf32>
        %add3A_572 = arith.addf %add3A_482, %mul3A_571 : vector<16xf32>
        %get3A_573 = arith.index_cast %add3A_552 : i32 to index
        %get3A_574 = arith.constant 144 : index
        %get3A_575 = tpu.vector_load %arg8[%get3A_573, %get3A_574] {strides = array<i32>} : memref<128x256xf32, #tpu.memory_space<vmem>>, vector<1x16xf32>,
        %get3A_576 = vector.shape_cast %get3A_575 : vector<1x16xf32> to vector<16xf32>
        %add3A_577 = arith.addf %add3A_572, %get3A_576 : vector<16xf32>
        %get3A_578 = arith.index_cast %add3A_552 : i32 to index
        %get3A_579 = arith.constant 32 : index
        %get3A_580 = tpu.vector_load %arg8[%get3A_578, %get3A_579] {strides = array<i32>} : memref<128x256xf32, #tpu.memory_space<vmem>>, vector<1x16xf32>,
        %get3A_581 = vector.shape_cast %get3A_580 : vector<1x16xf32> to vector<16xf32>
        %mul3A_582 = arith.mulf %broadcast_in_dim3A_555, %get3A_581 : vector<16xf32>
        %add3A_583 = arith.addf %add3A_493, %mul3A_582 : vector<16xf32>
        %get3A_584 = arith.index_cast %add3A_552 : i32 to index
        %get3A_585 = arith.constant 160 : index
        %get3A_586 = tpu.vector_load %arg8[%get3A_584, %get3A_585] {strides = array<i32>} : memref<128x256xf32, #tpu.memory_space<vmem>>, vector<1x16xf32>,
        %get3A_587 = vector.shape_cast %get3A_586 : vector<1x16xf32> to vector<16xf32>
        %add3A_588 = arith.addf %add3A_583, %get3A_587 : vector<16xf32>
        %get3A_589 = arith.index_cast %add3A_552 : i32 to index
        %get3A_590 = arith.constant 48 : index
        %get3A_591 = tpu.vector_load %arg8[%get3A_589, %get3A_590] {strides = array<i32>} : memref<128x256xf32, #tpu.memory_space<vmem>>, vector<1x16xf32>,
        %get3A_592 = vector.shape_cast %get3A_591 : vector<1x16xf32> to vector<16xf32>
        %mul3A_593 = arith.mulf %broadcast_in_dim3A_555, %get3A_592 : vector<16xf32>
        %add3A_594 = arith.addf %add3A_504, %mul3A_593 : vector<16xf32>
        %get3A_595 = arith.index_cast %add3A_552 : i32 to index
        %get3A_596 = arith.constant 176 : index
        %get3A_597 = tpu.vector_load %arg8[%get3A_595, %get3A_596] {strides = array<i32>} : memref<128x256xf32, #tpu.memory_space<vmem>>, vector<1x16xf32>,
        %get3A_598 = vector.shape_cast %get3A_597 : vector<1x16xf32> to vector<16xf32>
        %add3A_599 = arith.addf %add3A_594, %get3A_598 : vector<16xf32>
        %get3A_600 = arith.index_cast %add3A_552 : i32 to index
        %get3A_601 = arith.constant 64 : index
        %get3A_602 = tpu.vector_load %arg8[%get3A_600, %get3A_601] {strides = array<i32>} : memref<128x256xf32, #tpu.memory_space<vmem>>, vector<1x16xf32>,
        %get3A_603 = vector.shape_cast %get3A_602 : vector<1x16xf32> to vector<16xf32>
        %mul3A_604 = arith.mulf %broadcast_in_dim3A_555, %get3A_603 : vector<16xf32>
        %add3A_605 = arith.addf %add3A_515, %mul3A_604 : vector<16xf32>
        %get3A_606 = arith.index_cast %add3A_552 : i32 to index
        %get3A_607 = arith.constant 192 : index
        %get3A_608 = tpu.vector_load %arg8[%get3A_606, %get3A_607] {strides = array<i32>} : memref<128x256xf32, #tpu.memory_space<vmem>>, vector<1x16xf32>,
        %get3A_609 = vector.shape_cast %get3A_608 : vector<1x16xf32> to vector<16xf32>
        %add3A_610 = arith.addf %add3A_605, %get3A_609 : vector<16xf32>
        %get3A_611 = arith.index_cast %add3A_552 : i32 to index
        %get3A_612 = arith.constant 80 : index
        %get3A_613 = tpu.vector_load %arg8[%get3A_611, %get3A_612] {strides = array<i32>} : memref<128x256xf32, #tpu.memory_space<vmem>>, vector<1x16xf32>,
        %get3A_614 = vector.shape_cast %get3A_613 : vector<1x16xf32> to vector<16xf32>
        %mul3A_615 = arith.mulf %broadcast_in_dim3A_555, %get3A_614 : vector<16xf32>
        %add3A_616 = arith.addf %add3A_526, %mul3A_615 : vector<16xf32>
        %get3A_617 = arith.index_cast %add3A_552 : i32 to index
        %get3A_618 = arith.constant 208 : index
        %get3A_619 = tpu.vector_load %arg8[%get3A_617, %get3A_618] {strides = array<i32>} : memref<128x256xf32, #tpu.memory_space<vmem>>, vector<1x16xf32>,
        %get3A_620 = vector.shape_cast %get3A_619 : vector<1x16xf32> to vector<16xf32>
        %add3A_621 = arith.addf %add3A_616, %get3A_620 : vector<16xf32>
        %get3A_622 = arith.index_cast %add3A_552 : i32 to index
        %get3A_623 = arith.constant 96 : index
        %get3A_624 = tpu.vector_load %arg8[%get3A_622, %get3A_623] {strides = array<i32>} : memref<128x256xf32, #tpu.memory_space<vmem>>, vector<1x16xf32>,
        %get3A_625 = vector.shape_cast %get3A_624 : vector<1x16xf32> to vector<16xf32>
        %mul3A_626 = arith.mulf %broadcast_in_dim3A_555, %get3A_625 : vector<16xf32>
        %add3A_627 = arith.addf %add3A_537, %mul3A_626 : vector<16xf32>
        %get3A_628 = arith.index_cast %add3A_552 : i32 to index
        %get3A_629 = arith.constant 224 : index
        %get3A_630 = tpu.vector_load %arg8[%get3A_628, %get3A_629] {strides = array<i32>} : memref<128x256xf32, #tpu.memory_space<vmem>>, vector<1x16xf32>,
        %get3A_631 = vector.shape_cast %get3A_630 : vector<1x16xf32> to vector<16xf32>
        %add3A_632 = arith.addf %add3A_627, %get3A_631 : vector<16xf32>
        %get3A_633 = arith.index_cast %add3A_552 : i32 to index
        %get3A_634 = arith.constant 112 : index
        %get3A_635 = tpu.vector_load %arg8[%get3A_633, %get3A_634] {strides = array<i32>} : memref<128x256xf32, #tpu.memory_space<vmem>>, vector<1x16xf32>,
        %get3A_636 = vector.shape_cast %get3A_635 : vector<1x16xf32> to vector<16xf32>
        %mul3A_637 = arith.mulf %broadcast_in_dim3A_555, %get3A_636 : vector<16xf32>
        %add3A_638 = arith.addf %add3A_548, %mul3A_637 : vector<16xf32>
        %get3A_639 = arith.index_cast %add3A_552 : i32 to index
        %get3A_640 = arith.constant 240 : index
        %get3A_641 = tpu.vector_load %arg8[%get3A_639, %get3A_640] {strides = array<i32>} : memref<128x256xf32, #tpu.memory_space<vmem>>, vector<1x16xf32>,
        %get3A_642 = vector.shape_cast %get3A_641 : vector<1x16xf32> to vector<16xf32>
        %add3A_643 = arith.addf %add3A_638, %get3A_642 : vector<16xf32>
        %mul3A_644 = arith.constant 16 : i32
        %mul3A_645 = arith.muli %scan3A_346, %mul3A_644 : i32
        %add3A_646 = arith.constant 3 : i32
        %add3A_647 = arith.addi %mul3A_645, %add3A_646 : i32
        %slice3A_648 = vector.extract_strided_slice %get3A_360 {offsets = [3], sizes = [1], strides = [1]} : vector<16xf32> to vector<1xf32>
        %squeeze3A_649 = vector.extract %slice3A_648[0] : f32 from vector<1xf32>
        %broadcast_in_dim3A_650 = vector.broadcast %squeeze3A_649 : f32 to vector<16xf32>
        %get3A_651 = arith.index_cast %add3A_647 : i32 to index
        %get3A_652 = arith.constant 0 : index
        %get3A_653 = tpu.vector_load %arg8[%get3A_651, %get3A_652] {strides = array<i32>} : memref<128x256xf32, #tpu.memory_space<vmem>>, vector<1x16xf32>,
        %get3A_654 = vector.shape_cast %get3A_653 : vector<1x16xf32> to vector<16xf32>
        %mul3A_655 = arith.mulf %broadcast_in_dim3A_650, %get3A_654 : vector<16xf32>
        %add3A_656 = arith.addf %add3A_566, %mul3A_655 : vector<16xf32>
        %get3A_657 = arith.index_cast %add3A_647 : i32 to index
        %get3A_658 = arith.constant 128 : index
        %get3A_659 = tpu.vector_load %arg8[%get3A_657, %get3A_658] {strides = array<i32>} : memref<128x256xf32, #tpu.memory_space<vmem>>, vector<1x16xf32>,
        %get3A_660 = vector.shape_cast %get3A_659 : vector<1x16xf32> to vector<16xf32>
        %add3A_661 = arith.addf %add3A_656, %get3A_660 : vector<16xf32>
        %get3A_662 = arith.index_cast %add3A_647 : i32 to index
        %get3A_663 = arith.constant 16 : index
        %get3A_664 = tpu.vector_load %arg8[%get3A_662, %get3A_663] {strides = array<i32>} : memref<128x256xf32, #tpu.memory_space<vmem>>, vector<1x16xf32>,
        %get3A_665 = vector.shape_cast %get3A_664 : vector<1x16xf32> to vector<16xf32>
        %mul3A_666 = arith.mulf %broadcast_in_dim3A_650, %get3A_665 : vector<16xf32>
        %add3A_667 = arith.addf %add3A_577, %mul3A_666 : vector<16xf32>
        %get3A_668 = arith.index_cast %add3A_647 : i32 to index
        %get3A_669 = arith.constant 144 : index
        %get3A_670 = tpu.vector_load %arg8[%get3A_668, %get3A_669] {strides = array<i32>} : memref<128x256xf32, #tpu.memory_space<vmem>>, vector<1x16xf32>,
        %get3A_671 = vector.shape_cast %get3A_670 : vector<1x16xf32> to vector<16xf32>
        %add3A_672 = arith.addf %add3A_667, %get3A_671 : vector<16xf32>
        %get3A_673 = arith.index_cast %add3A_647 : i32 to index
        %get3A_674 = arith.constant 32 : index
        %get3A_675 = tpu.vector_load %arg8[%get3A_673, %get3A_674] {strides = array<i32>} : memref<128x256xf32, #tpu.memory_space<vmem>>, vector<1x16xf32>,
        %get3A_676 = vector.shape_cast %get3A_675 : vector<1x16xf32> to vector<16xf32>
        %mul3A_677 = arith.mulf %broadcast_in_dim3A_650, %get3A_676 : vector<16xf32>
        %add3A_678 = arith.addf %add3A_588, %mul3A_677 : vector<16xf32>
        %get3A_679 = arith.index_cast %add3A_647 : i32 to index
        %get3A_680 = arith.constant 160 : index
        %get3A_681 = tpu.vector_load %arg8[%get3A_679, %get3A_680] {strides = array<i32>} : memref<128x256xf32, #tpu.memory_space<vmem>>, vector<1x16xf32>,
        %get3A_682 = vector.shape_cast %get3A_681 : vector<1x16xf32> to vector<16xf32>
        %add3A_683 = arith.addf %add3A_678, %get3A_682 : vector<16xf32>
        %get3A_684 = arith.index_cast %add3A_647 : i32 to index
        %get3A_685 = arith.constant 48 : index
        %get3A_686 = tpu.vector_load %arg8[%get3A_684, %get3A_685] {strides = array<i32>} : memref<128x256xf32, #tpu.memory_space<vmem>>, vector<1x16xf32>,
        %get3A_687 = vector.shape_cast %get3A_686 : vector<1x16xf32> to vector<16xf32>
        %mul3A_688 = arith.mulf %broadcast_in_dim3A_650, %get3A_687 : vector<16xf32>
        %add3A_689 = arith.addf %add3A_599, %mul3A_688 : vector<16xf32>
        %get3A_690 = arith.index_cast %add3A_647 : i32 to index
        %get3A_691 = arith.constant 176 : index
        %get3A_692 = tpu.vector_load %arg8[%get3A_690, %get3A_691] {strides = array<i32>} : memref<128x256xf32, #tpu.memory_space<vmem>>, vector<1x16xf32>,
        %get3A_693 = vector.shape_cast %get3A_692 : vector<1x16xf32> to vector<16xf32>
        %add3A_694 = arith.addf %add3A_689, %get3A_693 : vector<16xf32>
        %get3A_695 = arith.index_cast %add3A_647 : i32 to index
        %get3A_696 = arith.constant 64 : index
        %get3A_697 = tpu.vector_load %arg8[%get3A_695, %get3A_696] {strides = array<i32>} : memref<128x256xf32, #tpu.memory_space<vmem>>, vector<1x16xf32>,
        %get3A_698 = vector.shape_cast %get3A_697 : vector<1x16xf32> to vector<16xf32>
        %mul3A_699 = arith.mulf %broadcast_in_dim3A_650, %get3A_698 : vector<16xf32>
        %add3A_700 = arith.addf %add3A_610, %mul3A_699 : vector<16xf32>
        %get3A_701 = arith.index_cast %add3A_647 : i32 to index
        %get3A_702 = arith.constant 192 : index
        %get3A_703 = tpu.vector_load %arg8[%get3A_701, %get3A_702] {strides = array<i32>} : memref<128x256xf32, #tpu.memory_space<vmem>>, vector<1x16xf32>,
        %get3A_704 = vector.shape_cast %get3A_703 : vector<1x16xf32> to vector<16xf32>
        %add3A_705 = arith.addf %add3A_700, %get3A_704 : vector<16xf32>
        %get3A_706 = arith.index_cast %add3A_647 : i32 to index
        %get3A_707 = arith.constant 80 : index
        %get3A_708 = tpu.vector_load %arg8[%get3A_706, %get3A_707] {strides = array<i32>} : memref<128x256xf32, #tpu.memory_space<vmem>>, vector<1x16xf32>,
        %get3A_709 = vector.shape_cast %get3A_708 : vector<1x16xf32> to vector<16xf32>
        %mul3A_710 = arith.mulf %broadcast_in_dim3A_650, %get3A_709 : vector<16xf32>
        %add3A_711 = arith.addf %add3A_621, %mul3A_710 : vector<16xf32>
        %get3A_712 = arith.index_cast %add3A_647 : i32 to index
        %get3A_713 = arith.constant 208 : index
        %get3A_714 = tpu.vector_load %arg8[%get3A_712, %get3A_713] {strides = array<i32>} : memref<128x256xf32, #tpu.memory_space<vmem>>, vector<1x16xf32>,
        %get3A_715 = vector.shape_cast %get3A_714 : vector<1x16xf32> to vector<16xf32>
        %add3A_716 = arith.addf %add3A_711, %get3A_715 : vector<16xf32>
        %get3A_717 = arith.index_cast %add3A_647 : i32 to index
        %get3A_718 = arith.constant 96 : index
        %get3A_719 = tpu.vector_load %arg8[%get3A_717, %get3A_718] {strides = array<i32>} : memref<128x256xf32, #tpu.memory_space<vmem>>, vector<1x16xf32>,
        %get3A_720 = vector.shape_cast %get3A_719 : vector<1x16xf32> to vector<16xf32>
        %mul3A_721 = arith.mulf %broadcast_in_dim3A_650, %get3A_720 : vector<16xf32>
        %add3A_722 = arith.addf %add3A_632, %mul3A_721 : vector<16xf32>
        %get3A_723 = arith.index_cast %add3A_647 : i32 to index
        %get3A_724 = arith.constant 224 : index
        %get3A_725 = tpu.vector_load %arg8[%get3A_723, %get3A_724] {strides = array<i32>} : memref<128x256xf32, #tpu.memory_space<vmem>>, vector<1x16xf32>,
        %get3A_726 = vector.shape_cast %get3A_725 : vector<1x16xf32> to vector<16xf32>
        %add3A_727 = arith.addf %add3A_722, %get3A_726 : vector<16xf32>
        %get3A_728 = arith.index_cast %add3A_647 : i32 to index
        %get3A_729 = arith.constant 112 : index
        %get3A_730 = tpu.vector_load %arg8[%get3A_728, %get3A_729] {strides = array<i32>} : memref<128x256xf32, #tpu.memory_space<vmem>>, vector<1x16xf32>,
        %get3A_731 = vector.shape_cast %get3A_730 : vector<1x16xf32> to vector<16xf32>
        %mul3A_732 = arith.mulf %broadcast_in_dim3A_650, %get3A_731 : vector<16xf32>
        %add3A_733 = arith.addf %add3A_643, %mul3A_732 : vector<16xf32>
        %get3A_734 = arith.index_cast %add3A_647 : i32 to index
        %get3A_735 = arith.constant 240 : index
        %get3A_736 = tpu.vector_load %arg8[%get3A_734, %get3A_735] {strides = array<i32>} : memref<128x256xf32, #tpu.memory_space<vmem>>, vector<1x16xf32>,
        %get3A_737 = vector.shape_cast %get3A_736 : vector<1x16xf32> to vector<16xf32>
        %add3A_738 = arith.addf %add3A_733, %get3A_737 : vector<16xf32>
        %mul3A_739 = arith.constant 16 : i32
        %mul3A_740 = arith.muli %scan3A_346, %mul3A_739 : i32
        %add3A_741 = arith.constant 4 : i32
        %add3A_742 = arith.addi %mul3A_740, %add3A_741 : i32
        %slice3A_743 = vector.extract_strided_slice %get3A_360 {offsets = [4], sizes = [1], strides = [1]} : vector<16xf32> to vector<1xf32>
        %squeeze3A_744 = vector.extract %slice3A_743[0] : f32 from vector<1xf32>
        %broadcast_in_dim3A_745 = vector.broadcast %squeeze3A_744 : f32 to vector<16xf32>
        %get3A_746 = arith.index_cast %add3A_742 : i32 to index
        %get3A_747 = arith.constant 0 : index
        %get3A_748 = tpu.vector_load %arg8[%get3A_746, %get3A_747] {strides = array<i32>} : memref<128x256xf32, #tpu.memory_space<vmem>>, vector<1x16xf32>,
        %get3A_749 = vector.shape_cast %get3A_748 : vector<1x16xf32> to vector<16xf32>
        %mul3A_750 = arith.mulf %broadcast_in_dim3A_745, %get3A_749 : vector<16xf32>
        %add3A_751 = arith.addf %add3A_661, %mul3A_750 : vector<16xf32>
        %get3A_752 = arith.index_cast %add3A_742 : i32 to index
        %get3A_753 = arith.constant 128 : index
        %get3A_754 = tpu.vector_load %arg8[%get3A_752, %get3A_753] {strides = array<i32>} : memref<128x256xf32, #tpu.memory_space<vmem>>, vector<1x16xf32>,
        %get3A_755 = vector.shape_cast %get3A_754 : vector<1x16xf32> to vector<16xf32>
        %add3A_756 = arith.addf %add3A_751, %get3A_755 : vector<16xf32>
        %get3A_757 = arith.index_cast %add3A_742 : i32 to index
        %get3A_758 = arith.constant 16 : index
        %get3A_759 = tpu.vector_load %arg8[%get3A_757, %get3A_758] {strides = array<i32>} : memref<128x256xf32, #tpu.memory_space<vmem>>, vector<1x16xf32>,
        %get3A_760 = vector.shape_cast %get3A_759 : vector<1x16xf32> to vector<16xf32>
        %mul3A_761 = arith.mulf %broadcast_in_dim3A_745, %get3A_760 : vector<16xf32>
        %add3A_762 = arith.addf %add3A_672, %mul3A_761 : vector<16xf32>
        %get3A_763 = arith.index_cast %add3A_742 : i32 to index
        %get3A_764 = arith.constant 144 : index
        %get3A_765 = tpu.vector_load %arg8[%get3A_763, %get3A_764] {strides = array<i32>} : memref<128x256xf32, #tpu.memory_space<vmem>>, vector<1x16xf32>,
        %get3A_766 = vector.shape_cast %get3A_765 : vector<1x16xf32> to vector<16xf32>
        %add3A_767 = arith.addf %add3A_762, %get3A_766 : vector<16xf32>
        %get3A_768 = arith.index_cast %add3A_742 : i32 to index
        %get3A_769 = arith.constant 32 : index
        %get3A_770 = tpu.vector_load %arg8[%get3A_768, %get3A_769] {strides = array<i32>} : memref<128x256xf32, #tpu.memory_space<vmem>>, vector<1x16xf32>,
        %get3A_771 = vector.shape_cast %get3A_770 : vector<1x16xf32> to vector<16xf32>
        %mul3A_772 = arith.mulf %broadcast_in_dim3A_745, %get3A_771 : vector<16xf32>
        %add3A_773 = arith.addf %add3A_683, %mul3A_772 : vector<16xf32>
        %get3A_774 = arith.index_cast %add3A_742 : i32 to index
        %get3A_775 = arith.constant 160 : index
        %get3A_776 = tpu.vector_load %arg8[%get3A_774, %get3A_775] {strides = array<i32>} : memref<128x256xf32, #tpu.memory_space<vmem>>, vector<1x16xf32>,
        %get3A_777 = vector.shape_cast %get3A_776 : vector<1x16xf32> to vector<16xf32>
        %add3A_778 = arith.addf %add3A_773, %get3A_777 : vector<16xf32>
        %get3A_779 = arith.index_cast %add3A_742 : i32 to index
        %get3A_780 = arith.constant 48 : index
        %get3A_781 = tpu.vector_load %arg8[%get3A_779, %get3A_780] {strides = array<i32>} : memref<128x256xf32, #tpu.memory_space<vmem>>, vector<1x16xf32>,
        %get3A_782 = vector.shape_cast %get3A_781 : vector<1x16xf32> to vector<16xf32>
        %mul3A_783 = arith.mulf %broadcast_in_dim3A_745, %get3A_782 : vector<16xf32>
        %add3A_784 = arith.addf %add3A_694, %mul3A_783 : vector<16xf32>
        %get3A_785 = arith.index_cast %add3A_742 : i32 to index
        %get3A_786 = arith.constant 176 : index
        %get3A_787 = tpu.vector_load %arg8[%get3A_785, %get3A_786] {strides = array<i32>} : memref<128x256xf32, #tpu.memory_space<vmem>>, vector<1x16xf32>,
        %get3A_788 = vector.shape_cast %get3A_787 : vector<1x16xf32> to vector<16xf32>
        %add3A_789 = arith.addf %add3A_784, %get3A_788 : vector<16xf32>
        %get3A_790 = arith.index_cast %add3A_742 : i32 to index
        %get3A_791 = arith.constant 64 : index
        %get3A_792 = tpu.vector_load %arg8[%get3A_790, %get3A_791] {strides = array<i32>} : memref<128x256xf32, #tpu.memory_space<vmem>>, vector<1x16xf32>,
        %get3A_793 = vector.shape_cast %get3A_792 : vector<1x16xf32> to vector<16xf32>
        %mul3A_794 = arith.mulf %broadcast_in_dim3A_745, %get3A_793 : vector<16xf32>
        %add3A_795 = arith.addf %add3A_705, %mul3A_794 : vector<16xf32>
        %get3A_796 = arith.index_cast %add3A_742 : i32 to index
        %get3A_797 = arith.constant 192 : index
        %get3A_798 = tpu.vector_load %arg8[%get3A_796, %get3A_797] {strides = array<i32>} : memref<128x256xf32, #tpu.memory_space<vmem>>, vector<1x16xf32>,
        %get3A_799 = vector.shape_cast %get3A_798 : vector<1x16xf32> to vector<16xf32>
        %add3A_800 = arith.addf %add3A_795, %get3A_799 : vector<16xf32>
        %get3A_801 = arith.index_cast %add3A_742 : i32 to index
        %get3A_802 = arith.constant 80 : index
        %get3A_803 = tpu.vector_load %arg8[%get3A_801, %get3A_802] {strides = array<i32>} : memref<128x256xf32, #tpu.memory_space<vmem>>, vector<1x16xf32>,
        %get3A_804 = vector.shape_cast %get3A_803 : vector<1x16xf32> to vector<16xf32>
        %mul3A_805 = arith.mulf %broadcast_in_dim3A_745, %get3A_804 : vector<16xf32>
        %add3A_806 = arith.addf %add3A_716, %mul3A_805 : vector<16xf32>
        %get3A_807 = arith.index_cast %add3A_742 : i32 to index
        %get3A_808 = arith.constant 208 : index
        %get3A_809 = tpu.vector_load %arg8[%get3A_807, %get3A_808] {strides = array<i32>} : memref<128x256xf32, #tpu.memory_space<vmem>>, vector<1x16xf32>,
        %get3A_810 = vector.shape_cast %get3A_809 : vector<1x16xf32> to vector<16xf32>
        %add3A_811 = arith.addf %add3A_806, %get3A_810 : vector<16xf32>
        %get3A_812 = arith.index_cast %add3A_742 : i32 to index
        %get3A_813 = arith.constant 96 : index
        %get3A_814 = tpu.vector_load %arg8[%get3A_812, %get3A_813] {strides = array<i32>} : memref<128x256xf32, #tpu.memory_space<vmem>>, vector<1x16xf32>,
        %get3A_815 = vector.shape_cast %get3A_814 : vector<1x16xf32> to vector<16xf32>
        %mul3A_816 = arith.mulf %broadcast_in_dim3A_745, %get3A_815 : vector<16xf32>
        %add3A_817 = arith.addf %add3A_727, %mul3A_816 : vector<16xf32>
        %get3A_818 = arith.index_cast %add3A_742 : i32 to index
        %get3A_819 = arith.constant 224 : index
        %get3A_820 = tpu.vector_load %arg8[%get3A_818, %get3A_819] {strides = array<i32>} : memref<128x256xf32, #tpu.memory_space<vmem>>, vector<1x16xf32>,
        %get3A_821 = vector.shape_cast %get3A_820 : vector<1x16xf32> to vector<16xf32>
        %add3A_822 = arith.addf %add3A_817, %get3A_821 : vector<16xf32>
        %get3A_823 = arith.index_cast %add3A_742 : i32 to index
        %get3A_824 = arith.constant 112 : index
        %get3A_825 = tpu.vector_load %arg8[%get3A_823, %get3A_824] {strides = array<i32>} : memref<128x256xf32, #tpu.memory_space<vmem>>, vector<1x16xf32>,
        %get3A_826 = vector.shape_cast %get3A_825 : vector<1x16xf32> to vector<16xf32>
        %mul3A_827 = arith.mulf %broadcast_in_dim3A_745, %get3A_826 : vector<16xf32>
        %add3A_828 = arith.addf %add3A_738, %mul3A_827 : vector<16xf32>
        %get3A_829 = arith.index_cast %add3A_742 : i32 to index
        %get3A_830 = arith.constant 240 : index
        %get3A_831 = tpu.vector_load %arg8[%get3A_829, %get3A_830] {strides = array<i32>} : memref<128x256xf32, #tpu.memory_space<vmem>>, vector<1x16xf32>,
        %get3A_832 = vector.shape_cast %get3A_831 : vector<1x16xf32> to vector<16xf32>
        %add3A_833 = arith.addf %add3A_828, %get3A_832 : vector<16xf32>
        %mul3A_834 = arith.constant 16 : i32
        %mul3A_835 = arith.muli %scan3A_346, %mul3A_834 : i32
        %add3A_836 = arith.constant 5 : i32
        %add3A_837 = arith.addi %mul3A_835, %add3A_836 : i32
        %slice3A_838 = vector.extract_strided_slice %get3A_360 {offsets = [5], sizes = [1], strides = [1]} : vector<16xf32> to vector<1xf32>
        %squeeze3A_839 = vector.extract %slice3A_838[0] : f32 from vector<1xf32>
        %broadcast_in_dim3A_840 = vector.broadcast %squeeze3A_839 : f32 to vector<16xf32>
        %get3A_841 = arith.index_cast %add3A_837 : i32 to index
        %get3A_842 = arith.constant 0 : index
        %get3A_843 = tpu.vector_load %arg8[%get3A_841, %get3A_842] {strides = array<i32>} : memref<128x256xf32, #tpu.memory_space<vmem>>, vector<1x16xf32>,
        %get3A_844 = vector.shape_cast %get3A_843 : vector<1x16xf32> to vector<16xf32>
        %mul3A_845 = arith.mulf %broadcast_in_dim3A_840, %get3A_844 : vector<16xf32>
        %add3A_846 = arith.addf %add3A_756, %mul3A_845 : vector<16xf32>
        %get3A_847 = arith.index_cast %add3A_837 : i32 to index
        %get3A_848 = arith.constant 128 : index
        %get3A_849 = tpu.vector_load %arg8[%get3A_847, %get3A_848] {strides = array<i32>} : memref<128x256xf32, #tpu.memory_space<vmem>>, vector<1x16xf32>,
        %get3A_850 = vector.shape_cast %get3A_849 : vector<1x16xf32> to vector<16xf32>
        %add3A_851 = arith.addf %add3A_846, %get3A_850 : vector<16xf32>
        %get3A_852 = arith.index_cast %add3A_837 : i32 to index
        %get3A_853 = arith.constant 16 : index
        %get3A_854 = tpu.vector_load %arg8[%get3A_852, %get3A_853] {strides = array<i32>} : memref<128x256xf32, #tpu.memory_space<vmem>>, vector<1x16xf32>,
        %get3A_855 = vector.shape_cast %get3A_854 : vector<1x16xf32> to vector<16xf32>
        %mul3A_856 = arith.mulf %broadcast_in_dim3A_840, %get3A_855 : vector<16xf32>
        %add3A_857 = arith.addf %add3A_767, %mul3A_856 : vector<16xf32>
        %get3A_858 = arith.index_cast %add3A_837 : i32 to index
        %get3A_859 = arith.constant 144 : index
        %get3A_860 = tpu.vector_load %arg8[%get3A_858, %get3A_859] {strides = array<i32>} : memref<128x256xf32, #tpu.memory_space<vmem>>, vector<1x16xf32>,
        %get3A_861 = vector.shape_cast %get3A_860 : vector<1x16xf32> to vector<16xf32>
        %add3A_862 = arith.addf %add3A_857, %get3A_861 : vector<16xf32>
        %get3A_863 = arith.index_cast %add3A_837 : i32 to index
        %get3A_864 = arith.constant 32 : index
        %get3A_865 = tpu.vector_load %arg8[%get3A_863, %get3A_864] {strides = array<i32>} : memref<128x256xf32, #tpu.memory_space<vmem>>, vector<1x16xf32>,
        %get3A_866 = vector.shape_cast %get3A_865 : vector<1x16xf32> to vector<16xf32>
        %mul3A_867 = arith.mulf %broadcast_in_dim3A_840, %get3A_866 : vector<16xf32>
        %add3A_868 = arith.addf %add3A_778, %mul3A_867 : vector<16xf32>
        %get3A_869 = arith.index_cast %add3A_837 : i32 to index
        %get3A_870 = arith.constant 160 : index
        %get3A_871 = tpu.vector_load %arg8[%get3A_869, %get3A_870] {strides = array<i32>} : memref<128x256xf32, #tpu.memory_space<vmem>>, vector<1x16xf32>,
        %get3A_872 = vector.shape_cast %get3A_871 : vector<1x16xf32> to vector<16xf32>
        %add3A_873 = arith.addf %add3A_868, %get3A_872 : vector<16xf32>
        %get3A_874 = arith.index_cast %add3A_837 : i32 to index
        %get3A_875 = arith.constant 48 : index
        %get3A_876 = tpu.vector_load %arg8[%get3A_874, %get3A_875] {strides = array<i32>} : memref<128x256xf32, #tpu.memory_space<vmem>>, vector<1x16xf32>,
        %get3A_877 = vector.shape_cast %get3A_876 : vector<1x16xf32> to vector<16xf32>
        %mul3A_878 = arith.mulf %broadcast_in_dim3A_840, %get3A_877 : vector<16xf32>
        %add3A_879 = arith.addf %add3A_789, %mul3A_878 : vector<16xf32>
        %get3A_880 = arith.index_cast %add3A_837 : i32 to index
        %get3A_881 = arith.constant 176 : index
        %get3A_882 = tpu.vector_load %arg8[%get3A_880, %get3A_881] {strides = array<i32>} : memref<128x256xf32, #tpu.memory_space<vmem>>, vector<1x16xf32>,
        %get3A_883 = vector.shape_cast %get3A_882 : vector<1x16xf32> to vector<16xf32>
        %add3A_884 = arith.addf %add3A_879, %get3A_883 : vector<16xf32>
        %get3A_885 = arith.index_cast %add3A_837 : i32 to index
        %get3A_886 = arith.constant 64 : index
        %get3A_887 = tpu.vector_load %arg8[%get3A_885, %get3A_886] {strides = array<i32>} : memref<128x256xf32, #tpu.memory_space<vmem>>, vector<1x16xf32>,
        %get3A_888 = vector.shape_cast %get3A_887 : vector<1x16xf32> to vector<16xf32>
        %mul3A_889 = arith.mulf %broadcast_in_dim3A_840, %get3A_888 : vector<16xf32>
        %add3A_890 = arith.addf %add3A_800, %mul3A_889 : vector<16xf32>
        %get3A_891 = arith.index_cast %add3A_837 : i32 to index
        %get3A_892 = arith.constant 192 : index
        %get3A_893 = tpu.vector_load %arg8[%get3A_891, %get3A_892] {strides = array<i32>} : memref<128x256xf32, #tpu.memory_space<vmem>>, vector<1x16xf32>,
        %get3A_894 = vector.shape_cast %get3A_893 : vector<1x16xf32> to vector<16xf32>
        %add3A_895 = arith.addf %add3A_890, %get3A_894 : vector<16xf32>
        %get3A_896 = arith.index_cast %add3A_837 : i32 to index
        %get3A_897 = arith.constant 80 : index
        %get3A_898 = tpu.vector_load %arg8[%get3A_896, %get3A_897] {strides = array<i32>} : memref<128x256xf32, #tpu.memory_space<vmem>>, vector<1x16xf32>,
        %get3A_899 = vector.shape_cast %get3A_898 : vector<1x16xf32> to vector<16xf32>
        %mul3A_900 = arith.mulf %broadcast_in_dim3A_840, %get3A_899 : vector<16xf32>
        %add3A_901 = arith.addf %add3A_811, %mul3A_900 : vector<16xf32>
        %get3A_902 = arith.index_cast %add3A_837 : i32 to index
        %get3A_903 = arith.constant 208 : index
        %get3A_904 = tpu.vector_load %arg8[%get3A_902, %get3A_903] {strides = array<i32>} : memref<128x256xf32, #tpu.memory_space<vmem>>, vector<1x16xf32>,
        %get3A_905 = vector.shape_cast %get3A_904 : vector<1x16xf32> to vector<16xf32>
        %add3A_906 = arith.addf %add3A_901, %get3A_905 : vector<16xf32>
        %get3A_907 = arith.index_cast %add3A_837 : i32 to index
        %get3A_908 = arith.constant 96 : index
        %get3A_909 = tpu.vector_load %arg8[%get3A_907, %get3A_908] {strides = array<i32>} : memref<128x256xf32, #tpu.memory_space<vmem>>, vector<1x16xf32>,
        %get3A_910 = vector.shape_cast %get3A_909 : vector<1x16xf32> to vector<16xf32>
        %mul3A_911 = arith.mulf %broadcast_in_dim3A_840, %get3A_910 : vector<16xf32>
        %add3A_912 = arith.addf %add3A_822, %mul3A_911 : vector<16xf32>
        %get3A_913 = arith.index_cast %add3A_837 : i32 to index
        %get3A_914 = arith.constant 224 : index
        %get3A_915 = tpu.vector_load %arg8[%get3A_913, %get3A_914] {strides = array<i32>} : memref<128x256xf32, #tpu.memory_space<vmem>>, vector<1x16xf32>,
        %get3A_916 = vector.shape_cast %get3A_915 : vector<1x16xf32> to vector<16xf32>
        %add3A_917 = arith.addf %add3A_912, %get3A_916 : vector<16xf32>
        %get3A_918 = arith.index_cast %add3A_837 : i32 to index
        %get3A_919 = arith.constant 112 : index
        %get3A_920 = tpu.vector_load %arg8[%get3A_918, %get3A_919] {strides = array<i32>} : memref<128x256xf32, #tpu.memory_space<vmem>>, vector<1x16xf32>,
        %get3A_921 = vector.shape_cast %get3A_920 : vector<1x16xf32> to vector<16xf32>
        %mul3A_922 = arith.mulf %broadcast_in_dim3A_840, %get3A_921 : vector<16xf32>
        %add3A_923 = arith.addf %add3A_833, %mul3A_922 : vector<16xf32>
        %get3A_924 = arith.index_cast %add3A_837 : i32 to index
        %get3A_925 = arith.constant 240 : index
        %get3A_926 = tpu.vector_load %arg8[%get3A_924, %get3A_925] {strides = array<i32>} : memref<128x256xf32, #tpu.memory_space<vmem>>, vector<1x16xf32>,
        %get3A_927 = vector.shape_cast %get3A_926 : vector<1x16xf32> to vector<16xf32>
        %add3A_928 = arith.addf %add3A_923, %get3A_927 : vector<16xf32>
        %mul3A_929 = arith.constant 16 : i32
        %mul3A_930 = arith.muli %scan3A_346, %mul3A_929 : i32
        %add3A_931 = arith.constant 6 : i32
        %add3A_932 = arith.addi %mul3A_930, %add3A_931 : i32
        %slice3A_933 = vector.extract_strided_slice %get3A_360 {offsets = [6], sizes = [1], strides = [1]} : vector<16xf32> to vector<1xf32>
        %squeeze3A_934 = vector.extract %slice3A_933[0] : f32 from vector<1xf32>
        %broadcast_in_dim3A_935 = vector.broadcast %squeeze3A_934 : f32 to vector<16xf32>
        %get3A_936 = arith.index_cast %add3A_932 : i32 to index
        %get3A_937 = arith.constant 0 : index
        %get3A_938 = tpu.vector_load %arg8[%get3A_936, %get3A_937] {strides = array<i32>} : memref<128x256xf32, #tpu.memory_space<vmem>>, vector<1x16xf32>,
        %get3A_939 = vector.shape_cast %get3A_938 : vector<1x16xf32> to vector<16xf32>
        %mul3A_940 = arith.mulf %broadcast_in_dim3A_935, %get3A_939 : vector<16xf32>
        %add3A_941 = arith.addf %add3A_851, %mul3A_940 : vector<16xf32>
        %get3A_942 = arith.index_cast %add3A_932 : i32 to index
        %get3A_943 = arith.constant 128 : index
        %get3A_944 = tpu.vector_load %arg8[%get3A_942, %get3A_943] {strides = array<i32>} : memref<128x256xf32, #tpu.memory_space<vmem>>, vector<1x16xf32>,
        %get3A_945 = vector.shape_cast %get3A_944 : vector<1x16xf32> to vector<16xf32>
        %add3A_946 = arith.addf %add3A_941, %get3A_945 : vector<16xf32>
        %get3A_947 = arith.index_cast %add3A_932 : i32 to index
        %get3A_948 = arith.constant 16 : index
        %get3A_949 = tpu.vector_load %arg8[%get3A_947, %get3A_948] {strides = array<i32>} : memref<128x256xf32, #tpu.memory_space<vmem>>, vector<1x16xf32>,
        %get3A_950 = vector.shape_cast %get3A_949 : vector<1x16xf32> to vector<16xf32>
        %mul3A_951 = arith.mulf %broadcast_in_dim3A_935, %get3A_950 : vector<16xf32>
        %add3A_952 = arith.addf %add3A_862, %mul3A_951 : vector<16xf32>
        %get3A_953 = arith.index_cast %add3A_932 : i32 to index
        %get3A_954 = arith.constant 144 : index
        %get3A_955 = tpu.vector_load %arg8[%get3A_953, %get3A_954] {strides = array<i32>} : memref<128x256xf32, #tpu.memory_space<vmem>>, vector<1x16xf32>,
        %get3A_956 = vector.shape_cast %get3A_955 : vector<1x16xf32> to vector<16xf32>
        %add3A_957 = arith.addf %add3A_952, %get3A_956 : vector<16xf32>
        %get3A_958 = arith.index_cast %add3A_932 : i32 to index
        %get3A_959 = arith.constant 32 : index
        %get3A_960 = tpu.vector_load %arg8[%get3A_958, %get3A_959] {strides = array<i32>} : memref<128x256xf32, #tpu.memory_space<vmem>>, vector<1x16xf32>,
        %get3A_961 = vector.shape_cast %get3A_960 : vector<1x16xf32> to vector<16xf32>
        %mul3A_962 = arith.mulf %broadcast_in_dim3A_935, %get3A_961 : vector<16xf32>
        %add3A_963 = arith.addf %add3A_873, %mul3A_962 : vector<16xf32>
        %get3A_964 = arith.index_cast %add3A_932 : i32 to index
        %get3A_965 = arith.constant 160 : index
        %get3A_966 = tpu.vector_load %arg8[%get3A_964, %get3A_965] {strides = array<i32>} : memref<128x256xf32, #tpu.memory_space<vmem>>, vector<1x16xf32>,
        %get3A_967 = vector.shape_cast %get3A_966 : vector<1x16xf32> to vector<16xf32>
        %add3A_968 = arith.addf %add3A_963, %get3A_967 : vector<16xf32>
        %get3A_969 = arith.index_cast %add3A_932 : i32 to index
        %get3A_970 = arith.constant 48 : index
        %get3A_971 = tpu.vector_load %arg8[%get3A_969, %get3A_970] {strides = array<i32>} : memref<128x256xf32, #tpu.memory_space<vmem>>, vector<1x16xf32>,
        %get3A_972 = vector.shape_cast %get3A_971 : vector<1x16xf32> to vector<16xf32>
        %mul3A_973 = arith.mulf %broadcast_in_dim3A_935, %get3A_972 : vector<16xf32>
        %add3A_974 = arith.addf %add3A_884, %mul3A_973 : vector<16xf32>
        %get3A_975 = arith.index_cast %add3A_932 : i32 to index
        %get3A_976 = arith.constant 176 : index
        %get3A_977 = tpu.vector_load %arg8[%get3A_975, %get3A_976] {strides = array<i32>} : memref<128x256xf32, #tpu.memory_space<vmem>>, vector<1x16xf32>,
        %get3A_978 = vector.shape_cast %get3A_977 : vector<1x16xf32> to vector<16xf32>
        %add3A_979 = arith.addf %add3A_974, %get3A_978 : vector<16xf32>
        %get3A_980 = arith.index_cast %add3A_932 : i32 to index
        %get3A_981 = arith.constant 64 : index
        %get3A_982 = tpu.vector_load %arg8[%get3A_980, %get3A_981] {strides = array<i32>} : memref<128x256xf32, #tpu.memory_space<vmem>>, vector<1x16xf32>,
        %get3A_983 = vector.shape_cast %get3A_982 : vector<1x16xf32> to vector<16xf32>
        %mul3A_984 = arith.mulf %broadcast_in_dim3A_935, %get3A_983 : vector<16xf32>
        %add3A_985 = arith.addf %add3A_895, %mul3A_984 : vector<16xf32>
        %get3A_986 = arith.index_cast %add3A_932 : i32 to index
        %get3A_987 = arith.constant 192 : index
        %get3A_988 = tpu.vector_load %arg8[%get3A_986, %get3A_987] {strides = array<i32>} : memref<128x256xf32, #tpu.memory_space<vmem>>, vector<1x16xf32>,
        %get3A_989 = vector.shape_cast %get3A_988 : vector<1x16xf32> to vector<16xf32>
        %add3A_990 = arith.addf %add3A_985, %get3A_989 : vector<16xf32>
        %get3A_991 = arith.index_cast %add3A_932 : i32 to index
        %get3A_992 = arith.constant 80 : index
        %get3A_993 = tpu.vector_load %arg8[%get3A_991, %get3A_992] {strides = array<i32>} : memref<128x256xf32, #tpu.memory_space<vmem>>, vector<1x16xf32>,
        %get3A_994 = vector.shape_cast %get3A_993 : vector<1x16xf32> to vector<16xf32>
        %mul3A_995 = arith.mulf %broadcast_in_dim3A_935, %get3A_994 : vector<16xf32>
        %add3A_996 = arith.addf %add3A_906, %mul3A_995 : vector<16xf32>
        %get3A_997 = arith.index_cast %add3A_932 : i32 to index
        %get3A_998 = arith.constant 208 : index
        %get3A_999 = tpu.vector_load %arg8[%get3A_997, %get3A_998] {strides = array<i32>} : memref<128x256xf32, #tpu.memory_space<vmem>>, vector<1x16xf32>,
        %get3A_1000 = vector.shape_cast %get3A_999 : vector<1x16xf32> to vector<16xf32>
        %add3A_1001 = arith.addf %add3A_996, %get3A_1000 : vector<16xf32>
        %get3A_1002 = arith.index_cast %add3A_932 : i32 to index
        %get3A_1003 = arith.constant 96 : index
        %get3A_1004 = tpu.vector_load %arg8[%get3A_1002, %get3A_1003] {strides = array<i32>} : memref<128x256xf32, #tpu.memory_space<vmem>>, vector<1x16xf32>,
        %get3A_1005 = vector.shape_cast %get3A_1004 : vector<1x16xf32> to vector<16xf32>
        %mul3A_1006 = arith.mulf %broadcast_in_dim3A_935, %get3A_1005 : vector<16xf32>
        %add3A_1007 = arith.addf %add3A_917, %mul3A_1006 : vector<16xf32>
        %get3A_1008 = arith.index_cast %add3A_932 : i32 to index
        %get3A_1009 = arith.constant 224 : index
        %get3A_1010 = tpu.vector_load %arg8[%get3A_1008, %get3A_1009] {strides = array<i32>} : memref<128x256xf32, #tpu.memory_space<vmem>>, vector<1x16xf32>,
        %get3A_1011 = vector.shape_cast %get3A_1010 : vector<1x16xf32> to vector<16xf32>
        %add3A_1012 = arith.addf %add3A_1007, %get3A_1011 : vector<16xf32>
        %get3A_1013 = arith.index_cast %add3A_932 : i32 to index
        %get3A_1014 = arith.constant 112 : index
        %get3A_1015 = tpu.vector_load %arg8[%get3A_1013, %get3A_1014] {strides = array<i32>} : memref<128x256xf32, #tpu.memory_space<vmem>>, vector<1x16xf32>,
        %get3A_1016 = vector.shape_cast %get3A_1015 : vector<1x16xf32> to vector<16xf32>
        %mul3A_1017 = arith.mulf %broadcast_in_dim3A_935, %get3A_1016 : vector<16xf32>
        %add3A_1018 = arith.addf %add3A_928, %mul3A_1017 : vector<16xf32>
        %get3A_1019 = arith.index_cast %add3A_932 : i32 to index
        %get3A_1020 = arith.constant 240 : index
        %get3A_1021 = tpu.vector_load %arg8[%get3A_1019, %get3A_1020] {strides = array<i32>} : memref<128x256xf32, #tpu.memory_space<vmem>>, vector<1x16xf32>,
        %get3A_1022 = vector.shape_cast %get3A_1021 : vector<1x16xf32> to vector<16xf32>
        %add3A_1023 = arith.addf %add3A_1018, %get3A_1022 : vector<16xf32>
        %mul3A_1024 = arith.constant 16 : i32
        %mul3A_1025 = arith.muli %scan3A_346, %mul3A_1024 : i32
        %add3A_1026 = arith.constant 7 : i32
        %add3A_1027 = arith.addi %mul3A_1025, %add3A_1026 : i32
        %slice3A_1028 = vector.extract_strided_slice %get3A_360 {offsets = [7], sizes = [1], strides = [1]} : vector<16xf32> to vector<1xf32>
        %squeeze3A_1029 = vector.extract %slice3A_1028[0] : f32 from vector<1xf32>
        %broadcast_in_dim3A_1030 = vector.broadcast %squeeze3A_1029 : f32 to vector<16xf32>
        %get3A_1031 = arith.index_cast %add3A_1027 : i32 to index
        %get3A_1032 = arith.constant 0 : index
        %get3A_1033 = tpu.vector_load %arg8[%get3A_1031, %get3A_1032] {strides = array<i32>} : memref<128x256xf32, #tpu.memory_space<vmem>>, vector<1x16xf32>,
        %get3A_1034 = vector.shape_cast %get3A_1033 : vector<1x16xf32> to vector<16xf32>
        %mul3A_1035 = arith.mulf %broadcast_in_dim3A_1030, %get3A_1034 : vector<16xf32>
        %add3A_1036 = arith.addf %add3A_946, %mul3A_1035 : vector<16xf32>
        %get3A_1037 = arith.index_cast %add3A_1027 : i32 to index
        %get3A_1038 = arith.constant 128 : index
        %get3A_1039 = tpu.vector_load %arg8[%get3A_1037, %get3A_1038] {strides = array<i32>} : memref<128x256xf32, #tpu.memory_space<vmem>>, vector<1x16xf32>,
        %get3A_1040 = vector.shape_cast %get3A_1039 : vector<1x16xf32> to vector<16xf32>
        %add3A_1041 = arith.addf %add3A_1036, %get3A_1040 : vector<16xf32>
        %get3A_1042 = arith.index_cast %add3A_1027 : i32 to index
        %get3A_1043 = arith.constant 16 : index
        %get3A_1044 = tpu.vector_load %arg8[%get3A_1042, %get3A_1043] {strides = array<i32>} : memref<128x256xf32, #tpu.memory_space<vmem>>, vector<1x16xf32>,
        %get3A_1045 = vector.shape_cast %get3A_1044 : vector<1x16xf32> to vector<16xf32>
        %mul3A_1046 = arith.mulf %broadcast_in_dim3A_1030, %get3A_1045 : vector<16xf32>
        %add3A_1047 = arith.addf %add3A_957, %mul3A_1046 : vector<16xf32>
        %get3A_1048 = arith.index_cast %add3A_1027 : i32 to index
        %get3A_1049 = arith.constant 144 : index
        %get3A_1050 = tpu.vector_load %arg8[%get3A_1048, %get3A_1049] {strides = array<i32>} : memref<128x256xf32, #tpu.memory_space<vmem>>, vector<1x16xf32>,
        %get3A_1051 = vector.shape_cast %get3A_1050 : vector<1x16xf32> to vector<16xf32>
        %add3A_1052 = arith.addf %add3A_1047, %get3A_1051 : vector<16xf32>
        %get3A_1053 = arith.index_cast %add3A_1027 : i32 to index
        %get3A_1054 = arith.constant 32 : index
        %get3A_1055 = tpu.vector_load %arg8[%get3A_1053, %get3A_1054] {strides = array<i32>} : memref<128x256xf32, #tpu.memory_space<vmem>>, vector<1x16xf32>,
        %get3A_1056 = vector.shape_cast %get3A_1055 : vector<1x16xf32> to vector<16xf32>
        %mul3A_1057 = arith.mulf %broadcast_in_dim3A_1030, %get3A_1056 : vector<16xf32>
        %add3A_1058 = arith.addf %add3A_968, %mul3A_1057 : vector<16xf32>
        %get3A_1059 = arith.index_cast %add3A_1027 : i32 to index
        %get3A_1060 = arith.constant 160 : index
        %get3A_1061 = tpu.vector_load %arg8[%get3A_1059, %get3A_1060] {strides = array<i32>} : memref<128x256xf32, #tpu.memory_space<vmem>>, vector<1x16xf32>,
        %get3A_1062 = vector.shape_cast %get3A_1061 : vector<1x16xf32> to vector<16xf32>
        %add3A_1063 = arith.addf %add3A_1058, %get3A_1062 : vector<16xf32>
        %get3A_1064 = arith.index_cast %add3A_1027 : i32 to index
        %get3A_1065 = arith.constant 48 : index
        %get3A_1066 = tpu.vector_load %arg8[%get3A_1064, %get3A_1065] {strides = array<i32>} : memref<128x256xf32, #tpu.memory_space<vmem>>, vector<1x16xf32>,
        %get3A_1067 = vector.shape_cast %get3A_1066 : vector<1x16xf32> to vector<16xf32>
        %mul3A_1068 = arith.mulf %broadcast_in_dim3A_1030, %get3A_1067 : vector<16xf32>
        %add3A_1069 = arith.addf %add3A_979, %mul3A_1068 : vector<16xf32>
        %get3A_1070 = arith.index_cast %add3A_1027 : i32 to index
        %get3A_1071 = arith.constant 176 : index
        %get3A_1072 = tpu.vector_load %arg8[%get3A_1070, %get3A_1071] {strides = array<i32>} : memref<128x256xf32, #tpu.memory_space<vmem>>, vector<1x16xf32>,
        %get3A_1073 = vector.shape_cast %get3A_1072 : vector<1x16xf32> to vector<16xf32>
        %add3A_1074 = arith.addf %add3A_1069, %get3A_1073 : vector<16xf32>
        %get3A_1075 = arith.index_cast %add3A_1027 : i32 to index
        %get3A_1076 = arith.constant 64 : index
        %get3A_1077 = tpu.vector_load %arg8[%get3A_1075, %get3A_1076] {strides = array<i32>} : memref<128x256xf32, #tpu.memory_space<vmem>>, vector<1x16xf32>,
        %get3A_1078 = vector.shape_cast %get3A_1077 : vector<1x16xf32> to vector<16xf32>
        %mul3A_1079 = arith.mulf %broadcast_in_dim3A_1030, %get3A_1078 : vector<16xf32>
        %add3A_1080 = arith.addf %add3A_990, %mul3A_1079 : vector<16xf32>
        %get3A_1081 = arith.index_cast %add3A_1027 : i32 to index
        %get3A_1082 = arith.constant 192 : index
        %get3A_1083 = tpu.vector_load %arg8[%get3A_1081, %get3A_1082] {strides = array<i32>} : memref<128x256xf32, #tpu.memory_space<vmem>>, vector<1x16xf32>,
        %get3A_1084 = vector.shape_cast %get3A_1083 : vector<1x16xf32> to vector<16xf32>
        %add3A_1085 = arith.addf %add3A_1080, %get3A_1084 : vector<16xf32>
        %get3A_1086 = arith.index_cast %add3A_1027 : i32 to index
        %get3A_1087 = arith.constant 80 : index
        %get3A_1088 = tpu.vector_load %arg8[%get3A_1086, %get3A_1087] {strides = array<i32>} : memref<128x256xf32, #tpu.memory_space<vmem>>, vector<1x16xf32>,
        %get3A_1089 = vector.shape_cast %get3A_1088 : vector<1x16xf32> to vector<16xf32>
        %mul3A_1090 = arith.mulf %broadcast_in_dim3A_1030, %get3A_1089 : vector<16xf32>
        %add3A_1091 = arith.addf %add3A_1001, %mul3A_1090 : vector<16xf32>
        %get3A_1092 = arith.index_cast %add3A_1027 : i32 to index
        %get3A_1093 = arith.constant 208 : index
        %get3A_1094 = tpu.vector_load %arg8[%get3A_1092, %get3A_1093] {strides = array<i32>} : memref<128x256xf32, #tpu.memory_space<vmem>>, vector<1x16xf32>,
        %get3A_1095 = vector.shape_cast %get3A_1094 : vector<1x16xf32> to vector<16xf32>
        %add3A_1096 = arith.addf %add3A_1091, %get3A_1095 : vector<16xf32>
        %get3A_1097 = arith.index_cast %add3A_1027 : i32 to index
        %get3A_1098 = arith.constant 96 : index
        %get3A_1099 = tpu.vector_load %arg8[%get3A_1097, %get3A_1098] {strides = array<i32>} : memref<128x256xf32, #tpu.memory_space<vmem>>, vector<1x16xf32>,
        %get3A_1100 = vector.shape_cast %get3A_1099 : vector<1x16xf32> to vector<16xf32>
        %mul3A_1101 = arith.mulf %broadcast_in_dim3A_1030, %get3A_1100 : vector<16xf32>
        %add3A_1102 = arith.addf %add3A_1012, %mul3A_1101 : vector<16xf32>
        %get3A_1103 = arith.index_cast %add3A_1027 : i32 to index
        %get3A_1104 = arith.constant 224 : index
        %get3A_1105 = tpu.vector_load %arg8[%get3A_1103, %get3A_1104] {strides = array<i32>} : memref<128x256xf32, #tpu.memory_space<vmem>>, vector<1x16xf32>,
        %get3A_1106 = vector.shape_cast %get3A_1105 : vector<1x16xf32> to vector<16xf32>
        %add3A_1107 = arith.addf %add3A_1102, %get3A_1106 : vector<16xf32>
        %get3A_1108 = arith.index_cast %add3A_1027 : i32 to index
        %get3A_1109 = arith.constant 112 : index
        %get3A_1110 = tpu.vector_load %arg8[%get3A_1108, %get3A_1109] {strides = array<i32>} : memref<128x256xf32, #tpu.memory_space<vmem>>, vector<1x16xf32>,
        %get3A_1111 = vector.shape_cast %get3A_1110 : vector<1x16xf32> to vector<16xf32>
        %mul3A_1112 = arith.mulf %broadcast_in_dim3A_1030, %get3A_1111 : vector<16xf32>
        %add3A_1113 = arith.addf %add3A_1023, %mul3A_1112 : vector<16xf32>
        %get3A_1114 = arith.index_cast %add3A_1027 : i32 to index
        %get3A_1115 = arith.constant 240 : index
        %get3A_1116 = tpu.vector_load %arg8[%get3A_1114, %get3A_1115] {strides = array<i32>} : memref<128x256xf32, #tpu.memory_space<vmem>>, vector<1x16xf32>,
        %get3A_1117 = vector.shape_cast %get3A_1116 : vector<1x16xf32> to vector<16xf32>
        %add3A_1118 = arith.addf %add3A_1113, %get3A_1117 : vector<16xf32>
        %mul3A_1119 = arith.constant 16 : i32
        %mul3A_1120 = arith.muli %scan3A_346, %mul3A_1119 : i32
        %add3A_1121 = arith.constant 8 : i32
        %add3A_1122 = arith.addi %mul3A_1120, %add3A_1121 : i32
        %slice3A_1123 = vector.extract_strided_slice %get3A_360 {offsets = [8], sizes = [1], strides = [1]} : vector<16xf32> to vector<1xf32>
        %squeeze3A_1124 = vector.extract %slice3A_1123[0] : f32 from vector<1xf32>
        %broadcast_in_dim3A_1125 = vector.broadcast %squeeze3A_1124 : f32 to vector<16xf32>
        %get3A_1126 = arith.index_cast %add3A_1122 : i32 to index
        %get3A_1127 = arith.constant 0 : index
        %get3A_1128 = tpu.vector_load %arg8[%get3A_1126, %get3A_1127] {strides = array<i32>} : memref<128x256xf32, #tpu.memory_space<vmem>>, vector<1x16xf32>,
        %get3A_1129 = vector.shape_cast %get3A_1128 : vector<1x16xf32> to vector<16xf32>
        %mul3A_1130 = arith.mulf %broadcast_in_dim3A_1125, %get3A_1129 : vector<16xf32>
        %add3A_1131 = arith.addf %add3A_1041, %mul3A_1130 : vector<16xf32>
        %get3A_1132 = arith.index_cast %add3A_1122 : i32 to index
        %get3A_1133 = arith.constant 128 : index
        %get3A_1134 = tpu.vector_load %arg8[%get3A_1132, %get3A_1133] {strides = array<i32>} : memref<128x256xf32, #tpu.memory_space<vmem>>, vector<1x16xf32>,
        %get3A_1135 = vector.shape_cast %get3A_1134 : vector<1x16xf32> to vector<16xf32>
        %add3A_1136 = arith.addf %add3A_1131, %get3A_1135 : vector<16xf32>
        %get3A_1137 = arith.index_cast %add3A_1122 : i32 to index
        %get3A_1138 = arith.constant 16 : index
        %get3A_1139 = tpu.vector_load %arg8[%get3A_1137, %get3A_1138] {strides = array<i32>} : memref<128x256xf32, #tpu.memory_space<vmem>>, vector<1x16xf32>,
        %get3A_1140 = vector.shape_cast %get3A_1139 : vector<1x16xf32> to vector<16xf32>
        %mul3A_1141 = arith.mulf %broadcast_in_dim3A_1125, %get3A_1140 : vector<16xf32>
        %add3A_1142 = arith.addf %add3A_1052, %mul3A_1141 : vector<16xf32>
        %get3A_1143 = arith.index_cast %add3A_1122 : i32 to index
        %get3A_1144 = arith.constant 144 : index
        %get3A_1145 = tpu.vector_load %arg8[%get3A_1143, %get3A_1144] {strides = array<i32>} : memref<128x256xf32, #tpu.memory_space<vmem>>, vector<1x16xf32>,
        %get3A_1146 = vector.shape_cast %get3A_1145 : vector<1x16xf32> to vector<16xf32>
        %add3A_1147 = arith.addf %add3A_1142, %get3A_1146 : vector<16xf32>
        %get3A_1148 = arith.index_cast %add3A_1122 : i32 to index
        %get3A_1149 = arith.constant 32 : index
        %get3A_1150 = tpu.vector_load %arg8[%get3A_1148, %get3A_1149] {strides = array<i32>} : memref<128x256xf32, #tpu.memory_space<vmem>>, vector<1x16xf32>,
        %get3A_1151 = vector.shape_cast %get3A_1150 : vector<1x16xf32> to vector<16xf32>
        %mul3A_1152 = arith.mulf %broadcast_in_dim3A_1125, %get3A_1151 : vector<16xf32>
        %add3A_1153 = arith.addf %add3A_1063, %mul3A_1152 : vector<16xf32>
        %get3A_1154 = arith.index_cast %add3A_1122 : i32 to index
        %get3A_1155 = arith.constant 160 : index
        %get3A_1156 = tpu.vector_load %arg8[%get3A_1154, %get3A_1155] {strides = array<i32>} : memref<128x256xf32, #tpu.memory_space<vmem>>, vector<1x16xf32>,
        %get3A_1157 = vector.shape_cast %get3A_1156 : vector<1x16xf32> to vector<16xf32>
        %add3A_1158 = arith.addf %add3A_1153, %get3A_1157 : vector<16xf32>
        %get3A_1159 = arith.index_cast %add3A_1122 : i32 to index
        %get3A_1160 = arith.constant 48 : index
        %get3A_1161 = tpu.vector_load %arg8[%get3A_1159, %get3A_1160] {strides = array<i32>} : memref<128x256xf32, #tpu.memory_space<vmem>>, vector<1x16xf32>,
        %get3A_1162 = vector.shape_cast %get3A_1161 : vector<1x16xf32> to vector<16xf32>
        %mul3A_1163 = arith.mulf %broadcast_in_dim3A_1125, %get3A_1162 : vector<16xf32>
        %add3A_1164 = arith.addf %add3A_1074, %mul3A_1163 : vector<16xf32>
        %get3A_1165 = arith.index_cast %add3A_1122 : i32 to index
        %get3A_1166 = arith.constant 176 : index
        %get3A_1167 = tpu.vector_load %arg8[%get3A_1165, %get3A_1166] {strides = array<i32>} : memref<128x256xf32, #tpu.memory_space<vmem>>, vector<1x16xf32>,
        %get3A_1168 = vector.shape_cast %get3A_1167 : vector<1x16xf32> to vector<16xf32>
        %add3A_1169 = arith.addf %add3A_1164, %get3A_1168 : vector<16xf32>
        %get3A_1170 = arith.index_cast %add3A_1122 : i32 to index
        %get3A_1171 = arith.constant 64 : index
        %get3A_1172 = tpu.vector_load %arg8[%get3A_1170, %get3A_1171] {strides = array<i32>} : memref<128x256xf32, #tpu.memory_space<vmem>>, vector<1x16xf32>,
        %get3A_1173 = vector.shape_cast %get3A_1172 : vector<1x16xf32> to vector<16xf32>
        %mul3A_1174 = arith.mulf %broadcast_in_dim3A_1125, %get3A_1173 : vector<16xf32>
        %add3A_1175 = arith.addf %add3A_1085, %mul3A_1174 : vector<16xf32>
        %get3A_1176 = arith.index_cast %add3A_1122 : i32 to index
        %get3A_1177 = arith.constant 192 : index
        %get3A_1178 = tpu.vector_load %arg8[%get3A_1176, %get3A_1177] {strides = array<i32>} : memref<128x256xf32, #tpu.memory_space<vmem>>, vector<1x16xf32>,
        %get3A_1179 = vector.shape_cast %get3A_1178 : vector<1x16xf32> to vector<16xf32>
        %add3A_1180 = arith.addf %add3A_1175, %get3A_1179 : vector<16xf32>
        %get3A_1181 = arith.index_cast %add3A_1122 : i32 to index
        %get3A_1182 = arith.constant 80 : index
        %get3A_1183 = tpu.vector_load %arg8[%get3A_1181, %get3A_1182] {strides = array<i32>} : memref<128x256xf32, #tpu.memory_space<vmem>>, vector<1x16xf32>,
        %get3A_1184 = vector.shape_cast %get3A_1183 : vector<1x16xf32> to vector<16xf32>
        %mul3A_1185 = arith.mulf %broadcast_in_dim3A_1125, %get3A_1184 : vector<16xf32>
        %add3A_1186 = arith.addf %add3A_1096, %mul3A_1185 : vector<16xf32>
        %get3A_1187 = arith.index_cast %add3A_1122 : i32 to index
        %get3A_1188 = arith.constant 208 : index
        %get3A_1189 = tpu.vector_load %arg8[%get3A_1187, %get3A_1188] {strides = array<i32>} : memref<128x256xf32, #tpu.memory_space<vmem>>, vector<1x16xf32>,
        %get3A_1190 = vector.shape_cast %get3A_1189 : vector<1x16xf32> to vector<16xf32>
        %add3A_1191 = arith.addf %add3A_1186, %get3A_1190 : vector<16xf32>
        %get3A_1192 = arith.index_cast %add3A_1122 : i32 to index
        %get3A_1193 = arith.constant 96 : index
        %get3A_1194 = tpu.vector_load %arg8[%get3A_1192, %get3A_1193] {strides = array<i32>} : memref<128x256xf32, #tpu.memory_space<vmem>>, vector<1x16xf32>,
        %get3A_1195 = vector.shape_cast %get3A_1194 : vector<1x16xf32> to vector<16xf32>
        %mul3A_1196 = arith.mulf %broadcast_in_dim3A_1125, %get3A_1195 : vector<16xf32>
        %add3A_1197 = arith.addf %add3A_1107, %mul3A_1196 : vector<16xf32>
        %get3A_1198 = arith.index_cast %add3A_1122 : i32 to index
        %get3A_1199 = arith.constant 224 : index
        %get3A_1200 = tpu.vector_load %arg8[%get3A_1198, %get3A_1199] {strides = array<i32>} : memref<128x256xf32, #tpu.memory_space<vmem>>, vector<1x16xf32>,
        %get3A_1201 = vector.shape_cast %get3A_1200 : vector<1x16xf32> to vector<16xf32>
        %add3A_1202 = arith.addf %add3A_1197, %get3A_1201 : vector<16xf32>
        %get3A_1203 = arith.index_cast %add3A_1122 : i32 to index
        %get3A_1204 = arith.constant 112 : index
        %get3A_1205 = tpu.vector_load %arg8[%get3A_1203, %get3A_1204] {strides = array<i32>} : memref<128x256xf32, #tpu.memory_space<vmem>>, vector<1x16xf32>,
        %get3A_1206 = vector.shape_cast %get3A_1205 : vector<1x16xf32> to vector<16xf32>
        %mul3A_1207 = arith.mulf %broadcast_in_dim3A_1125, %get3A_1206 : vector<16xf32>
        %add3A_1208 = arith.addf %add3A_1118, %mul3A_1207 : vector<16xf32>
        %get3A_1209 = arith.index_cast %add3A_1122 : i32 to index
        %get3A_1210 = arith.constant 240 : index
        %get3A_1211 = tpu.vector_load %arg8[%get3A_1209, %get3A_1210] {strides = array<i32>} : memref<128x256xf32, #tpu.memory_space<vmem>>, vector<1x16xf32>,
        %get3A_1212 = vector.shape_cast %get3A_1211 : vector<1x16xf32> to vector<16xf32>
        %add3A_1213 = arith.addf %add3A_1208, %get3A_1212 : vector<16xf32>
        %mul3A_1214 = arith.constant 16 : i32
        %mul3A_1215 = arith.muli %scan3A_346, %mul3A_1214 : i32
        %add3A_1216 = arith.constant 9 : i32
        %add3A_1217 = arith.addi %mul3A_1215, %add3A_1216 : i32
        %slice3A_1218 = vector.extract_strided_slice %get3A_360 {offsets = [9], sizes = [1], strides = [1]} : vector<16xf32> to vector<1xf32>
        %squeeze3A_1219 = vector.extract %slice3A_1218[0] : f32 from vector<1xf32>
        %broadcast_in_dim3A_1220 = vector.broadcast %squeeze3A_1219 : f32 to vector<16xf32>
        %get3A_1221 = arith.index_cast %add3A_1217 : i32 to index
        %get3A_1222 = arith.constant 0 : index
        %get3A_1223 = tpu.vector_load %arg8[%get3A_1221, %get3A_1222] {strides = array<i32>} : memref<128x256xf32, #tpu.memory_space<vmem>>, vector<1x16xf32>,
        %get3A_1224 = vector.shape_cast %get3A_1223 : vector<1x16xf32> to vector<16xf32>
        %mul3A_1225 = arith.mulf %broadcast_in_dim3A_1220, %get3A_1224 : vector<16xf32>
        %add3A_1226 = arith.addf %add3A_1136, %mul3A_1225 : vector<16xf32>
        %get3A_1227 = arith.index_cast %add3A_1217 : i32 to index
        %get3A_1228 = arith.constant 128 : index
        %get3A_1229 = tpu.vector_load %arg8[%get3A_1227, %get3A_1228] {strides = array<i32>} : memref<128x256xf32, #tpu.memory_space<vmem>>, vector<1x16xf32>,
        %get3A_1230 = vector.shape_cast %get3A_1229 : vector<1x16xf32> to vector<16xf32>
        %add3A_1231 = arith.addf %add3A_1226, %get3A_1230 : vector<16xf32>
        %get3A_1232 = arith.index_cast %add3A_1217 : i32 to index
        %get3A_1233 = arith.constant 16 : index
        %get3A_1234 = tpu.vector_load %arg8[%get3A_1232, %get3A_1233] {strides = array<i32>} : memref<128x256xf32, #tpu.memory_space<vmem>>, vector<1x16xf32>,
        %get3A_1235 = vector.shape_cast %get3A_1234 : vector<1x16xf32> to vector<16xf32>
        %mul3A_1236 = arith.mulf %broadcast_in_dim3A_1220, %get3A_1235 : vector<16xf32>
        %add3A_1237 = arith.addf %add3A_1147, %mul3A_1236 : vector<16xf32>
        %get3A_1238 = arith.index_cast %add3A_1217 : i32 to index
        %get3A_1239 = arith.constant 144 : index
        %get3A_1240 = tpu.vector_load %arg8[%get3A_1238, %get3A_1239] {strides = array<i32>} : memref<128x256xf32, #tpu.memory_space<vmem>>, vector<1x16xf32>,
        %get3A_1241 = vector.shape_cast %get3A_1240 : vector<1x16xf32> to vector<16xf32>
        %add3A_1242 = arith.addf %add3A_1237, %get3A_1241 : vector<16xf32>
        %get3A_1243 = arith.index_cast %add3A_1217 : i32 to index
        %get3A_1244 = arith.constant 32 : index
        %get3A_1245 = tpu.vector_load %arg8[%get3A_1243, %get3A_1244] {strides = array<i32>} : memref<128x256xf32, #tpu.memory_space<vmem>>, vector<1x16xf32>,
        %get3A_1246 = vector.shape_cast %get3A_1245 : vector<1x16xf32> to vector<16xf32>
        %mul3A_1247 = arith.mulf %broadcast_in_dim3A_1220, %get3A_1246 : vector<16xf32>
        %add3A_1248 = arith.addf %add3A_1158, %mul3A_1247 : vector<16xf32>
        %get3A_1249 = arith.index_cast %add3A_1217 : i32 to index
        %get3A_1250 = arith.constant 160 : index
        %get3A_1251 = tpu.vector_load %arg8[%get3A_1249, %get3A_1250] {strides = array<i32>} : memref<128x256xf32, #tpu.memory_space<vmem>>, vector<1x16xf32>,
        %get3A_1252 = vector.shape_cast %get3A_1251 : vector<1x16xf32> to vector<16xf32>
        %add3A_1253 = arith.addf %add3A_1248, %get3A_1252 : vector<16xf32>
        %get3A_1254 = arith.index_cast %add3A_1217 : i32 to index
        %get3A_1255 = arith.constant 48 : index
        %get3A_1256 = tpu.vector_load %arg8[%get3A_1254, %get3A_1255] {strides = array<i32>} : memref<128x256xf32, #tpu.memory_space<vmem>>, vector<1x16xf32>,
        %get3A_1257 = vector.shape_cast %get3A_1256 : vector<1x16xf32> to vector<16xf32>
        %mul3A_1258 = arith.mulf %broadcast_in_dim3A_1220, %get3A_1257 : vector<16xf32>
        %add3A_1259 = arith.addf %add3A_1169, %mul3A_1258 : vector<16xf32>
        %get3A_1260 = arith.index_cast %add3A_1217 : i32 to index
        %get3A_1261 = arith.constant 176 : index
        %get3A_1262 = tpu.vector_load %arg8[%get3A_1260, %get3A_1261] {strides = array<i32>} : memref<128x256xf32, #tpu.memory_space<vmem>>, vector<1x16xf32>,
        %get3A_1263 = vector.shape_cast %get3A_1262 : vector<1x16xf32> to vector<16xf32>
        %add3A_1264 = arith.addf %add3A_1259, %get3A_1263 : vector<16xf32>
        %get3A_1265 = arith.index_cast %add3A_1217 : i32 to index
        %get3A_1266 = arith.constant 64 : index
        %get3A_1267 = tpu.vector_load %arg8[%get3A_1265, %get3A_1266] {strides = array<i32>} : memref<128x256xf32, #tpu.memory_space<vmem>>, vector<1x16xf32>,
        %get3A_1268 = vector.shape_cast %get3A_1267 : vector<1x16xf32> to vector<16xf32>
        %mul3A_1269 = arith.mulf %broadcast_in_dim3A_1220, %get3A_1268 : vector<16xf32>
        %add3A_1270 = arith.addf %add3A_1180, %mul3A_1269 : vector<16xf32>
        %get3A_1271 = arith.index_cast %add3A_1217 : i32 to index
        %get3A_1272 = arith.constant 192 : index
        %get3A_1273 = tpu.vector_load %arg8[%get3A_1271, %get3A_1272] {strides = array<i32>} : memref<128x256xf32, #tpu.memory_space<vmem>>, vector<1x16xf32>,
        %get3A_1274 = vector.shape_cast %get3A_1273 : vector<1x16xf32> to vector<16xf32>
        %add3A_1275 = arith.addf %add3A_1270, %get3A_1274 : vector<16xf32>
        %get3A_1276 = arith.index_cast %add3A_1217 : i32 to index
        %get3A_1277 = arith.constant 80 : index
        %get3A_1278 = tpu.vector_load %arg8[%get3A_1276, %get3A_1277] {strides = array<i32>} : memref<128x256xf32, #tpu.memory_space<vmem>>, vector<1x16xf32>,
        %get3A_1279 = vector.shape_cast %get3A_1278 : vector<1x16xf32> to vector<16xf32>
        %mul3A_1280 = arith.mulf %broadcast_in_dim3A_1220, %get3A_1279 : vector<16xf32>
        %add3A_1281 = arith.addf %add3A_1191, %mul3A_1280 : vector<16xf32>
        %get3A_1282 = arith.index_cast %add3A_1217 : i32 to index
        %get3A_1283 = arith.constant 208 : index
        %get3A_1284 = tpu.vector_load %arg8[%get3A_1282, %get3A_1283] {strides = array<i32>} : memref<128x256xf32, #tpu.memory_space<vmem>>, vector<1x16xf32>,
        %get3A_1285 = vector.shape_cast %get3A_1284 : vector<1x16xf32> to vector<16xf32>
        %add3A_1286 = arith.addf %add3A_1281, %get3A_1285 : vector<16xf32>
        %get3A_1287 = arith.index_cast %add3A_1217 : i32 to index
        %get3A_1288 = arith.constant 96 : index
        %get3A_1289 = tpu.vector_load %arg8[%get3A_1287, %get3A_1288] {strides = array<i32>} : memref<128x256xf32, #tpu.memory_space<vmem>>, vector<1x16xf32>,
        %get3A_1290 = vector.shape_cast %get3A_1289 : vector<1x16xf32> to vector<16xf32>
        %mul3A_1291 = arith.mulf %broadcast_in_dim3A_1220, %get3A_1290 : vector<16xf32>
        %add3A_1292 = arith.addf %add3A_1202, %mul3A_1291 : vector<16xf32>
        %get3A_1293 = arith.index_cast %add3A_1217 : i32 to index
        %get3A_1294 = arith.constant 224 : index
        %get3A_1295 = tpu.vector_load %arg8[%get3A_1293, %get3A_1294] {strides = array<i32>} : memref<128x256xf32, #tpu.memory_space<vmem>>, vector<1x16xf32>,
        %get3A_1296 = vector.shape_cast %get3A_1295 : vector<1x16xf32> to vector<16xf32>
        %add3A_1297 = arith.addf %add3A_1292, %get3A_1296 : vector<16xf32>
        %get3A_1298 = arith.index_cast %add3A_1217 : i32 to index
        %get3A_1299 = arith.constant 112 : index
        %get3A_1300 = tpu.vector_load %arg8[%get3A_1298, %get3A_1299] {strides = array<i32>} : memref<128x256xf32, #tpu.memory_space<vmem>>, vector<1x16xf32>,
        %get3A_1301 = vector.shape_cast %get3A_1300 : vector<1x16xf32> to vector<16xf32>
        %mul3A_1302 = arith.mulf %broadcast_in_dim3A_1220, %get3A_1301 : vector<16xf32>
        %add3A_1303 = arith.addf %add3A_1213, %mul3A_1302 : vector<16xf32>
        %get3A_1304 = arith.index_cast %add3A_1217 : i32 to index
        %get3A_1305 = arith.constant 240 : index
        %get3A_1306 = tpu.vector_load %arg8[%get3A_1304, %get3A_1305] {strides = array<i32>} : memref<128x256xf32, #tpu.memory_space<vmem>>, vector<1x16xf32>,
        %get3A_1307 = vector.shape_cast %get3A_1306 : vector<1x16xf32> to vector<16xf32>
        %add3A_1308 = arith.addf %add3A_1303, %get3A_1307 : vector<16xf32>
        %mul3A_1309 = arith.constant 16 : i32
        %mul3A_1310 = arith.muli %scan3A_346, %mul3A_1309 : i32
        %add3A_1311 = arith.constant 10 : i32
        %add3A_1312 = arith.addi %mul3A_1310, %add3A_1311 : i32
        %slice3A_1313 = vector.extract_strided_slice %get3A_360 {offsets = [10], sizes = [1], strides = [1]} : vector<16xf32> to vector<1xf32>
        %squeeze3A_1314 = vector.extract %slice3A_1313[0] : f32 from vector<1xf32>
        %broadcast_in_dim3A_1315 = vector.broadcast %squeeze3A_1314 : f32 to vector<16xf32>
        %get3A_1316 = arith.index_cast %add3A_1312 : i32 to index
        %get3A_1317 = arith.constant 0 : index
        %get3A_1318 = tpu.vector_load %arg8[%get3A_1316, %get3A_1317] {strides = array<i32>} : memref<128x256xf32, #tpu.memory_space<vmem>>, vector<1x16xf32>,
        %get3A_1319 = vector.shape_cast %get3A_1318 : vector<1x16xf32> to vector<16xf32>
        %mul3A_1320 = arith.mulf %broadcast_in_dim3A_1315, %get3A_1319 : vector<16xf32>
        %add3A_1321 = arith.addf %add3A_1231, %mul3A_1320 : vector<16xf32>
        %get3A_1322 = arith.index_cast %add3A_1312 : i32 to index
        %get3A_1323 = arith.constant 128 : index
        %get3A_1324 = tpu.vector_load %arg8[%get3A_1322, %get3A_1323] {strides = array<i32>} : memref<128x256xf32, #tpu.memory_space<vmem>>, vector<1x16xf32>,
        %get3A_1325 = vector.shape_cast %get3A_1324 : vector<1x16xf32> to vector<16xf32>
        %add3A_1326 = arith.addf %add3A_1321, %get3A_1325 : vector<16xf32>
        %get3A_1327 = arith.index_cast %add3A_1312 : i32 to index
        %get3A_1328 = arith.constant 16 : index
        %get3A_1329 = tpu.vector_load %arg8[%get3A_1327, %get3A_1328] {strides = array<i32>} : memref<128x256xf32, #tpu.memory_space<vmem>>, vector<1x16xf32>,
        %get3A_1330 = vector.shape_cast %get3A_1329 : vector<1x16xf32> to vector<16xf32>
        %mul3A_1331 = arith.mulf %broadcast_in_dim3A_1315, %get3A_1330 : vector<16xf32>
        %add3A_1332 = arith.addf %add3A_1242, %mul3A_1331 : vector<16xf32>
        %get3A_1333 = arith.index_cast %add3A_1312 : i32 to index
        %get3A_1334 = arith.constant 144 : index
        %get3A_1335 = tpu.vector_load %arg8[%get3A_1333, %get3A_1334] {strides = array<i32>} : memref<128x256xf32, #tpu.memory_space<vmem>>, vector<1x16xf32>,
        %get3A_1336 = vector.shape_cast %get3A_1335 : vector<1x16xf32> to vector<16xf32>
        %add3A_1337 = arith.addf %add3A_1332, %get3A_1336 : vector<16xf32>
        %get3A_1338 = arith.index_cast %add3A_1312 : i32 to index
        %get3A_1339 = arith.constant 32 : index
        %get3A_1340 = tpu.vector_load %arg8[%get3A_1338, %get3A_1339] {strides = array<i32>} : memref<128x256xf32, #tpu.memory_space<vmem>>, vector<1x16xf32>,
        %get3A_1341 = vector.shape_cast %get3A_1340 : vector<1x16xf32> to vector<16xf32>
        %mul3A_1342 = arith.mulf %broadcast_in_dim3A_1315, %get3A_1341 : vector<16xf32>
        %add3A_1343 = arith.addf %add3A_1253, %mul3A_1342 : vector<16xf32>
        %get3A_1344 = arith.index_cast %add3A_1312 : i32 to index
        %get3A_1345 = arith.constant 160 : index
        %get3A_1346 = tpu.vector_load %arg8[%get3A_1344, %get3A_1345] {strides = array<i32>} : memref<128x256xf32, #tpu.memory_space<vmem>>, vector<1x16xf32>,
        %get3A_1347 = vector.shape_cast %get3A_1346 : vector<1x16xf32> to vector<16xf32>
        %add3A_1348 = arith.addf %add3A_1343, %get3A_1347 : vector<16xf32>
        %get3A_1349 = arith.index_cast %add3A_1312 : i32 to index
        %get3A_1350 = arith.constant 48 : index
        %get3A_1351 = tpu.vector_load %arg8[%get3A_1349, %get3A_1350] {strides = array<i32>} : memref<128x256xf32, #tpu.memory_space<vmem>>, vector<1x16xf32>,
        %get3A_1352 = vector.shape_cast %get3A_1351 : vector<1x16xf32> to vector<16xf32>
        %mul3A_1353 = arith.mulf %broadcast_in_dim3A_1315, %get3A_1352 : vector<16xf32>
        %add3A_1354 = arith.addf %add3A_1264, %mul3A_1353 : vector<16xf32>
        %get3A_1355 = arith.index_cast %add3A_1312 : i32 to index
        %get3A_1356 = arith.constant 176 : index
        %get3A_1357 = tpu.vector_load %arg8[%get3A_1355, %get3A_1356] {strides = array<i32>} : memref<128x256xf32, #tpu.memory_space<vmem>>, vector<1x16xf32>,
        %get3A_1358 = vector.shape_cast %get3A_1357 : vector<1x16xf32> to vector<16xf32>
        %add3A_1359 = arith.addf %add3A_1354, %get3A_1358 : vector<16xf32>
        %get3A_1360 = arith.index_cast %add3A_1312 : i32 to index
        %get3A_1361 = arith.constant 64 : index
        %get3A_1362 = tpu.vector_load %arg8[%get3A_1360, %get3A_1361] {strides = array<i32>} : memref<128x256xf32, #tpu.memory_space<vmem>>, vector<1x16xf32>,
        %get3A_1363 = vector.shape_cast %get3A_1362 : vector<1x16xf32> to vector<16xf32>
        %mul3A_1364 = arith.mulf %broadcast_in_dim3A_1315, %get3A_1363 : vector<16xf32>
        %add3A_1365 = arith.addf %add3A_1275, %mul3A_1364 : vector<16xf32>
        %get3A_1366 = arith.index_cast %add3A_1312 : i32 to index
        %get3A_1367 = arith.constant 192 : index
        %get3A_1368 = tpu.vector_load %arg8[%get3A_1366, %get3A_1367] {strides = array<i32>} : memref<128x256xf32, #tpu.memory_space<vmem>>, vector<1x16xf32>,
        %get3A_1369 = vector.shape_cast %get3A_1368 : vector<1x16xf32> to vector<16xf32>
        %add3A_1370 = arith.addf %add3A_1365, %get3A_1369 : vector<16xf32>
        %get3A_1371 = arith.index_cast %add3A_1312 : i32 to index
        %get3A_1372 = arith.constant 80 : index
        %get3A_1373 = tpu.vector_load %arg8[%get3A_1371, %get3A_1372] {strides = array<i32>} : memref<128x256xf32, #tpu.memory_space<vmem>>, vector<1x16xf32>,
        %get3A_1374 = vector.shape_cast %get3A_1373 : vector<1x16xf32> to vector<16xf32>
        %mul3A_1375 = arith.mulf %broadcast_in_dim3A_1315, %get3A_1374 : vector<16xf32>
        %add3A_1376 = arith.addf %add3A_1286, %mul3A_1375 : vector<16xf32>
        %get3A_1377 = arith.index_cast %add3A_1312 : i32 to index
        %get3A_1378 = arith.constant 208 : index
        %get3A_1379 = tpu.vector_load %arg8[%get3A_1377, %get3A_1378] {strides = array<i32>} : memref<128x256xf32, #tpu.memory_space<vmem>>, vector<1x16xf32>,
        %get3A_1380 = vector.shape_cast %get3A_1379 : vector<1x16xf32> to vector<16xf32>
        %add3A_1381 = arith.addf %add3A_1376, %get3A_1380 : vector<16xf32>
        %get3A_1382 = arith.index_cast %add3A_1312 : i32 to index
        %get3A_1383 = arith.constant 96 : index
        %get3A_1384 = tpu.vector_load %arg8[%get3A_1382, %get3A_1383] {strides = array<i32>} : memref<128x256xf32, #tpu.memory_space<vmem>>, vector<1x16xf32>,
        %get3A_1385 = vector.shape_cast %get3A_1384 : vector<1x16xf32> to vector<16xf32>
        %mul3A_1386 = arith.mulf %broadcast_in_dim3A_1315, %get3A_1385 : vector<16xf32>
        %add3A_1387 = arith.addf %add3A_1297, %mul3A_1386 : vector<16xf32>
        %get3A_1388 = arith.index_cast %add3A_1312 : i32 to index
        %get3A_1389 = arith.constant 224 : index
        %get3A_1390 = tpu.vector_load %arg8[%get3A_1388, %get3A_1389] {strides = array<i32>} : memref<128x256xf32, #tpu.memory_space<vmem>>, vector<1x16xf32>,
        %get3A_1391 = vector.shape_cast %get3A_1390 : vector<1x16xf32> to vector<16xf32>
        %add3A_1392 = arith.addf %add3A_1387, %get3A_1391 : vector<16xf32>
        %get3A_1393 = arith.index_cast %add3A_1312 : i32 to index
        %get3A_1394 = arith.constant 112 : index
        %get3A_1395 = tpu.vector_load %arg8[%get3A_1393, %get3A_1394] {strides = array<i32>} : memref<128x256xf32, #tpu.memory_space<vmem>>, vector<1x16xf32>,
        %get3A_1396 = vector.shape_cast %get3A_1395 : vector<1x16xf32> to vector<16xf32>
        %mul3A_1397 = arith.mulf %broadcast_in_dim3A_1315, %get3A_1396 : vector<16xf32>
        %add3A_1398 = arith.addf %add3A_1308, %mul3A_1397 : vector<16xf32>
        %get3A_1399 = arith.index_cast %add3A_1312 : i32 to index
        %get3A_1400 = arith.constant 240 : index
        %get3A_1401 = tpu.vector_load %arg8[%get3A_1399, %get3A_1400] {strides = array<i32>} : memref<128x256xf32, #tpu.memory_space<vmem>>, vector<1x16xf32>,
        %get3A_1402 = vector.shape_cast %get3A_1401 : vector<1x16xf32> to vector<16xf32>
        %add3A_1403 = arith.addf %add3A_1398, %get3A_1402 : vector<16xf32>
        %mul3A_1404 = arith.constant 16 : i32
        %mul3A_1405 = arith.muli %scan3A_346, %mul3A_1404 : i32
        %add3A_1406 = arith.constant 11 : i32
        %add3A_1407 = arith.addi %mul3A_1405, %add3A_1406 : i32
        %slice3A_1408 = vector.extract_strided_slice %get3A_360 {offsets = [11], sizes = [1], strides = [1]} : vector<16xf32> to vector<1xf32>
        %squeeze3A_1409 = vector.extract %slice3A_1408[0] : f32 from vector<1xf32>
        %broadcast_in_dim3A_1410 = vector.broadcast %squeeze3A_1409 : f32 to vector<16xf32>
        %get3A_1411 = arith.index_cast %add3A_1407 : i32 to index
        %get3A_1412 = arith.constant 0 : index
        %get3A_1413 = tpu.vector_load %arg8[%get3A_1411, %get3A_1412] {strides = array<i32>} : memref<128x256xf32, #tpu.memory_space<vmem>>, vector<1x16xf32>,
        %get3A_1414 = vector.shape_cast %get3A_1413 : vector<1x16xf32> to vector<16xf32>
        %mul3A_1415 = arith.mulf %broadcast_in_dim3A_1410, %get3A_1414 : vector<16xf32>
        %add3A_1416 = arith.addf %add3A_1326, %mul3A_1415 : vector<16xf32>
        %get3A_1417 = arith.index_cast %add3A_1407 : i32 to index
        %get3A_1418 = arith.constant 128 : index
        %get3A_1419 = tpu.vector_load %arg8[%get3A_1417, %get3A_1418] {strides = array<i32>} : memref<128x256xf32, #tpu.memory_space<vmem>>, vector<1x16xf32>,
        %get3A_1420 = vector.shape_cast %get3A_1419 : vector<1x16xf32> to vector<16xf32>
        %add3A_1421 = arith.addf %add3A_1416, %get3A_1420 : vector<16xf32>
        %get3A_1422 = arith.index_cast %add3A_1407 : i32 to index
        %get3A_1423 = arith.constant 16 : index
        %get3A_1424 = tpu.vector_load %arg8[%get3A_1422, %get3A_1423] {strides = array<i32>} : memref<128x256xf32, #tpu.memory_space<vmem>>, vector<1x16xf32>,
        %get3A_1425 = vector.shape_cast %get3A_1424 : vector<1x16xf32> to vector<16xf32>
        %mul3A_1426 = arith.mulf %broadcast_in_dim3A_1410, %get3A_1425 : vector<16xf32>
        %add3A_1427 = arith.addf %add3A_1337, %mul3A_1426 : vector<16xf32>
        %get3A_1428 = arith.index_cast %add3A_1407 : i32 to index
        %get3A_1429 = arith.constant 144 : index
        %get3A_1430 = tpu.vector_load %arg8[%get3A_1428, %get3A_1429] {strides = array<i32>} : memref<128x256xf32, #tpu.memory_space<vmem>>, vector<1x16xf32>,
        %get3A_1431 = vector.shape_cast %get3A_1430 : vector<1x16xf32> to vector<16xf32>
        %add3A_1432 = arith.addf %add3A_1427, %get3A_1431 : vector<16xf32>
        %get3A_1433 = arith.index_cast %add3A_1407 : i32 to index
        %get3A_1434 = arith.constant 32 : index
        %get3A_1435 = tpu.vector_load %arg8[%get3A_1433, %get3A_1434] {strides = array<i32>} : memref<128x256xf32, #tpu.memory_space<vmem>>, vector<1x16xf32>,
        %get3A_1436 = vector.shape_cast %get3A_1435 : vector<1x16xf32> to vector<16xf32>
        %mul3A_1437 = arith.mulf %broadcast_in_dim3A_1410, %get3A_1436 : vector<16xf32>
        %add3A_1438 = arith.addf %add3A_1348, %mul3A_1437 : vector<16xf32>
        %get3A_1439 = arith.index_cast %add3A_1407 : i32 to index
        %get3A_1440 = arith.constant 160 : index
        %get3A_1441 = tpu.vector_load %arg8[%get3A_1439, %get3A_1440] {strides = array<i32>} : memref<128x256xf32, #tpu.memory_space<vmem>>, vector<1x16xf32>,
        %get3A_1442 = vector.shape_cast %get3A_1441 : vector<1x16xf32> to vector<16xf32>
        %add3A_1443 = arith.addf %add3A_1438, %get3A_1442 : vector<16xf32>
        %get3A_1444 = arith.index_cast %add3A_1407 : i32 to index
        %get3A_1445 = arith.constant 48 : index
        %get3A_1446 = tpu.vector_load %arg8[%get3A_1444, %get3A_1445] {strides = array<i32>} : memref<128x256xf32, #tpu.memory_space<vmem>>, vector<1x16xf32>,
        %get3A_1447 = vector.shape_cast %get3A_1446 : vector<1x16xf32> to vector<16xf32>
        %mul3A_1448 = arith.mulf %broadcast_in_dim3A_1410, %get3A_1447 : vector<16xf32>
        %add3A_1449 = arith.addf %add3A_1359, %mul3A_1448 : vector<16xf32>
        %get3A_1450 = arith.index_cast %add3A_1407 : i32 to index
        %get3A_1451 = arith.constant 176 : index
        %get3A_1452 = tpu.vector_load %arg8[%get3A_1450, %get3A_1451] {strides = array<i32>} : memref<128x256xf32, #tpu.memory_space<vmem>>, vector<1x16xf32>,
        %get3A_1453 = vector.shape_cast %get3A_1452 : vector<1x16xf32> to vector<16xf32>
        %add3A_1454 = arith.addf %add3A_1449, %get3A_1453 : vector<16xf32>
        %get3A_1455 = arith.index_cast %add3A_1407 : i32 to index
        %get3A_1456 = arith.constant 64 : index
        %get3A_1457 = tpu.vector_load %arg8[%get3A_1455, %get3A_1456] {strides = array<i32>} : memref<128x256xf32, #tpu.memory_space<vmem>>, vector<1x16xf32>,
        %get3A_1458 = vector.shape_cast %get3A_1457 : vector<1x16xf32> to vector<16xf32>
        %mul3A_1459 = arith.mulf %broadcast_in_dim3A_1410, %get3A_1458 : vector<16xf32>
        %add3A_1460 = arith.addf %add3A_1370, %mul3A_1459 : vector<16xf32>
        %get3A_1461 = arith.index_cast %add3A_1407 : i32 to index
        %get3A_1462 = arith.constant 192 : index
        %get3A_1463 = tpu.vector_load %arg8[%get3A_1461, %get3A_1462] {strides = array<i32>} : memref<128x256xf32, #tpu.memory_space<vmem>>, vector<1x16xf32>,
        %get3A_1464 = vector.shape_cast %get3A_1463 : vector<1x16xf32> to vector<16xf32>
        %add3A_1465 = arith.addf %add3A_1460, %get3A_1464 : vector<16xf32>
        %get3A_1466 = arith.index_cast %add3A_1407 : i32 to index
        %get3A_1467 = arith.constant 80 : index
        %get3A_1468 = tpu.vector_load %arg8[%get3A_1466, %get3A_1467] {strides = array<i32>} : memref<128x256xf32, #tpu.memory_space<vmem>>, vector<1x16xf32>,
        %get3A_1469 = vector.shape_cast %get3A_1468 : vector<1x16xf32> to vector<16xf32>
        %mul3A_1470 = arith.mulf %broadcast_in_dim3A_1410, %get3A_1469 : vector<16xf32>
        %add3A_1471 = arith.addf %add3A_1381, %mul3A_1470 : vector<16xf32>
        %get3A_1472 = arith.index_cast %add3A_1407 : i32 to index
        %get3A_1473 = arith.constant 208 : index
        %get3A_1474 = tpu.vector_load %arg8[%get3A_1472, %get3A_1473] {strides = array<i32>} : memref<128x256xf32, #tpu.memory_space<vmem>>, vector<1x16xf32>,
        %get3A_1475 = vector.shape_cast %get3A_1474 : vector<1x16xf32> to vector<16xf32>
        %add3A_1476 = arith.addf %add3A_1471, %get3A_1475 : vector<16xf32>
        %get3A_1477 = arith.index_cast %add3A_1407 : i32 to index
        %get3A_1478 = arith.constant 96 : index
        %get3A_1479 = tpu.vector_load %arg8[%get3A_1477, %get3A_1478] {strides = array<i32>} : memref<128x256xf32, #tpu.memory_space<vmem>>, vector<1x16xf32>,
        %get3A_1480 = vector.shape_cast %get3A_1479 : vector<1x16xf32> to vector<16xf32>
        %mul3A_1481 = arith.mulf %broadcast_in_dim3A_1410, %get3A_1480 : vector<16xf32>
        %add3A_1482 = arith.addf %add3A_1392, %mul3A_1481 : vector<16xf32>
        %get3A_1483 = arith.index_cast %add3A_1407 : i32 to index
        %get3A_1484 = arith.constant 224 : index
        %get3A_1485 = tpu.vector_load %arg8[%get3A_1483, %get3A_1484] {strides = array<i32>} : memref<128x256xf32, #tpu.memory_space<vmem>>, vector<1x16xf32>,
        %get3A_1486 = vector.shape_cast %get3A_1485 : vector<1x16xf32> to vector<16xf32>
        %add3A_1487 = arith.addf %add3A_1482, %get3A_1486 : vector<16xf32>
        %get3A_1488 = arith.index_cast %add3A_1407 : i32 to index
        %get3A_1489 = arith.constant 112 : index
        %get3A_1490 = tpu.vector_load %arg8[%get3A_1488, %get3A_1489] {strides = array<i32>} : memref<128x256xf32, #tpu.memory_space<vmem>>, vector<1x16xf32>,
        %get3A_1491 = vector.shape_cast %get3A_1490 : vector<1x16xf32> to vector<16xf32>
        %mul3A_1492 = arith.mulf %broadcast_in_dim3A_1410, %get3A_1491 : vector<16xf32>
        %add3A_1493 = arith.addf %add3A_1403, %mul3A_1492 : vector<16xf32>
        %get3A_1494 = arith.index_cast %add3A_1407 : i32 to index
        %get3A_1495 = arith.constant 240 : index
        %get3A_1496 = tpu.vector_load %arg8[%get3A_1494, %get3A_1495] {strides = array<i32>} : memref<128x256xf32, #tpu.memory_space<vmem>>, vector<1x16xf32>,
        %get3A_1497 = vector.shape_cast %get3A_1496 : vector<1x16xf32> to vector<16xf32>
        %add3A_1498 = arith.addf %add3A_1493, %get3A_1497 : vector<16xf32>
        %mul3A_1499 = arith.constant 16 : i32
        %mul3A_1500 = arith.muli %scan3A_346, %mul3A_1499 : i32
        %add3A_1501 = arith.constant 12 : i32
        %add3A_1502 = arith.addi %mul3A_1500, %add3A_1501 : i32
        %slice3A_1503 = vector.extract_strided_slice %get3A_360 {offsets = [12], sizes = [1], strides = [1]} : vector<16xf32> to vector<1xf32>
        %squeeze3A_1504 = vector.extract %slice3A_1503[0] : f32 from vector<1xf32>
        %broadcast_in_dim3A_1505 = vector.broadcast %squeeze3A_1504 : f32 to vector<16xf32>
        %get3A_1506 = arith.index_cast %add3A_1502 : i32 to index
        %get3A_1507 = arith.constant 0 : index
        %get3A_1508 = tpu.vector_load %arg8[%get3A_1506, %get3A_1507] {strides = array<i32>} : memref<128x256xf32, #tpu.memory_space<vmem>>, vector<1x16xf32>,
        %get3A_1509 = vector.shape_cast %get3A_1508 : vector<1x16xf32> to vector<16xf32>
        %mul3A_1510 = arith.mulf %broadcast_in_dim3A_1505, %get3A_1509 : vector<16xf32>
        %add3A_1511 = arith.addf %add3A_1421, %mul3A_1510 : vector<16xf32>
        %get3A_1512 = arith.index_cast %add3A_1502 : i32 to index
        %get3A_1513 = arith.constant 128 : index
        %get3A_1514 = tpu.vector_load %arg8[%get3A_1512, %get3A_1513] {strides = array<i32>} : memref<128x256xf32, #tpu.memory_space<vmem>>, vector<1x16xf32>,
        %get3A_1515 = vector.shape_cast %get3A_1514 : vector<1x16xf32> to vector<16xf32>
        %add3A_1516 = arith.addf %add3A_1511, %get3A_1515 : vector<16xf32>
        %get3A_1517 = arith.index_cast %add3A_1502 : i32 to index
        %get3A_1518 = arith.constant 16 : index
        %get3A_1519 = tpu.vector_load %arg8[%get3A_1517, %get3A_1518] {strides = array<i32>} : memref<128x256xf32, #tpu.memory_space<vmem>>, vector<1x16xf32>,
        %get3A_1520 = vector.shape_cast %get3A_1519 : vector<1x16xf32> to vector<16xf32>
        %mul3A_1521 = arith.mulf %broadcast_in_dim3A_1505, %get3A_1520 : vector<16xf32>
        %add3A_1522 = arith.addf %add3A_1432, %mul3A_1521 : vector<16xf32>
        %get3A_1523 = arith.index_cast %add3A_1502 : i32 to index
        %get3A_1524 = arith.constant 144 : index
        %get3A_1525 = tpu.vector_load %arg8[%get3A_1523, %get3A_1524] {strides = array<i32>} : memref<128x256xf32, #tpu.memory_space<vmem>>, vector<1x16xf32>,
        %get3A_1526 = vector.shape_cast %get3A_1525 : vector<1x16xf32> to vector<16xf32>
        %add3A_1527 = arith.addf %add3A_1522, %get3A_1526 : vector<16xf32>
        %get3A_1528 = arith.index_cast %add3A_1502 : i32 to index
        %get3A_1529 = arith.constant 32 : index
        %get3A_1530 = tpu.vector_load %arg8[%get3A_1528, %get3A_1529] {strides = array<i32>} : memref<128x256xf32, #tpu.memory_space<vmem>>, vector<1x16xf32>,
        %get3A_1531 = vector.shape_cast %get3A_1530 : vector<1x16xf32> to vector<16xf32>
        %mul3A_1532 = arith.mulf %broadcast_in_dim3A_1505, %get3A_1531 : vector<16xf32>
        %add3A_1533 = arith.addf %add3A_1443, %mul3A_1532 : vector<16xf32>
        %get3A_1534 = arith.index_cast %add3A_1502 : i32 to index
        %get3A_1535 = arith.constant 160 : index
        %get3A_1536 = tpu.vector_load %arg8[%get3A_1534, %get3A_1535] {strides = array<i32>} : memref<128x256xf32, #tpu.memory_space<vmem>>, vector<1x16xf32>,
        %get3A_1537 = vector.shape_cast %get3A_1536 : vector<1x16xf32> to vector<16xf32>
        %add3A_1538 = arith.addf %add3A_1533, %get3A_1537 : vector<16xf32>
        %get3A_1539 = arith.index_cast %add3A_1502 : i32 to index
        %get3A_1540 = arith.constant 48 : index
        %get3A_1541 = tpu.vector_load %arg8[%get3A_1539, %get3A_1540] {strides = array<i32>} : memref<128x256xf32, #tpu.memory_space<vmem>>, vector<1x16xf32>,
        %get3A_1542 = vector.shape_cast %get3A_1541 : vector<1x16xf32> to vector<16xf32>
        %mul3A_1543 = arith.mulf %broadcast_in_dim3A_1505, %get3A_1542 : vector<16xf32>
        %add3A_1544 = arith.addf %add3A_1454, %mul3A_1543 : vector<16xf32>
        %get3A_1545 = arith.index_cast %add3A_1502 : i32 to index
        %get3A_1546 = arith.constant 176 : index
        %get3A_1547 = tpu.vector_load %arg8[%get3A_1545, %get3A_1546] {strides = array<i32>} : memref<128x256xf32, #tpu.memory_space<vmem>>, vector<1x16xf32>,
        %get3A_1548 = vector.shape_cast %get3A_1547 : vector<1x16xf32> to vector<16xf32>
        %add3A_1549 = arith.addf %add3A_1544, %get3A_1548 : vector<16xf32>
        %get3A_1550 = arith.index_cast %add3A_1502 : i32 to index
        %get3A_1551 = arith.constant 64 : index
        %get3A_1552 = tpu.vector_load %arg8[%get3A_1550, %get3A_1551] {strides = array<i32>} : memref<128x256xf32, #tpu.memory_space<vmem>>, vector<1x16xf32>,
        %get3A_1553 = vector.shape_cast %get3A_1552 : vector<1x16xf32> to vector<16xf32>
        %mul3A_1554 = arith.mulf %broadcast_in_dim3A_1505, %get3A_1553 : vector<16xf32>
        %add3A_1555 = arith.addf %add3A_1465, %mul3A_1554 : vector<16xf32>
        %get3A_1556 = arith.index_cast %add3A_1502 : i32 to index
        %get3A_1557 = arith.constant 192 : index
        %get3A_1558 = tpu.vector_load %arg8[%get3A_1556, %get3A_1557] {strides = array<i32>} : memref<128x256xf32, #tpu.memory_space<vmem>>, vector<1x16xf32>,
        %get3A_1559 = vector.shape_cast %get3A_1558 : vector<1x16xf32> to vector<16xf32>
        %add3A_1560 = arith.addf %add3A_1555, %get3A_1559 : vector<16xf32>
        %get3A_1561 = arith.index_cast %add3A_1502 : i32 to index
        %get3A_1562 = arith.constant 80 : index
        %get3A_1563 = tpu.vector_load %arg8[%get3A_1561, %get3A_1562] {strides = array<i32>} : memref<128x256xf32, #tpu.memory_space<vmem>>, vector<1x16xf32>,
        %get3A_1564 = vector.shape_cast %get3A_1563 : vector<1x16xf32> to vector<16xf32>
        %mul3A_1565 = arith.mulf %broadcast_in_dim3A_1505, %get3A_1564 : vector<16xf32>
        %add3A_1566 = arith.addf %add3A_1476, %mul3A_1565 : vector<16xf32>
        %get3A_1567 = arith.index_cast %add3A_1502 : i32 to index
        %get3A_1568 = arith.constant 208 : index
        %get3A_1569 = tpu.vector_load %arg8[%get3A_1567, %get3A_1568] {strides = array<i32>} : memref<128x256xf32, #tpu.memory_space<vmem>>, vector<1x16xf32>,
        %get3A_1570 = vector.shape_cast %get3A_1569 : vector<1x16xf32> to vector<16xf32>
        %add3A_1571 = arith.addf %add3A_1566, %get3A_1570 : vector<16xf32>
        %get3A_1572 = arith.index_cast %add3A_1502 : i32 to index
        %get3A_1573 = arith.constant 96 : index
        %get3A_1574 = tpu.vector_load %arg8[%get3A_1572, %get3A_1573] {strides = array<i32>} : memref<128x256xf32, #tpu.memory_space<vmem>>, vector<1x16xf32>,
        %get3A_1575 = vector.shape_cast %get3A_1574 : vector<1x16xf32> to vector<16xf32>
        %mul3A_1576 = arith.mulf %broadcast_in_dim3A_1505, %get3A_1575 : vector<16xf32>
        %add3A_1577 = arith.addf %add3A_1487, %mul3A_1576 : vector<16xf32>
        %get3A_1578 = arith.index_cast %add3A_1502 : i32 to index
        %get3A_1579 = arith.constant 224 : index
        %get3A_1580 = tpu.vector_load %arg8[%get3A_1578, %get3A_1579] {strides = array<i32>} : memref<128x256xf32, #tpu.memory_space<vmem>>, vector<1x16xf32>,
        %get3A_1581 = vector.shape_cast %get3A_1580 : vector<1x16xf32> to vector<16xf32>
        %add3A_1582 = arith.addf %add3A_1577, %get3A_1581 : vector<16xf32>
        %get3A_1583 = arith.index_cast %add3A_1502 : i32 to index
        %get3A_1584 = arith.constant 112 : index
        %get3A_1585 = tpu.vector_load %arg8[%get3A_1583, %get3A_1584] {strides = array<i32>} : memref<128x256xf32, #tpu.memory_space<vmem>>, vector<1x16xf32>,
        %get3A_1586 = vector.shape_cast %get3A_1585 : vector<1x16xf32> to vector<16xf32>
        %mul3A_1587 = arith.mulf %broadcast_in_dim3A_1505, %get3A_1586 : vector<16xf32>
        %add3A_1588 = arith.addf %add3A_1498, %mul3A_1587 : vector<16xf32>
        %get3A_1589 = arith.index_cast %add3A_1502 : i32 to index
        %get3A_1590 = arith.constant 240 : index
        %get3A_1591 = tpu.vector_load %arg8[%get3A_1589, %get3A_1590] {strides = array<i32>} : memref<128x256xf32, #tpu.memory_space<vmem>>, vector<1x16xf32>,
        %get3A_1592 = vector.shape_cast %get3A_1591 : vector<1x16xf32> to vector<16xf32>
        %add3A_1593 = arith.addf %add3A_1588, %get3A_1592 : vector<16xf32>
        %mul3A_1594 = arith.constant 16 : i32
        %mul3A_1595 = arith.muli %scan3A_346, %mul3A_1594 : i32
        %add3A_1596 = arith.constant 13 : i32
        %add3A_1597 = arith.addi %mul3A_1595, %add3A_1596 : i32
        %slice3A_1598 = vector.extract_strided_slice %get3A_360 {offsets = [13], sizes = [1], strides = [1]} : vector<16xf32> to vector<1xf32>
        %squeeze3A_1599 = vector.extract %slice3A_1598[0] : f32 from vector<1xf32>
        %broadcast_in_dim3A_1600 = vector.broadcast %squeeze3A_1599 : f32 to vector<16xf32>
        %get3A_1601 = arith.index_cast %add3A_1597 : i32 to index
        %get3A_1602 = arith.constant 0 : index
        %get3A_1603 = tpu.vector_load %arg8[%get3A_1601, %get3A_1602] {strides = array<i32>} : memref<128x256xf32, #tpu.memory_space<vmem>>, vector<1x16xf32>,
        %get3A_1604 = vector.shape_cast %get3A_1603 : vector<1x16xf32> to vector<16xf32>
        %mul3A_1605 = arith.mulf %broadcast_in_dim3A_1600, %get3A_1604 : vector<16xf32>
        %add3A_1606 = arith.addf %add3A_1516, %mul3A_1605 : vector<16xf32>
        %get3A_1607 = arith.index_cast %add3A_1597 : i32 to index
        %get3A_1608 = arith.constant 128 : index
        %get3A_1609 = tpu.vector_load %arg8[%get3A_1607, %get3A_1608] {strides = array<i32>} : memref<128x256xf32, #tpu.memory_space<vmem>>, vector<1x16xf32>,
        %get3A_1610 = vector.shape_cast %get3A_1609 : vector<1x16xf32> to vector<16xf32>
        %add3A_1611 = arith.addf %add3A_1606, %get3A_1610 : vector<16xf32>
        %get3A_1612 = arith.index_cast %add3A_1597 : i32 to index
        %get3A_1613 = arith.constant 16 : index
        %get3A_1614 = tpu.vector_load %arg8[%get3A_1612, %get3A_1613] {strides = array<i32>} : memref<128x256xf32, #tpu.memory_space<vmem>>, vector<1x16xf32>,
        %get3A_1615 = vector.shape_cast %get3A_1614 : vector<1x16xf32> to vector<16xf32>
        %mul3A_1616 = arith.mulf %broadcast_in_dim3A_1600, %get3A_1615 : vector<16xf32>
        %add3A_1617 = arith.addf %add3A_1527, %mul3A_1616 : vector<16xf32>
        %get3A_1618 = arith.index_cast %add3A_1597 : i32 to index
        %get3A_1619 = arith.constant 144 : index
        %get3A_1620 = tpu.vector_load %arg8[%get3A_1618, %get3A_1619] {strides = array<i32>} : memref<128x256xf32, #tpu.memory_space<vmem>>, vector<1x16xf32>,
        %get3A_1621 = vector.shape_cast %get3A_1620 : vector<1x16xf32> to vector<16xf32>
        %add3A_1622 = arith.addf %add3A_1617, %get3A_1621 : vector<16xf32>
        %get3A_1623 = arith.index_cast %add3A_1597 : i32 to index
        %get3A_1624 = arith.constant 32 : index
        %get3A_1625 = tpu.vector_load %arg8[%get3A_1623, %get3A_1624] {strides = array<i32>} : memref<128x256xf32, #tpu.memory_space<vmem>>, vector<1x16xf32>,
        %get3A_1626 = vector.shape_cast %get3A_1625 : vector<1x16xf32> to vector<16xf32>
        %mul3A_1627 = arith.mulf %broadcast_in_dim3A_1600, %get3A_1626 : vector<16xf32>
        %add3A_1628 = arith.addf %add3A_1538, %mul3A_1627 : vector<16xf32>
        %get3A_1629 = arith.index_cast %add3A_1597 : i32 to index
        %get3A_1630 = arith.constant 160 : index
        %get3A_1631 = tpu.vector_load %arg8[%get3A_1629, %get3A_1630] {strides = array<i32>} : memref<128x256xf32, #tpu.memory_space<vmem>>, vector<1x16xf32>,
        %get3A_1632 = vector.shape_cast %get3A_1631 : vector<1x16xf32> to vector<16xf32>
        %add3A_1633 = arith.addf %add3A_1628, %get3A_1632 : vector<16xf32>
        %get3A_1634 = arith.index_cast %add3A_1597 : i32 to index
        %get3A_1635 = arith.constant 48 : index
        %get3A_1636 = tpu.vector_load %arg8[%get3A_1634, %get3A_1635] {strides = array<i32>} : memref<128x256xf32, #tpu.memory_space<vmem>>, vector<1x16xf32>,
        %get3A_1637 = vector.shape_cast %get3A_1636 : vector<1x16xf32> to vector<16xf32>
        %mul3A_1638 = arith.mulf %broadcast_in_dim3A_1600, %get3A_1637 : vector<16xf32>
        %add3A_1639 = arith.addf %add3A_1549, %mul3A_1638 : vector<16xf32>
        %get3A_1640 = arith.index_cast %add3A_1597 : i32 to index
        %get3A_1641 = arith.constant 176 : index
        %get3A_1642 = tpu.vector_load %arg8[%get3A_1640, %get3A_1641] {strides = array<i32>} : memref<128x256xf32, #tpu.memory_space<vmem>>, vector<1x16xf32>,
        %get3A_1643 = vector.shape_cast %get3A_1642 : vector<1x16xf32> to vector<16xf32>
        %add3A_1644 = arith.addf %add3A_1639, %get3A_1643 : vector<16xf32>
        %get3A_1645 = arith.index_cast %add3A_1597 : i32 to index
        %get3A_1646 = arith.constant 64 : index
        %get3A_1647 = tpu.vector_load %arg8[%get3A_1645, %get3A_1646] {strides = array<i32>} : memref<128x256xf32, #tpu.memory_space<vmem>>, vector<1x16xf32>,
        %get3A_1648 = vector.shape_cast %get3A_1647 : vector<1x16xf32> to vector<16xf32>
        %mul3A_1649 = arith.mulf %broadcast_in_dim3A_1600, %get3A_1648 : vector<16xf32>
        %add3A_1650 = arith.addf %add3A_1560, %mul3A_1649 : vector<16xf32>
        %get3A_1651 = arith.index_cast %add3A_1597 : i32 to index
        %get3A_1652 = arith.constant 192 : index
        %get3A_1653 = tpu.vector_load %arg8[%get3A_1651, %get3A_1652] {strides = array<i32>} : memref<128x256xf32, #tpu.memory_space<vmem>>, vector<1x16xf32>,
        %get3A_1654 = vector.shape_cast %get3A_1653 : vector<1x16xf32> to vector<16xf32>
        %add3A_1655 = arith.addf %add3A_1650, %get3A_1654 : vector<16xf32>
        %get3A_1656 = arith.index_cast %add3A_1597 : i32 to index
        %get3A_1657 = arith.constant 80 : index
        %get3A_1658 = tpu.vector_load %arg8[%get3A_1656, %get3A_1657] {strides = array<i32>} : memref<128x256xf32, #tpu.memory_space<vmem>>, vector<1x16xf32>,
        %get3A_1659 = vector.shape_cast %get3A_1658 : vector<1x16xf32> to vector<16xf32>
        %mul3A_1660 = arith.mulf %broadcast_in_dim3A_1600, %get3A_1659 : vector<16xf32>
        %add3A_1661 = arith.addf %add3A_1571, %mul3A_1660 : vector<16xf32>
        %get3A_1662 = arith.index_cast %add3A_1597 : i32 to index
        %get3A_1663 = arith.constant 208 : index
        %get3A_1664 = tpu.vector_load %arg8[%get3A_1662, %get3A_1663] {strides = array<i32>} : memref<128x256xf32, #tpu.memory_space<vmem>>, vector<1x16xf32>,
        %get3A_1665 = vector.shape_cast %get3A_1664 : vector<1x16xf32> to vector<16xf32>
        %add3A_1666 = arith.addf %add3A_1661, %get3A_1665 : vector<16xf32>
        %get3A_1667 = arith.index_cast %add3A_1597 : i32 to index
        %get3A_1668 = arith.constant 96 : index
        %get3A_1669 = tpu.vector_load %arg8[%get3A_1667, %get3A_1668] {strides = array<i32>} : memref<128x256xf32, #tpu.memory_space<vmem>>, vector<1x16xf32>,
        %get3A_1670 = vector.shape_cast %get3A_1669 : vector<1x16xf32> to vector<16xf32>
        %mul3A_1671 = arith.mulf %broadcast_in_dim3A_1600, %get3A_1670 : vector<16xf32>
        %add3A_1672 = arith.addf %add3A_1582, %mul3A_1671 : vector<16xf32>
        %get3A_1673 = arith.index_cast %add3A_1597 : i32 to index
        %get3A_1674 = arith.constant 224 : index
        %get3A_1675 = tpu.vector_load %arg8[%get3A_1673, %get3A_1674] {strides = array<i32>} : memref<128x256xf32, #tpu.memory_space<vmem>>, vector<1x16xf32>,
        %get3A_1676 = vector.shape_cast %get3A_1675 : vector<1x16xf32> to vector<16xf32>
        %add3A_1677 = arith.addf %add3A_1672, %get3A_1676 : vector<16xf32>
        %get3A_1678 = arith.index_cast %add3A_1597 : i32 to index
        %get3A_1679 = arith.constant 112 : index
        %get3A_1680 = tpu.vector_load %arg8[%get3A_1678, %get3A_1679] {strides = array<i32>} : memref<128x256xf32, #tpu.memory_space<vmem>>, vector<1x16xf32>,
        %get3A_1681 = vector.shape_cast %get3A_1680 : vector<1x16xf32> to vector<16xf32>
        %mul3A_1682 = arith.mulf %broadcast_in_dim3A_1600, %get3A_1681 : vector<16xf32>
        %add3A_1683 = arith.addf %add3A_1593, %mul3A_1682 : vector<16xf32>
        %get3A_1684 = arith.index_cast %add3A_1597 : i32 to index
        %get3A_1685 = arith.constant 240 : index
        %get3A_1686 = tpu.vector_load %arg8[%get3A_1684, %get3A_1685] {strides = array<i32>} : memref<128x256xf32, #tpu.memory_space<vmem>>, vector<1x16xf32>,
        %get3A_1687 = vector.shape_cast %get3A_1686 : vector<1x16xf32> to vector<16xf32>
        %add3A_1688 = arith.addf %add3A_1683, %get3A_1687 : vector<16xf32>
        %mul3A_1689 = arith.constant 16 : i32
        %mul3A_1690 = arith.muli %scan3A_346, %mul3A_1689 : i32
        %add3A_1691 = arith.constant 14 : i32
        %add3A_1692 = arith.addi %mul3A_1690, %add3A_1691 : i32
        %slice3A_1693 = vector.extract_strided_slice %get3A_360 {offsets = [14], sizes = [1], strides = [1]} : vector<16xf32> to vector<1xf32>
        %squeeze3A_1694 = vector.extract %slice3A_1693[0] : f32 from vector<1xf32>
        %broadcast_in_dim3A_1695 = vector.broadcast %squeeze3A_1694 : f32 to vector<16xf32>
        %get3A_1696 = arith.index_cast %add3A_1692 : i32 to index
        %get3A_1697 = arith.constant 0 : index
        %get3A_1698 = tpu.vector_load %arg8[%get3A_1696, %get3A_1697] {strides = array<i32>} : memref<128x256xf32, #tpu.memory_space<vmem>>, vector<1x16xf32>,
        %get3A_1699 = vector.shape_cast %get3A_1698 : vector<1x16xf32> to vector<16xf32>
        %mul3A_1700 = arith.mulf %broadcast_in_dim3A_1695, %get3A_1699 : vector<16xf32>
        %add3A_1701 = arith.addf %add3A_1611, %mul3A_1700 : vector<16xf32>
        %get3A_1702 = arith.index_cast %add3A_1692 : i32 to index
        %get3A_1703 = arith.constant 128 : index
        %get3A_1704 = tpu.vector_load %arg8[%get3A_1702, %get3A_1703] {strides = array<i32>} : memref<128x256xf32, #tpu.memory_space<vmem>>, vector<1x16xf32>,
        %get3A_1705 = vector.shape_cast %get3A_1704 : vector<1x16xf32> to vector<16xf32>
        %add3A_1706 = arith.addf %add3A_1701, %get3A_1705 : vector<16xf32>
        %get3A_1707 = arith.index_cast %add3A_1692 : i32 to index
        %get3A_1708 = arith.constant 16 : index
        %get3A_1709 = tpu.vector_load %arg8[%get3A_1707, %get3A_1708] {strides = array<i32>} : memref<128x256xf32, #tpu.memory_space<vmem>>, vector<1x16xf32>,
        %get3A_1710 = vector.shape_cast %get3A_1709 : vector<1x16xf32> to vector<16xf32>
        %mul3A_1711 = arith.mulf %broadcast_in_dim3A_1695, %get3A_1710 : vector<16xf32>
        %add3A_1712 = arith.addf %add3A_1622, %mul3A_1711 : vector<16xf32>
        %get3A_1713 = arith.index_cast %add3A_1692 : i32 to index
        %get3A_1714 = arith.constant 144 : index
        %get3A_1715 = tpu.vector_load %arg8[%get3A_1713, %get3A_1714] {strides = array<i32>} : memref<128x256xf32, #tpu.memory_space<vmem>>, vector<1x16xf32>,
        %get3A_1716 = vector.shape_cast %get3A_1715 : vector<1x16xf32> to vector<16xf32>
        %add3A_1717 = arith.addf %add3A_1712, %get3A_1716 : vector<16xf32>
        %get3A_1718 = arith.index_cast %add3A_1692 : i32 to index
        %get3A_1719 = arith.constant 32 : index
        %get3A_1720 = tpu.vector_load %arg8[%get3A_1718, %get3A_1719] {strides = array<i32>} : memref<128x256xf32, #tpu.memory_space<vmem>>, vector<1x16xf32>,
        %get3A_1721 = vector.shape_cast %get3A_1720 : vector<1x16xf32> to vector<16xf32>
        %mul3A_1722 = arith.mulf %broadcast_in_dim3A_1695, %get3A_1721 : vector<16xf32>
        %add3A_1723 = arith.addf %add3A_1633, %mul3A_1722 : vector<16xf32>
        %get3A_1724 = arith.index_cast %add3A_1692 : i32 to index
        %get3A_1725 = arith.constant 160 : index
        %get3A_1726 = tpu.vector_load %arg8[%get3A_1724, %get3A_1725] {strides = array<i32>} : memref<128x256xf32, #tpu.memory_space<vmem>>, vector<1x16xf32>,
        %get3A_1727 = vector.shape_cast %get3A_1726 : vector<1x16xf32> to vector<16xf32>
        %add3A_1728 = arith.addf %add3A_1723, %get3A_1727 : vector<16xf32>
        %get3A_1729 = arith.index_cast %add3A_1692 : i32 to index
        %get3A_1730 = arith.constant 48 : index
        %get3A_1731 = tpu.vector_load %arg8[%get3A_1729, %get3A_1730] {strides = array<i32>} : memref<128x256xf32, #tpu.memory_space<vmem>>, vector<1x16xf32>,
        %get3A_1732 = vector.shape_cast %get3A_1731 : vector<1x16xf32> to vector<16xf32>
        %mul3A_1733 = arith.mulf %broadcast_in_dim3A_1695, %get3A_1732 : vector<16xf32>
        %add3A_1734 = arith.addf %add3A_1644, %mul3A_1733 : vector<16xf32>
        %get3A_1735 = arith.index_cast %add3A_1692 : i32 to index
        %get3A_1736 = arith.constant 176 : index
        %get3A_1737 = tpu.vector_load %arg8[%get3A_1735, %get3A_1736] {strides = array<i32>} : memref<128x256xf32, #tpu.memory_space<vmem>>, vector<1x16xf32>,
        %get3A_1738 = vector.shape_cast %get3A_1737 : vector<1x16xf32> to vector<16xf32>
        %add3A_1739 = arith.addf %add3A_1734, %get3A_1738 : vector<16xf32>
        %get3A_1740 = arith.index_cast %add3A_1692 : i32 to index
        %get3A_1741 = arith.constant 64 : index
        %get3A_1742 = tpu.vector_load %arg8[%get3A_1740, %get3A_1741] {strides = array<i32>} : memref<128x256xf32, #tpu.memory_space<vmem>>, vector<1x16xf32>,
        %get3A_1743 = vector.shape_cast %get3A_1742 : vector<1x16xf32> to vector<16xf32>
        %mul3A_1744 = arith.mulf %broadcast_in_dim3A_1695, %get3A_1743 : vector<16xf32>
        %add3A_1745 = arith.addf %add3A_1655, %mul3A_1744 : vector<16xf32>
        %get3A_1746 = arith.index_cast %add3A_1692 : i32 to index
        %get3A_1747 = arith.constant 192 : index
        %get3A_1748 = tpu.vector_load %arg8[%get3A_1746, %get3A_1747] {strides = array<i32>} : memref<128x256xf32, #tpu.memory_space<vmem>>, vector<1x16xf32>,
        %get3A_1749 = vector.shape_cast %get3A_1748 : vector<1x16xf32> to vector<16xf32>
        %add3A_1750 = arith.addf %add3A_1745, %get3A_1749 : vector<16xf32>
        %get3A_1751 = arith.index_cast %add3A_1692 : i32 to index
        %get3A_1752 = arith.constant 80 : index
        %get3A_1753 = tpu.vector_load %arg8[%get3A_1751, %get3A_1752] {strides = array<i32>} : memref<128x256xf32, #tpu.memory_space<vmem>>, vector<1x16xf32>,
        %get3A_1754 = vector.shape_cast %get3A_1753 : vector<1x16xf32> to vector<16xf32>
        %mul3A_1755 = arith.mulf %broadcast_in_dim3A_1695, %get3A_1754 : vector<16xf32>
        %add3A_1756 = arith.addf %add3A_1666, %mul3A_1755 : vector<16xf32>
        %get3A_1757 = arith.index_cast %add3A_1692 : i32 to index
        %get3A_1758 = arith.constant 208 : index
        %get3A_1759 = tpu.vector_load %arg8[%get3A_1757, %get3A_1758] {strides = array<i32>} : memref<128x256xf32, #tpu.memory_space<vmem>>, vector<1x16xf32>,
        %get3A_1760 = vector.shape_cast %get3A_1759 : vector<1x16xf32> to vector<16xf32>
        %add3A_1761 = arith.addf %add3A_1756, %get3A_1760 : vector<16xf32>
        %get3A_1762 = arith.index_cast %add3A_1692 : i32 to index
        %get3A_1763 = arith.constant 96 : index
        %get3A_1764 = tpu.vector_load %arg8[%get3A_1762, %get3A_1763] {strides = array<i32>} : memref<128x256xf32, #tpu.memory_space<vmem>>, vector<1x16xf32>,
        %get3A_1765 = vector.shape_cast %get3A_1764 : vector<1x16xf32> to vector<16xf32>
        %mul3A_1766 = arith.mulf %broadcast_in_dim3A_1695, %get3A_1765 : vector<16xf32>
        %add3A_1767 = arith.addf %add3A_1677, %mul3A_1766 : vector<16xf32>
        %get3A_1768 = arith.index_cast %add3A_1692 : i32 to index
        %get3A_1769 = arith.constant 224 : index
        %get3A_1770 = tpu.vector_load %arg8[%get3A_1768, %get3A_1769] {strides = array<i32>} : memref<128x256xf32, #tpu.memory_space<vmem>>, vector<1x16xf32>,
        %get3A_1771 = vector.shape_cast %get3A_1770 : vector<1x16xf32> to vector<16xf32>
        %add3A_1772 = arith.addf %add3A_1767, %get3A_1771 : vector<16xf32>
        %get3A_1773 = arith.index_cast %add3A_1692 : i32 to index
        %get3A_1774 = arith.constant 112 : index
        %get3A_1775 = tpu.vector_load %arg8[%get3A_1773, %get3A_1774] {strides = array<i32>} : memref<128x256xf32, #tpu.memory_space<vmem>>, vector<1x16xf32>,
        %get3A_1776 = vector.shape_cast %get3A_1775 : vector<1x16xf32> to vector<16xf32>
        %mul3A_1777 = arith.mulf %broadcast_in_dim3A_1695, %get3A_1776 : vector<16xf32>
        %add3A_1778 = arith.addf %add3A_1688, %mul3A_1777 : vector<16xf32>
        %get3A_1779 = arith.index_cast %add3A_1692 : i32 to index
        %get3A_1780 = arith.constant 240 : index
        %get3A_1781 = tpu.vector_load %arg8[%get3A_1779, %get3A_1780] {strides = array<i32>} : memref<128x256xf32, #tpu.memory_space<vmem>>, vector<1x16xf32>,
        %get3A_1782 = vector.shape_cast %get3A_1781 : vector<1x16xf32> to vector<16xf32>
        %add3A_1783 = arith.addf %add3A_1778, %get3A_1782 : vector<16xf32>
        %mul3A_1784 = arith.constant 16 : i32
        %mul3A_1785 = arith.muli %scan3A_346, %mul3A_1784 : i32
        %add3A_1786 = arith.constant 15 : i32
        %add3A_1787 = arith.addi %mul3A_1785, %add3A_1786 : i32
        %slice3A_1788 = vector.extract_strided_slice %get3A_360 {offsets = [15], sizes = [1], strides = [1]} : vector<16xf32> to vector<1xf32>
        %squeeze3A_1789 = vector.extract %slice3A_1788[0] : f32 from vector<1xf32>
        %broadcast_in_dim3A_1790 = vector.broadcast %squeeze3A_1789 : f32 to vector<16xf32>
        %get3A_1791 = arith.index_cast %add3A_1787 : i32 to index
        %get3A_1792 = arith.constant 0 : index
        %get3A_1793 = tpu.vector_load %arg8[%get3A_1791, %get3A_1792] {strides = array<i32>} : memref<128x256xf32, #tpu.memory_space<vmem>>, vector<1x16xf32>,
        %get3A_1794 = vector.shape_cast %get3A_1793 : vector<1x16xf32> to vector<16xf32>
        %mul3A_1795 = arith.mulf %broadcast_in_dim3A_1790, %get3A_1794 : vector<16xf32>
        %add3A_1796 = arith.addf %add3A_1706, %mul3A_1795 : vector<16xf32>
        %get3A_1797 = arith.index_cast %add3A_1787 : i32 to index
        %get3A_1798 = arith.constant 128 : index
        %get3A_1799 = tpu.vector_load %arg8[%get3A_1797, %get3A_1798] {strides = array<i32>} : memref<128x256xf32, #tpu.memory_space<vmem>>, vector<1x16xf32>,
        %get3A_1800 = vector.shape_cast %get3A_1799 : vector<1x16xf32> to vector<16xf32>
        %add3A_1801 = arith.addf %add3A_1796, %get3A_1800 : vector<16xf32>
        %get3A_1802 = arith.index_cast %add3A_1787 : i32 to index
        %get3A_1803 = arith.constant 16 : index
        %get3A_1804 = tpu.vector_load %arg8[%get3A_1802, %get3A_1803] {strides = array<i32>} : memref<128x256xf32, #tpu.memory_space<vmem>>, vector<1x16xf32>,
        %get3A_1805 = vector.shape_cast %get3A_1804 : vector<1x16xf32> to vector<16xf32>
        %mul3A_1806 = arith.mulf %broadcast_in_dim3A_1790, %get3A_1805 : vector<16xf32>
        %add3A_1807 = arith.addf %add3A_1717, %mul3A_1806 : vector<16xf32>
        %get3A_1808 = arith.index_cast %add3A_1787 : i32 to index
        %get3A_1809 = arith.constant 144 : index
        %get3A_1810 = tpu.vector_load %arg8[%get3A_1808, %get3A_1809] {strides = array<i32>} : memref<128x256xf32, #tpu.memory_space<vmem>>, vector<1x16xf32>,
        %get3A_1811 = vector.shape_cast %get3A_1810 : vector<1x16xf32> to vector<16xf32>
        %add3A_1812 = arith.addf %add3A_1807, %get3A_1811 : vector<16xf32>
        %get3A_1813 = arith.index_cast %add3A_1787 : i32 to index
        %get3A_1814 = arith.constant 32 : index
        %get3A_1815 = tpu.vector_load %arg8[%get3A_1813, %get3A_1814] {strides = array<i32>} : memref<128x256xf32, #tpu.memory_space<vmem>>, vector<1x16xf32>,
        %get3A_1816 = vector.shape_cast %get3A_1815 : vector<1x16xf32> to vector<16xf32>
        %mul3A_1817 = arith.mulf %broadcast_in_dim3A_1790, %get3A_1816 : vector<16xf32>
        %add3A_1818 = arith.addf %add3A_1728, %mul3A_1817 : vector<16xf32>
        %get3A_1819 = arith.index_cast %add3A_1787 : i32 to index
        %get3A_1820 = arith.constant 160 : index
        %get3A_1821 = tpu.vector_load %arg8[%get3A_1819, %get3A_1820] {strides = array<i32>} : memref<128x256xf32, #tpu.memory_space<vmem>>, vector<1x16xf32>,
        %get3A_1822 = vector.shape_cast %get3A_1821 : vector<1x16xf32> to vector<16xf32>
        %add3A_1823 = arith.addf %add3A_1818, %get3A_1822 : vector<16xf32>
        %get3A_1824 = arith.index_cast %add3A_1787 : i32 to index
        %get3A_1825 = arith.constant 48 : index
        %get3A_1826 = tpu.vector_load %arg8[%get3A_1824, %get3A_1825] {strides = array<i32>} : memref<128x256xf32, #tpu.memory_space<vmem>>, vector<1x16xf32>,
        %get3A_1827 = vector.shape_cast %get3A_1826 : vector<1x16xf32> to vector<16xf32>
        %mul3A_1828 = arith.mulf %broadcast_in_dim3A_1790, %get3A_1827 : vector<16xf32>
        %add3A_1829 = arith.addf %add3A_1739, %mul3A_1828 : vector<16xf32>
        %get3A_1830 = arith.index_cast %add3A_1787 : i32 to index
        %get3A_1831 = arith.constant 176 : index
        %get3A_1832 = tpu.vector_load %arg8[%get3A_1830, %get3A_1831] {strides = array<i32>} : memref<128x256xf32, #tpu.memory_space<vmem>>, vector<1x16xf32>,
        %get3A_1833 = vector.shape_cast %get3A_1832 : vector<1x16xf32> to vector<16xf32>
        %add3A_1834 = arith.addf %add3A_1829, %get3A_1833 : vector<16xf32>
        %get3A_1835 = arith.index_cast %add3A_1787 : i32 to index
        %get3A_1836 = arith.constant 64 : index
        %get3A_1837 = tpu.vector_load %arg8[%get3A_1835, %get3A_1836] {strides = array<i32>} : memref<128x256xf32, #tpu.memory_space<vmem>>, vector<1x16xf32>,
        %get3A_1838 = vector.shape_cast %get3A_1837 : vector<1x16xf32> to vector<16xf32>
        %mul3A_1839 = arith.mulf %broadcast_in_dim3A_1790, %get3A_1838 : vector<16xf32>
        %add3A_1840 = arith.addf %add3A_1750, %mul3A_1839 : vector<16xf32>
        %get3A_1841 = arith.index_cast %add3A_1787 : i32 to index
        %get3A_1842 = arith.constant 192 : index
        %get3A_1843 = tpu.vector_load %arg8[%get3A_1841, %get3A_1842] {strides = array<i32>} : memref<128x256xf32, #tpu.memory_space<vmem>>, vector<1x16xf32>,
        %get3A_1844 = vector.shape_cast %get3A_1843 : vector<1x16xf32> to vector<16xf32>
        %add3A_1845 = arith.addf %add3A_1840, %get3A_1844 : vector<16xf32>
        %get3A_1846 = arith.index_cast %add3A_1787 : i32 to index
        %get3A_1847 = arith.constant 80 : index
        %get3A_1848 = tpu.vector_load %arg8[%get3A_1846, %get3A_1847] {strides = array<i32>} : memref<128x256xf32, #tpu.memory_space<vmem>>, vector<1x16xf32>,
        %get3A_1849 = vector.shape_cast %get3A_1848 : vector<1x16xf32> to vector<16xf32>
        %mul3A_1850 = arith.mulf %broadcast_in_dim3A_1790, %get3A_1849 : vector<16xf32>
        %add3A_1851 = arith.addf %add3A_1761, %mul3A_1850 : vector<16xf32>
        %get3A_1852 = arith.index_cast %add3A_1787 : i32 to index
        %get3A_1853 = arith.constant 208 : index
        %get3A_1854 = tpu.vector_load %arg8[%get3A_1852, %get3A_1853] {strides = array<i32>} : memref<128x256xf32, #tpu.memory_space<vmem>>, vector<1x16xf32>,
        %get3A_1855 = vector.shape_cast %get3A_1854 : vector<1x16xf32> to vector<16xf32>
        %add3A_1856 = arith.addf %add3A_1851, %get3A_1855 : vector<16xf32>
        %get3A_1857 = arith.index_cast %add3A_1787 : i32 to index
        %get3A_1858 = arith.constant 96 : index
        %get3A_1859 = tpu.vector_load %arg8[%get3A_1857, %get3A_1858] {strides = array<i32>} : memref<128x256xf32, #tpu.memory_space<vmem>>, vector<1x16xf32>,
        %get3A_1860 = vector.shape_cast %get3A_1859 : vector<1x16xf32> to vector<16xf32>
        %mul3A_1861 = arith.mulf %broadcast_in_dim3A_1790, %get3A_1860 : vector<16xf32>
        %add3A_1862 = arith.addf %add3A_1772, %mul3A_1861 : vector<16xf32>
        %get3A_1863 = arith.index_cast %add3A_1787 : i32 to index
        %get3A_1864 = arith.constant 224 : index
        %get3A_1865 = tpu.vector_load %arg8[%get3A_1863, %get3A_1864] {strides = array<i32>} : memref<128x256xf32, #tpu.memory_space<vmem>>, vector<1x16xf32>,
        %get3A_1866 = vector.shape_cast %get3A_1865 : vector<1x16xf32> to vector<16xf32>
        %add3A_1867 = arith.addf %add3A_1862, %get3A_1866 : vector<16xf32>
        %get3A_1868 = arith.index_cast %add3A_1787 : i32 to index
        %get3A_1869 = arith.constant 112 : index
        %get3A_1870 = tpu.vector_load %arg8[%get3A_1868, %get3A_1869] {strides = array<i32>} : memref<128x256xf32, #tpu.memory_space<vmem>>, vector<1x16xf32>,
        %get3A_1871 = vector.shape_cast %get3A_1870 : vector<1x16xf32> to vector<16xf32>
        %mul3A_1872 = arith.mulf %broadcast_in_dim3A_1790, %get3A_1871 : vector<16xf32>
        %add3A_1873 = arith.addf %add3A_1783, %mul3A_1872 : vector<16xf32>
        %get3A_1874 = arith.index_cast %add3A_1787 : i32 to index
        %get3A_1875 = arith.constant 240 : index
        %get3A_1876 = tpu.vector_load %arg8[%get3A_1874, %get3A_1875] {strides = array<i32>} : memref<128x256xf32, #tpu.memory_space<vmem>>, vector<1x16xf32>,
        %get3A_1877 = vector.shape_cast %get3A_1876 : vector<1x16xf32> to vector<16xf32>
        %add3A_1878 = arith.addf %add3A_1873, %get3A_1877 : vector<16xf32>
        scf.yield %add3A_1801, %add3A_1812, %add3A_1823, %add3A_1834, %add3A_1845, %add3A_1856, %add3A_1867, %add3A_1878 : vector<16xf32>, vector<16xf32>, vector<16xf32>, vector<16xf32>, vector<16xf32>, vector<16xf32>, vector<16xf32>, vector<16xf32>
      }
      %scan3A_273 = arith.constant 8 : i32
      %get3A_274 = arith.constant 0 : index
      %get3A_275 = tpu.vector_load %arg10[%get3A_274] {strides = array<i32>} : memref<128xf32, #tpu.memory_space<vmem>>, vector<16xf32>,
      %get3A_276 = vector.shape_cast %get3A_275 : vector<16xf32> to vector<16xf32>
      %add3A_277 = arith.addf %scan3A_272#0, %get3A_276 : vector<16xf32>
      %swap3A_278 = arith.index_cast %scan3A_8 : i32 to index
      %swap3A_279 = arith.constant 0 : index
      %swap3A_280 = tpu.vector_load %arg9[%swap3A_278, %swap3A_279] {strides = array<i32>} : memref<32x128xf32, #tpu.memory_space<vmem>>, vector<1x16xf32>,
      %swap3A_281 = vector.shape_cast %swap3A_280 : vector<1x16xf32> to vector<16xf32>
      %swap3A_282 = vector.shape_cast %add3A_277 : vector<16xf32> to vector<1x16xf32>
      tpu.vector_store %arg9[%swap3A_278, %swap3A_279], %swap3A_282 {strides = array<i32>} : memref<32x128xf32, #tpu.memory_space<vmem>>, vector<1x16xf32>,
      %get3A_283 = arith.constant 16 : index
      %get3A_284 = tpu.vector_load %arg10[%get3A_283] {strides = array<i32>} : memref<128xf32, #tpu.memory_space<vmem>>, vector<16xf32>,
      %get3A_285 = vector.shape_cast %get3A_284 : vector<16xf32> to vector<16xf32>
      %add3A_286 = arith.addf %scan3A_272#1, %get3A_285 : vector<16xf32>
      %swap3A_287 = arith.index_cast %scan3A_8 : i32 to index
      %swap3A_288 = arith.constant 16 : index
      %swap3A_289 = tpu.vector_load %arg9[%swap3A_287, %swap3A_288] {strides = array<i32>} : memref<32x128xf32, #tpu.memory_space<vmem>>, vector<1x16xf32>,
      %swap3A_290 = vector.shape_cast %swap3A_289 : vector<1x16xf32> to vector<16xf32>
      %swap3A_291 = vector.shape_cast %add3A_286 : vector<16xf32> to vector<1x16xf32>
      tpu.vector_store %arg9[%swap3A_287, %swap3A_288], %swap3A_291 {strides = array<i32>} : memref<32x128xf32, #tpu.memory_space<vmem>>, vector<1x16xf32>,
      %get3A_292 = arith.constant 32 : index
      %get3A_293 = tpu.vector_load %arg10[%get3A_292] {strides = array<i32>} : memref<128xf32, #tpu.memory_space<vmem>>, vector<16xf32>,
      %get3A_294 = vector.shape_cast %get3A_293 : vector<16xf32> to vector<16xf32>
      %add3A_295 = arith.addf %scan3A_272#2, %get3A_294 : vector<16xf32>
      %swap3A_296 = arith.index_cast %scan3A_8 : i32 to index
      %swap3A_297 = arith.constant 32 : index
      %swap3A_298 = tpu.vector_load %arg9[%swap3A_296, %swap3A_297] {strides = array<i32>} : memref<32x128xf32, #tpu.memory_space<vmem>>, vector<1x16xf32>,
      %swap3A_299 = vector.shape_cast %swap3A_298 : vector<1x16xf32> to vector<16xf32>
      %swap3A_300 = vector.shape_cast %add3A_295 : vector<16xf32> to vector<1x16xf32>
      tpu.vector_store %arg9[%swap3A_296, %swap3A_297], %swap3A_300 {strides = array<i32>} : memref<32x128xf32, #tpu.memory_space<vmem>>, vector<1x16xf32>,
      %get3A_301 = arith.constant 48 : index
      %get3A_302 = tpu.vector_load %arg10[%get3A_301] {strides = array<i32>} : memref<128xf32, #tpu.memory_space<vmem>>, vector<16xf32>,
      %get3A_303 = vector.shape_cast %get3A_302 : vector<16xf32> to vector<16xf32>
      %add3A_304 = arith.addf %scan3A_272#3, %get3A_303 : vector<16xf32>
      %swap3A_305 = arith.index_cast %scan3A_8 : i32 to index
      %swap3A_306 = arith.constant 48 : index
      %swap3A_307 = tpu.vector_load %arg9[%swap3A_305, %swap3A_306] {strides = array<i32>} : memref<32x128xf32, #tpu.memory_space<vmem>>, vector<1x16xf32>,
      %swap3A_308 = vector.shape_cast %swap3A_307 : vector<1x16xf32> to vector<16xf32>
      %swap3A_309 = vector.shape_cast %add3A_304 : vector<16xf32> to vector<1x16xf32>
      tpu.vector_store %arg9[%swap3A_305, %swap3A_306], %swap3A_309 {strides = array<i32>} : memref<32x128xf32, #tpu.memory_space<vmem>>, vector<1x16xf32>,
      %get3A_310 = arith.constant 64 : index
      %get3A_311 = tpu.vector_load %arg10[%get3A_310] {strides = array<i32>} : memref<128xf32, #tpu.memory_space<vmem>>, vector<16xf32>,
      %get3A_312 = vector.shape_cast %get3A_311 : vector<16xf32> to vector<16xf32>
      %add3A_313 = arith.addf %scan3A_272#4, %get3A_312 : vector<16xf32>
      %swap3A_314 = arith.index_cast %scan3A_8 : i32 to index
      %swap3A_315 = arith.constant 64 : index
      %swap3A_316 = tpu.vector_load %arg9[%swap3A_314, %swap3A_315] {strides = array<i32>} : memref<32x128xf32, #tpu.memory_space<vmem>>, vector<1x16xf32>,
      %swap3A_317 = vector.shape_cast %swap3A_316 : vector<1x16xf32> to vector<16xf32>
      %swap3A_318 = vector.shape_cast %add3A_313 : vector<16xf32> to vector<1x16xf32>
      tpu.vector_store %arg9[%swap3A_314, %swap3A_315], %swap3A_318 {strides = array<i32>} : memref<32x128xf32, #tpu.memory_space<vmem>>, vector<1x16xf32>,
      %get3A_319 = arith.constant 80 : index
      %get3A_320 = tpu.vector_load %arg10[%get3A_319] {strides = array<i32>} : memref<128xf32, #tpu.memory_space<vmem>>, vector<16xf32>,
      %get3A_321 = vector.shape_cast %get3A_320 : vector<16xf32> to vector<16xf32>
      %add3A_322 = arith.addf %scan3A_272#5, %get3A_321 : vector<16xf32>
      %swap3A_323 = arith.index_cast %scan3A_8 : i32 to index
      %swap3A_324 = arith.constant 80 : index
      %swap3A_325 = tpu.vector_load %arg9[%swap3A_323, %swap3A_324] {strides = array<i32>} : memref<32x128xf32, #tpu.memory_space<vmem>>, vector<1x16xf32>,
      %swap3A_326 = vector.shape_cast %swap3A_325 : vector<1x16xf32> to vector<16xf32>
      %swap3A_327 = vector.shape_cast %add3A_322 : vector<16xf32> to vector<1x16xf32>
      tpu.vector_store %arg9[%swap3A_323, %swap3A_324], %swap3A_327 {strides = array<i32>} : memref<32x128xf32, #tpu.memory_space<vmem>>, vector<1x16xf32>,
      %get3A_328 = arith.constant 96 : index
      %get3A_329 = tpu.vector_load %arg10[%get3A_328] {strides = array<i32>} : memref<128xf32, #tpu.memory_space<vmem>>, vector<16xf32>,
      %get3A_330 = vector.shape_cast %get3A_329 : vector<16xf32> to vector<16xf32>
      %add3A_331 = arith.addf %scan3A_272#6, %get3A_330 : vector<16xf32>
      %swap3A_332 = arith.index_cast %scan3A_8 : i32 to index
      %swap3A_333 = arith.constant 96 : index
      %swap3A_334 = tpu.vector_load %arg9[%swap3A_332, %swap3A_333] {strides = array<i32>} : memref<32x128xf32, #tpu.memory_space<vmem>>, vector<1x16xf32>,
      %swap3A_335 = vector.shape_cast %swap3A_334 : vector<1x16xf32> to vector<16xf32>
      %swap3A_336 = vector.shape_cast %add3A_331 : vector<16xf32> to vector<1x16xf32>
      tpu.vector_store %arg9[%swap3A_332, %swap3A_333], %swap3A_336 {strides = array<i32>} : memref<32x128xf32, #tpu.memory_space<vmem>>, vector<1x16xf32>,
      %get3A_337 = arith.constant 112 : index
      %get3A_338 = tpu.vector_load %arg10[%get3A_337] {strides = array<i32>} : memref<128xf32, #tpu.memory_space<vmem>>, vector<16xf32>,
      %get3A_339 = vector.shape_cast %get3A_338 : vector<16xf32> to vector<16xf32>
      %add3A_340 = arith.addf %scan3A_272#7, %get3A_339 : vector<16xf32>
      %swap3A_341 = arith.index_cast %scan3A_8 : i32 to index
      %swap3A_342 = arith.constant 112 : index
      %swap3A_343 = tpu.vector_load %arg9[%swap3A_341, %swap3A_342] {strides = array<i32>} : memref<32x128xf32, #tpu.memory_space<vmem>>, vector<1x16xf32>,
      %swap3A_344 = vector.shape_cast %swap3A_343 : vector<1x16xf32> to vector<16xf32>
      %swap3A_345 = vector.shape_cast %add3A_340 : vector<16xf32> to vector<1x16xf32>
      tpu.vector_store %arg9[%swap3A_341, %swap3A_342], %swap3A_345 {strides = array<i32>} : memref<32x128xf32, #tpu.memory_space<vmem>>, vector<1x16xf32>,
    }
    %scan3A_7 = arith.constant 32 : i32
    "tpu.region"() ({
      %run_scoped3A = tpu.sem_alloc : memref<!tpu.dma_semaphore, #tpu.memory_space<semaphore_mem>>
      %dma_start3A = arith.constant 0 : i32
      %dma_start3A_8 = tpu.memref_slice %arg5[%mul3A_2, %dma_start3A] : memref<1024x128xf32, #tpu.memory_space<hbm>> -> memref<32x128xf32, #tpu.memory_space<hbm>>
      %dma_start3A_9 = arith.constant 0 : i32
      %dma_start3A_10 = tpu.memref_slice %arg5[%mul3A_2, %dma_start3A_9] : memref<1024x128xf32, #tpu.memory_space<hbm>> -> memref<32x128xf32, #tpu.memory_space<hbm>>
      tpu.enqueue_dma source(%arg9 : memref<32x128xf32, #tpu.memory_space<vmem>>) target(%dma_start3A_10 : memref<32x128xf32, #tpu.memory_space<hbm>>) target_semaphore(%run_scoped3A : memref<!tpu.dma_semaphore, #tpu.memory_space<semaphore_mem>>)
      %dma_wait3A = arith.constant 0 : i32
      %dma_wait3A_11 = tpu.memref_slice %arg5[%mul3A_2, %dma_wait3A] : memref<1024x128xf32, #tpu.memory_space<hbm>> -> memref<32x128xf32, #tpu.memory_space<hbm>>
      %dma_wait3A_12 = arith.constant 0 : i32
      %dma_wait3A_13 = tpu.memref_slice %arg5[%mul3A_2, %dma_wait3A_12] : memref<1024x128xf32, #tpu.memory_space<hbm>> -> memref<32x128xf32, #tpu.memory_space<hbm>>
      tpu.wait_dma2 semaphore(%run_scoped3A : memref<!tpu.dma_semaphore, #tpu.memory_space<semaphore_mem>>) src(%arg9 : memref<32x128xf32, #tpu.memory_space<vmem>>) dst(%dma_wait3A_13 : memref<32x128xf32, #tpu.memory_space<hbm>>)
      tpu.yield
    }) : () -> ()
    return
  }
}

</mosaic_0001>

<sc_bundles>
// kernel: kernel.3.cloned.1.call-start
scs
__scs_entry_jumppad:
0x0: {  	(pc) =	sbr.rel $0x88, $3  }
0x1: {  	(tag) =	ssettag $0x0;
	lr =	simm.s32 $0x1  }
0x2: {  	[smem:$0x3F9D] =	sst lr;
	_ =	strace $0xD0000000  }
0x3: {  	_ = 	snop  }
0x4: {  	_ = 	snop  }
0x5: {  	_ = 	snop  }
0x6: {  	_ = 	snop  }
0x7: {  	_ = 	snop  }
__scs_overlays_trampoline_lowered:
0x8: {  	[smem:$0x3FAC] =	sst s0  }
0x9: {  	[smem:$0x3FAD] =	sst s1  }
0xa: {  	[smem:$0x3FAE] =	sst s2  }
0xb: {  	[smem:$0x3FAF] =	sst s3  }
0xc: {  	[smem:$0x3FB0] =	sst s4  }
0xd: {  	[smem:$0x3FB1] =	sst s5  }
0xe: {  	[smem:$0x3FB2] =	sst s6  }
0xf: {  	[smem:$0x3FB3] =	sst s7  }
0x10: {  	[smem:$0x3FB4] =	sst s8  }
0x11: {  	[smem:$0x3FB5] =	sst s9;
	s0 =	simm.s32 @!p0 $0x0  }
0x12: {  	s1 =	sld [smem:$0x3F9B];
	s0 =	simm.s32 @p0 $0x1  }
0x13: {  	[smem:$0x3FB6] =	sst s0;
	s0 =	simm.s32 @!p1 $0x0  }
0x14: {  	s2 =	sld [smem:$0x3F9A];
	s0 =	simm.s32 @p1 $0x1  }
0x15: {  	[smem:$0x3FB7] =	sst s0;
	s0 =	simm.s32 @!p2 $0x0  }
0x16: {  	s3 =	sld [smem:$0x3FDB];
	s0 =	simm.s32 @p2 $0x1  }
0x17: {  	s4 =	simm.s32 $0x1BF5;
	[smem:$0x3FB9] =	sst s0  }
0x18: {  	s0 =	sld [smem:$0x3F9C];
	_ =	swait.ge [sflag:s4], $0x0  }
0x19: {  	s7 =	sld [smem:$0x3F9D]  }
0x1a: {  	s8 =	sadd.s32 $0xFFFFE003, lr  }
0x1b: {  	s9 =	sadd.s32 $0xFFFFFEF7, lr;
	s5 =	simm.s32 $0xFFFFFFFF;
	p2 =	slt.u32 s8, $0xFFFFF086  }
0x1c: {  	p1 =	slt.u32 s9, $0xF7A;
	s5 =	simm.s32 @!p2 $0x0  }
0x1d: {  	s5 =	simm.s32 @p1 $0x1;
	p0 =	seq.s32 s7, s2  }
0x1e: {  	s7 =	smul.u32 @!p0 $0xF7A, s2;
	p2 =	seq.s32 @!p0 s5, $0x0  }
0x1f: {  	s9 =	smul.u32 $0xF7A, s1;
	s8 =	simm.s32 @!p0 $0x1BF5;
	p2 =	por !p2, p0  }
0x20: {  	[sflag:s8] =	ssyncset.s32 @!p0 $0xFFFFF086;
	s6 =	sadd.s32 @!p0 s3, s7;
	s7 =	simm.s32 @!p0 $0x108  }
0x21: {  	s3 =	sadd.s32 s3, s9;
	s6 =	sadd.s32 @!p0 $0x88, s6;
	s7 =	simm.s32 @p2 $0x1082  }
0x22: {  	[simem:s7], [sflag:s8] =	dma.local @!p0 [hbm:s6], $0xF7A  }
0x23: {  	s9 =	sor.u32 $0xD0000000, s2;
	s6 =	simm.s32 $0x108;
	_ =	swait.ge @!p0 [sflag:s8], $0x0  }
0x24: {  	s3 =	sadd.s32 $0x88, s3;
	s6 =	simm.s32 @!p1 $0x1082;
	[sflag:s4] =	ssyncset.s32 $0xFFFFF086  }
0x25: {  	[simem:s6], [sflag:s4] =	dma.local [hbm:s3], $0xF7A  }
0x26: {  	[smem:$0x3F9D] =	sst s1;
	(tag) =	ssettag s2;
	_ =	strace s9  }
0x27: {  	s1 =	sld [smem:$0x3FAD]  }
0x28: {  	s2 =	sld [smem:$0x3FAE]  }
0x29: {  	s4 =	sld [smem:$0x3FB0]  }
0x2a: {  	p0 =	seq.s32 s5, $0x0;
	s5 =	sld [smem:$0x3FB1]  }
0x2b: {  	s6 =	sld [smem:$0x3FB2]  }
0x2c: {  	s7 =	sld [smem:$0x3FB3]  }
0x2d: {  	s3 =	simm.s32 $0x108;
	s8 =	sld [smem:$0x3FB4]  }
0x2e: {  	s3 =	simm.s32 @!p0 $0x1082;
	s9 =	sld [smem:$0x3FB5]  }
0x2f: {  	lr =	sadd.s32 s0, s3;
	s0 =	sld [smem:$0x3FAC]  }
0x30: {  	s3 =	sld [smem:$0x3FAF]  }
0x31: {  	[smem:$0x3FB8] =	sst s10  }
0x32: {  	s10 =	sld [smem:$0x3FB6];
	_ =	sdelay $0x3  }
0x33: {  	p0 =	seq.s32 s10, $0x1;
	s10 =	sld [smem:$0x3FB8];
	_ =	sdelay $0x3  }
0x34: {  	[smem:$0x3FB8] =	sst s10  }
0x35: {  	s10 =	sld [smem:$0x3FB7];
	_ =	sdelay $0x3  }
0x36: {  	p1 =	seq.s32 s10, $0x1;
	s10 =	sld [smem:$0x3FB8];
	_ =	sdelay $0x3  }
0x37: {  	[smem:$0x3FB8] =	sst s10  }
0x38: {  	s10 =	sld [smem:$0x3FB9]  }
0x39: {  	_ = 	snop;
	(pc) =	sbr.ind lr, $3  }
0x3a: {  	_ = 	snop  }
0x3b: {  	_ = 	snop  }
0x3c: {  	p2 =	seq.s32 s10, $0x1;
	s10 =	sld [smem:$0x3FB8]  }
0x3d: {  	_ =	shalt  }
0x3e: {  	_ =	shalt  }
0x3f: {  	_ =	shalt  }
0x40: {  	_ =	shalt  }
0x41: {  	_ =	shalt  }
0x42: {  	_ =	shalt  }
0x43: {  	_ =	shalt  }
0x44: {  	_ =	shalt  }
0x45: {  	_ =	shalt  }
0x46: {  	_ =	shalt  }
0x47: {  	_ =	shalt  }
0x48: {  	_ =	shalt  }
0x49: {  	_ =	shalt  }
0x4a: {  	_ =	shalt  }
0x4b: {  	_ =	shalt  }
0x4c: {  	_ =	shalt  }
0x4d: {  	_ =	shalt  }
0x4e: {  	_ =	shalt  }
0x4f: {  	_ =	shalt  }
0x50: {  	_ =	shalt  }
0x51: {  	_ =	shalt  }
0x52: {  	_ =	shalt  }
0x53: {  	_ =	shalt  }
0x54: {  	_ =	shalt  }
0x55: {  	_ =	shalt  }
0x56: {  	_ =	shalt  }
0x57: {  	_ =	shalt  }
0x58: {  	_ =	shalt  }
0x59: {  	_ =	shalt  }
0x5a: {  	_ =	shalt  }
0x5b: {  	_ =	shalt  }
0x5c: {  	_ =	shalt  }
0x5d: {  	_ =	shalt  }
0x5e: {  	_ =	shalt  }
0x5f: {  	_ =	shalt  }
0x60: {  	_ =	shalt  }
0x61: {  	_ =	shalt  }
0x62: {  	_ =	shalt  }
0x63: {  	_ =	shalt  }
0x64: {  	_ =	shalt  }
0x65: {  	_ =	shalt  }
0x66: {  	_ =	shalt  }
0x67: {  	_ =	shalt  }
0x68: {  	_ =	shalt  }
0x69: {  	_ =	shalt  }
0x6a: {  	_ =	shalt  }
0x6b: {  	_ =	shalt  }
0x6c: {  	_ =	shalt  }
0x6d: {  	_ =	shalt  }
0x6e: {  	_ =	shalt  }
0x6f: {  	_ =	shalt  }
0x70: {  	_ =	shalt  }
0x71: {  	_ =	shalt  }
0x72: {  	_ =	shalt  }
0x73: {  	_ =	shalt  }
0x74: {  	_ =	shalt  }
0x75: {  	_ =	shalt  }
0x76: {  	_ =	shalt  }
0x77: {  	_ =	shalt  }
0x78: {  	_ =	shalt  }
0x79: {  	_ =	shalt  }
0x7a: {  	_ =	shalt  }
0x7b: {  	_ =	shalt  }
0x7c: {  	_ =	shalt  }
0x7d: {  	_ =	shalt  }
0x7e: {  	_ =	shalt  }
0x7f: {  	_ =	shalt  }
0x80: {  	_ =	shalt  }
0x81: {  	_ =	shalt  }
0x82: {  	_ =	shalt  }
0x83: {  	_ =	shalt  }
0x84: {  	_ =	shalt  }
0x85: {  	_ =	shalt  }
0x86: {  	_ =	shalt  }
0x87: {  	_ =	shalt  }
.Lfunc_end0:
.L_simem_size_0:
called_computation_lowered:
.L_overlay_start_0:
0x88: {  	s2 =	sld [smem:$0x3FD9]  }
0x89: {  	s3 =	sld [smem:$0x3FFE];
	_ =	sdelay $0x1  }
0x8a: {  	s1 =	srdreg.scid  }
0x8b: {  	s0 =	sand.u32 $0x1, s1  }
0x8c: {  	s17 =	sshll.u32 s0, $0xA;
	s2 =	sadd.s32 s3, s2  }
0x8d: {  	s2 =	sadd.s32 s2, s17  }
0x8e: {  	[smem:$0x3FC4] =	sst s2  }
0x8f: {  	_ = 	snop  }
0x90: {  	s2 =	sld [smem:$0x3FC9]  }
0x91: {  	s18 =	sld [smem:$0x3FC6]  }
0x92: {  	s4 =	sld [smem:$0x3FD0];
	(tm) =	ssettm $0x1  }
0x93: {  	s5 =	sld [smem:$0x3FFB];
	_ =	sdelay $0x3  }
0x94: {  	_ =	strace s5  }
0x95: {  	s5 =	sld [smem:$0x3FFC];
	_ =	sdelay $0x3  }
0x96: {  	_ =	strace s5  }
0x97: {  	s5 =	sld [smem:$0x3FFD];
	_ =	sdelay $0x3  }
0x98: {  	_ =	strace s5  }
0x99: {  	_ =	strace $0x8FFFFFFF  }
0x9a: {  	s19 =	sld [smem:$0x3FDB];
	_ =	sdelay $0x1  }
0x9b: {  	s6 =	simm.s32 $_scs_section_size  }
0x9c: {  	s7 =	simm.s32 $_size__tile_overlayer_lowered;
	s8 =	simm.s32 $_tile_overlayer_lowered  }
0x9d: {  	s22 =	simm.s32 $0x1BFF;
	s21 =	sshll.u32 s8, $0x1;
	s5 =	sadd.s32 s6, s19  }
0x9e: {  	s9 =	simm.s32 $0x0;
	s20 =	sshll.u32 s7, $0x1;
	s7 =	sadd.s32 s21, s5  }
0x9f: {  	[timem:s9], [sflag:s22] =	dma.local [hbm:s7], s20  }
0xa0: {  	_ =	swait.ge [sflag:s22], s20  }
0xa1: {  	s6 =	ssub.s32 $0x0, s20;
	[sflag:s22] =	ssyncset.done $0x0  }
0xa2: {  	[sflag:s22] =	ssyncadd.s32 s6;
	_ =	sdelay $0x1  }
0xa3: {  	s23 =	simm.s32 $0x1B8B  }
0xa4: {  	_ =	swait.ge [sflag:s23], $0x1  }
0xa5: {  	[sflag:s23] =	ssyncset.done $0x0  }
0xa6: {  	s25 =	simm.s32 $0x1B8E;
	s24 =	sld [smem:$0x3FFE];
	[sflag:s23] =	ssyncadd.s32 $0xFFFFFFFF  }
0xa7: {  	s26 =	simm.s32 $execute0_lowered;
	[smem:$0x3FD2] =	sst s25  }
0xa8: {  	s7 =	sshll.u32 s26, $0x1;
	_ =	strace $0x80000046;
	[dreg:$0x1] =	wrdreg $0xFFFFFFFF  }
0xa9: {  	s28 =	simm.s32 $_size_execute0_lowered;
	s5 =	sadd.s32 s5, s7;
	[dreg:$0x0] =	wrdreg $0x0  }
0xaa: {  	s7 =	sshll.u32 s28, $0x1;
	[dreg:$0x2] =	wrdreg s5  }
0xab: {  	[dreg:$0x3] =	wrdreg s7  }
0xac: {  	[dreg:$0x4] =	wrdreg $0xC0  }
0xad: {  	_ =	task [dreg:s9], $0x5FFFF  }
0xae: {  	[dreg:$0x1] =	wrdreg $0xFFFFFFFF  }
0xaf: {  	[dreg:$0x0] =	wrdreg $0x60  }
0xb0: {  	[dreg:$0x2] =	wrdreg s2  }
0xb1: {  	[dreg:$0x3] =	wrdreg s24  }
0xb2: {  	[dreg:$0x4] =	wrdreg s18  }
0xb3: {  	[dreg:$0x5] =	wrdreg s4  }
0xb4: {  	[dreg:$0x6] =	wrdreg $0x9  }
0xb5: {  	_ =	task.clear_ibuf [dreg:s9], $0x7FFFF;
	_ =	strace $0x90000046  }
0xb6: {  	s29 =	simm.s32 $0x9;
	_ =	strace $0x80000048  }
0xb7: {  	_ =	swait.ge [sflag:s29], $0x1  }
0xb8: {  	[sflag:s29] =	ssyncadd.s32 $0xFFFFFFFF  }
0xb9: {  	_ =	strace $0x90000048  }
0xba: {  	_ =	sfence  }
0xbb: {  	s30 =	sld [smem:$0x0];
	_ =	sdelay $0x2  }
0xbc: {  	s31 =	sshll.u32 s1, $0xD;
	s1 =	sshrl.u32 s1, $0x2  }
0xbd: {  	s3 =	sand.u32 $0x4000, s31;
	s1 =	sadd.s32 s1, s30  }
0xbe: {  	s0 =	sor.u32 s3, s0;
	s1 =	sshll.u32 s1, $0x11  }
0xbf: {  	s0 =	sor.u32 s1, s0  }
0xc0: {  	s0 =	sadd.s32 $0x8F2B, s0  }
0xc1: {  	[sflag:s0] =	ssyncadd.remote.s32 $0x1  }
0xc2: {  	_ =	sfence.sel $0xFFFF  }
0xc3: {  	[dreg:$0x0] =	wrdreg $0xFFFFFFFF;
	(pc) =	sbr.abs _section_cstart, $3  }
0xc4: {  	[dreg:$0x1] =	wrdreg $0xFFFFFFFF  }
0xc5: {  	_ =	task.clear_ibuf [dreg:s9], $0x2FFFF;
	_ =	strace $0x9FFFFFFF  }
0xc6: {  	(tm) =	ssettm $0x7FFFFFFF  }
0xc7: {  	_ =	shalt  }
tec
execute0_lowered:
.L_overlay_start_1:
0x0: {  	(tag) =	ssettag $0x1  }
0x1: {  	s0 =	rddreg [dreg:$0x0]  }
0x2: {  	s1 =	rddreg [dreg:$0x1]  }
0x3: {  	s2 =	rddreg [dreg:$0x3];
	s8 =	simm.s32 $0x0;
	s3 =	srdreg.scid;
	v0 =	vlaneseq.u32  }
0x4: {  	s4 =	stileid.u32;
	s10 =	simm.s32 $0x1080;
	[smem:$0x7FF] =	sst s8;
	v62 =	vand.u32 $0x7, v0  }
0x5: {  	s11 =	simm.s32 $0x1880;
	s12 =	simm.s32 $0x2080;
	v1 =	vmul.u32 $0x10, v0;
	v63 =	vshrl.u32 v0, $0x3;
	v0 =	vor.u32 $0x8, v0;
	_ =	strace $0x80000047;
	[tilespmem:$0x1FFD0] =	vst v62  }
0x6: {  	s13 =	simm.s32 $0x2880;
	s14 =	simm.s32 $0x3080;
	s15 =	simm.s32 $0x3880;
	[tilespmem:$0x1FFF0] =	vst v0  }
0x7: {  	s16 =	simm.s32 $0x4080;
	s17 =	simm.s32 $0x4880;
	s18 =	simm.s32 $0x5080;
	v2 =	vor.u32 $0x100, v1;
	[tilespmem:$0x1FFB0] =	vst v1  }
0x8: {  	s19 =	simm.s32 $0x5880;
	s20 =	simm.s32 $0x6080;
	s21 =	simm.s32 $0x6880;
	v57 =	vor.u32 $0x200, v1;
	[tilespmem:$0x1FF50] =	vst v2  }
0x9: {  	s22 =	simm.s32 $0x7080;
	s23 =	simm.s32 $0x7880;
	s3 =	sand.u32 $0x1, s3;
	v58 =	vor.u32 $0x300, v1;
	[tilespmem:$0x1FF60] =	vst v57  }
0xa: {  	s7 =	sshll.u32 s4, $0xA;
	s5 =	ssub.s32 $0x2, s3;
	s3 =	sshll.u32 s3, $0x9;
	v59 =	vor.u32 $0x400, v1;
	[tilespmem:$0x1FF70] =	vst v58  }
0xb: {  	s24 =	simm.s32 $0x8080;
	s25 =	simm.s32 $0x8880;
	s3 =	sor.u32 s3, s7;
	v60 =	vor.u32 $0x500, v1;
	[tilespmem:$0x1FF80] =	vst v59  }
0xc: {  	s26 =	simm.s32 $0x1;
	s6 =	sshrl.u32 s5, $0x1;
	v61 =	vor.u32 $0x600, v1;
	v1 =	vor.u32 $0x700, v1;
	s0 =	sadd.s32 s0, s3;
	[tilespmem:$0x1FF90] =	vst v60  }
0xd: {  	s28 =	ssub.s32 s5, s6;
	s30 =	sadd.s32 s2, s3;
	[tilespmem:$0x1FFC0] =	vst v1;
	v1 =	vmul.u32 $0x8, v63;
	[dreg:$0x5] =	wrdreg s0  }
0xe: {  	s29 =	simm.s32 $0x0;
	[tilespmem:$0x1FFA0] =	vst v61;
	[dreg:$0x6] =	wrdreg s30;
	s31 =	smax.u32 s28, $0x1  }
0xf: {  	vm0 =	vmmov $0xffff;
	s4 =	sadd.s32 $0x600, s1;
	s1 =	simm.s32 $0x2;
	[dreg:$0x7] =	wrdreg s31;
	[tilespmem:$0x1FFE0] =	vst v1  }
.LBB2_1:
0x10: {  	s0 =	rddreg [dreg:$0x5]  }
0x11: {  	[tilespmem:s8], [sflag:$0x2] =	stream.linear.gather [hbm4b:s0+s8], $0x1000, $0x38;
	[tilespmem:$0xA100] =	vst v63  }
0x12: {  	_ =	swait.ge [sflag:s1], $0x1000  }
0x13: {  	[sflag:s1] =	ssyncset.done $0x0  }
0x14: {  	[sflag:s1] =	ssyncadd.s32 $0xFFFFF000  }
0x15: {  	s2 =	simm.s32 $0xA080;
	s31 =	rddreg [dreg:$0x2]  }
0x16: {  	[tilespmem:s2], [sflag:$0x2] =	stream.linear.gather [hbm4b:s31+s8], $0x80, $0x38;
	[tilespmem:$0xA100] =	vst v63  }
0x17: {  	_ =	swait.ge [sflag:s1], $0x80  }
0x18: {  	[sflag:s1] =	ssyncset.done $0x0  }
0x19: {  	s30 =	simm.s32 $0x0;
	[sflag:s1] =	ssyncadd.s32 $0xFFFFFF80  }
.LBB2_2:
0x1a: {  	s31 =	sshll.u32 s30, $0x7  }
0x1b: {  	v0 =	vld [tilespmem:s31+$0x0];
	_ =	sdelay $0x4  }
0x1c: {  	v0 =	vmul.f32 $1.600000000e+01, v0;
	_ =	sdelay $0x1  }
0x1d: {  	v0 =	vtrunc.f32 v0  }
0x1e: {  	v1 =	vld [tilespmem:$0x1FFB0];
	v0 =	vcvt.f32.s32 v0;
	_ =	sdelay $0x1  }
0x1f: {  	vm1 =	vgt.s32 v0, $0x0  }
0x20: {  	v0 =	vnsel vm1, $0x0, v0  }
0x21: {  	v0 =	vmin.u32 v0, $0xF  }
0x22: {  	v1 =	vor.u32 v1, v0  }
0x23: {  	[tilespmem:$0x1000] =	vst v1  }
0x24: {  	v2 =	vld [tilespmem:s31+$0x10];
	_ =	sdelay $0x4  }
0x25: {  	v2 =	vmul.f32 $1.600000000e+01, v2;
	_ =	sdelay $0x1  }
0x26: {  	v2 =	vtrunc.f32 v2  }
0x27: {  	v3 =	vld [tilespmem:$0x1FF50];
	v2 =	vcvt.f32.s32 v2;
	_ =	sdelay $0x1  }
0x28: {  	vm1 =	vgt.s32 v2, $0x0  }
0x29: {  	v2 =	vnsel vm1, $0x0, v2  }
0x2a: {  	v2 =	vmin.u32 v2, $0xF  }
0x2b: {  	v2 =	vor.u32 v3, v2  }
0x2c: {  	[tilespmem:$0x1010] =	vst v2  }
0x2d: {  	v2 =	vld [tilespmem:s31+$0x20];
	_ =	sdelay $0x4  }
0x2e: {  	v2 =	vmul.f32 $1.600000000e+01, v2;
	_ =	sdelay $0x1  }
0x2f: {  	v2 =	vtrunc.f32 v2  }
0x30: {  	v3 =	vld [tilespmem:$0x1FF60];
	v2 =	vcvt.f32.s32 v2;
	_ =	sdelay $0x1  }
0x31: {  	vm1 =	vgt.s32 v2, $0x0  }
0x32: {  	v2 =	vnsel vm1, $0x0, v2  }
0x33: {  	v2 =	vmin.u32 v2, $0xF  }
0x34: {  	v2 =	vor.u32 v3, v2  }
0x35: {  	[tilespmem:$0x1020] =	vst v2  }
0x36: {  	v2 =	vld [tilespmem:s31+$0x30];
	_ =	sdelay $0x4  }
0x37: {  	v2 =	vmul.f32 $1.600000000e+01, v2;
	_ =	sdelay $0x1  }
0x38: {  	v2 =	vtrunc.f32 v2  }
0x39: {  	v3 =	vld [tilespmem:$0x1FF70];
	v2 =	vcvt.f32.s32 v2;
	_ =	sdelay $0x1  }
0x3a: {  	vm1 =	vgt.s32 v2, $0x0  }
0x3b: {  	v2 =	vnsel vm1, $0x0, v2  }
0x3c: {  	v2 =	vmin.u32 v2, $0xF  }
0x3d: {  	v2 =	vor.u32 v3, v2  }
0x3e: {  	[tilespmem:$0x1030] =	vst v2  }
0x3f: {  	v2 =	vld [tilespmem:s31+$0x40];
	_ =	sdelay $0x4  }
0x40: {  	v2 =	vmul.f32 $1.600000000e+01, v2;
	_ =	sdelay $0x1  }
0x41: {  	v2 =	vtrunc.f32 v2  }
0x42: {  	v3 =	vld [tilespmem:$0x1FF80];
	v2 =	vcvt.f32.s32 v2;
	_ =	sdelay $0x1  }
0x43: {  	vm1 =	vgt.s32 v2, $0x0  }
0x44: {  	v2 =	vnsel vm1, $0x0, v2  }
0x45: {  	v2 =	vmin.u32 v2, $0xF  }
0x46: {  	v2 =	vor.u32 v3, v2  }
0x47: {  	[tilespmem:$0x1040] =	vst v2  }
0x48: {  	v2 =	vld [tilespmem:s31+$0x50];
	_ =	sdelay $0x4  }
0x49: {  	v2 =	vmul.f32 $1.600000000e+01, v2;
	_ =	sdelay $0x1  }
0x4a: {  	v2 =	vtrunc.f32 v2  }
0x4b: {  	v3 =	vld [tilespmem:$0x1FF90];
	v2 =	vcvt.f32.s32 v2;
	_ =	sdelay $0x1  }
0x4c: {  	vm1 =	vgt.s32 v2, $0x0  }
0x4d: {  	v2 =	vnsel vm1, $0x0, v2  }
0x4e: {  	v2 =	vmin.u32 v2, $0xF  }
0x4f: {  	v2 =	vor.u32 v3, v2  }
0x50: {  	[tilespmem:$0x1050] =	vst v2  }
0x51: {  	v2 =	vld [tilespmem:s31+$0x60];
	_ =	sdelay $0x4  }
0x52: {  	v2 =	vmul.f32 $1.600000000e+01, v2;
	_ =	sdelay $0x1  }
0x53: {  	v2 =	vtrunc.f32 v2  }
0x54: {  	v3 =	vld [tilespmem:$0x1FFA0];
	v2 =	vcvt.f32.s32 v2;
	_ =	sdelay $0x1  }
0x55: {  	vm1 =	vgt.s32 v2, $0x0  }
0x56: {  	v2 =	vnsel vm1, $0x0, v2  }
0x57: {  	v2 =	vmin.u32 v2, $0xF  }
0x58: {  	v2 =	vor.u32 v3, v2  }
0x59: {  	[tilespmem:$0x1060] =	vst v2  }
0x5a: {  	v2 =	vld [tilespmem:s31+$0x70];
	_ =	sdelay $0x2  }
0x5b: {  	v4 =	vld [tilespmem:$0x1FFD0]  }
0x5c: {  	v5 =	vld [tilespmem:$0x1FFE0]  }
0x5d: {  	v6 =	vld [tilespmem:$0x1FFF0];
	v1 =	vshll.u32 v1, $0x1;
	v2 =	vmul.f32 $1.600000000e+01, v2  }
0x5e: {  	v0 =	vand.u32 $0x7, v0;
	v1 =	vand.u32 $0x1F0, v1  }
0x5f: {  	v0 =	vor.u32 v0, v1;
	v2 =	vtrunc.f32 v2  }
0x60: {  	v3 =	vld [tilespmem:$0x1FFC0];
	v1 =	vcvt.f32.s32 v2;
	v2 =	vperm.xlane v0, v4;
	_ =	sdelay $0x1  }
0x61: {  	v0 =	vperm.xlane v0, v6;
	vm1 =	vgt.s32 v1, $0x0;
	v2 =	vadd.s32 v5, v2  }
0x62: {  	v1 =	vnsel vm1, $0x0, v1  }
0x63: {  	v0 =	vadd.s32 v5, v0;
	v1 =	vmin.u32 v1, $0xF  }
0x64: {  	v1 =	vor.u32 v3, v1  }
0x65: {  	s0 =	simm.s32 $0x0;
	[tilespmem:$0x1070] =	vst v1  }
0x66: {  	[tilespmem:s10], [sflag:$0x1] =	stream.indirect_vreg.gather [hbm4b:s4+s0], $0x80, v2, vm0, $0xb8;
	[tilespmem:$0xA100] =	vst v63  }
0x67: {  	_ = 	snop  }
0x68: {  	[tilespmem:s11], [sflag:$0x1] =	stream.indirect_vreg.gather [hbm4b:s4+s0], $0x80, v0, vm0, $0xb8;
	[tilespmem:$0xA100] =	vst v63  }
0x69: {  	v0 =	vld [tilespmem:$0x1010];
	_ =	sdelay $0x4  }
0x6a: {  	v1 =	vshll.u32 v0, $0x1  }
0x6b: {  	v0 =	vand.u32 $0x7, v0;
	v1 =	vand.u32 $0xFFFFFFF0, v1  }
0x6c: {  	v0 =	vor.u32 v0, v1  }
0x6d: {  	v1 =	vperm.xlane v0, v4;
	_ =	sdelay $0x1  }
0x6e: {  	v0 =	vperm.xlane v0, v6;
	v1 =	vadd.s32 v5, v1;
	_ =	sdelay $0x1  }
0x6f: {  	v0 =	vadd.s32 v5, v0;
	_ =	sdelay $0x2  }
0x70: {  	[tilespmem:s12], [sflag:$0x1] =	stream.indirect_vreg.gather [hbm4b:s4+s0], $0x80, v1, vm0, $0xb8;
	[tilespmem:$0xA100] =	vst v63  }
0x71: {  	_ = 	snop  }
0x72: {  	[tilespmem:s13], [sflag:$0x1] =	stream.indirect_vreg.gather [hbm4b:s4+s0], $0x80, v0, vm0, $0xb8;
	[tilespmem:$0xA100] =	vst v63  }
0x73: {  	v0 =	vld [tilespmem:$0x1020];
	_ =	sdelay $0x4  }
0x74: {  	v1 =	vshll.u32 v0, $0x1  }
0x75: {  	v0 =	vand.u32 $0x7, v0;
	v1 =	vand.u32 $0xFFFFFFF0, v1  }
0x76: {  	v0 =	vor.u32 v0, v1  }
0x77: {  	v1 =	vperm.xlane v0, v4;
	_ =	sdelay $0x1  }
0x78: {  	v0 =	vperm.xlane v0, v6;
	v1 =	vadd.s32 v5, v1;
	_ =	sdelay $0x1  }
0x79: {  	v0 =	vadd.s32 v5, v0;
	_ =	sdelay $0x2  }
0x7a: {  	[tilespmem:s14], [sflag:$0x1] =	stream.indirect_vreg.gather [hbm4b:s4+s0], $0x80, v1, vm0, $0xb8;
	[tilespmem:$0xA100] =	vst v63  }
0x7b: {  	_ = 	snop  }
0x7c: {  	[tilespmem:s15], [sflag:$0x1] =	stream.indirect_vreg.gather [hbm4b:s4+s0], $0x80, v0, vm0, $0xb8;
	[tilespmem:$0xA100] =	vst v63  }
0x7d: {  	v0 =	vld [tilespmem:$0x1030];
	_ =	sdelay $0x4  }
0x7e: {  	v1 =	vshll.u32 v0, $0x1  }
0x7f: {  	v0 =	vand.u32 $0x7, v0;
	v1 =	vand.u32 $0xFFFFFFF0, v1  }
0x80: {  	v0 =	vor.u32 v0, v1  }
0x81: {  	v1 =	vperm.xlane v0, v4;
	_ =	sdelay $0x1  }
0x82: {  	v0 =	vperm.xlane v0, v6;
	v1 =	vadd.s32 v5, v1;
	_ =	sdelay $0x1  }
0x83: {  	v0 =	vadd.s32 v5, v0;
	_ =	sdelay $0x2  }
0x84: {  	[tilespmem:s16], [sflag:$0x1] =	stream.indirect_vreg.gather [hbm4b:s4+s0], $0x80, v1, vm0, $0xb8;
	[tilespmem:$0xA100] =	vst v63  }
0x85: {  	_ = 	snop  }
0x86: {  	[tilespmem:s17], [sflag:$0x1] =	stream.indirect_vreg.gather [hbm4b:s4+s0], $0x80, v0, vm0, $0xb8;
	[tilespmem:$0xA100] =	vst v63  }
0x87: {  	v0 =	vld [tilespmem:$0x1040];
	_ =	sdelay $0x4  }
0x88: {  	v1 =	vshll.u32 v0, $0x1  }
0x89: {  	v0 =	vand.u32 $0x7, v0;
	v1 =	vand.u32 $0xFFFFFFF0, v1  }
0x8a: {  	v0 =	vor.u32 v0, v1  }
0x8b: {  	v1 =	vperm.xlane v0, v4;
	_ =	sdelay $0x1  }
0x8c: {  	v0 =	vperm.xlane v0, v6;
	v1 =	vadd.s32 v5, v1;
	_ =	sdelay $0x1  }
0x8d: {  	v0 =	vadd.s32 v5, v0;
	_ =	sdelay $0x2  }
0x8e: {  	[tilespmem:s18], [sflag:$0x1] =	stream.indirect_vreg.gather [hbm4b:s4+s0], $0x80, v1, vm0, $0xb8;
	[tilespmem:$0xA100] =	vst v63  }
0x8f: {  	_ = 	snop  }
0x90: {  	[tilespmem:s19], [sflag:$0x1] =	stream.indirect_vreg.gather [hbm4b:s4+s0], $0x80, v0, vm0, $0xb8;
	[tilespmem:$0xA100] =	vst v63  }
0x91: {  	v0 =	vld [tilespmem:$0x1050];
	_ =	sdelay $0x4  }
0x92: {  	v1 =	vshll.u32 v0, $0x1  }
0x93: {  	v0 =	vand.u32 $0x7, v0;
	v1 =	vand.u32 $0xFFFFFFF0, v1  }
0x94: {  	v0 =	vor.u32 v0, v1  }
0x95: {  	v1 =	vperm.xlane v0, v4;
	_ =	sdelay $0x1  }
0x96: {  	v0 =	vperm.xlane v0, v6;
	v1 =	vadd.s32 v5, v1;
	_ =	sdelay $0x1  }
0x97: {  	v0 =	vadd.s32 v5, v0;
	_ =	sdelay $0x2  }
0x98: {  	[tilespmem:s20], [sflag:$0x1] =	stream.indirect_vreg.gather [hbm4b:s4+s0], $0x80, v1, vm0, $0xb8;
	[tilespmem:$0xA100] =	vst v63  }
0x99: {  	_ = 	snop  }
0x9a: {  	[tilespmem:s21], [sflag:$0x1] =	stream.indirect_vreg.gather [hbm4b:s4+s0], $0x80, v0, vm0, $0xb8;
	[tilespmem:$0xA100] =	vst v63  }
0x9b: {  	v0 =	vld [tilespmem:$0x1060];
	_ =	sdelay $0x4  }
0x9c: {  	v1 =	vshll.u32 v0, $0x1  }
0x9d: {  	v0 =	vand.u32 $0x7, v0;
	v1 =	vand.u32 $0xFFFFFFF0, v1  }
0x9e: {  	v0 =	vor.u32 v0, v1  }
0x9f: {  	v1 =	vperm.xlane v0, v4;
	_ =	sdelay $0x1  }
0xa0: {  	v0 =	vperm.xlane v0, v6;
	v1 =	vadd.s32 v5, v1;
	_ =	sdelay $0x1  }
0xa1: {  	v0 =	vadd.s32 v5, v0;
	_ =	sdelay $0x2  }
0xa2: {  	[tilespmem:s22], [sflag:$0x1] =	stream.indirect_vreg.gather [hbm4b:s4+s0], $0x80, v1, vm0, $0xb8;
	[tilespmem:$0xA100] =	vst v63  }
0xa3: {  	_ = 	snop  }
0xa4: {  	[tilespmem:s23], [sflag:$0x1] =	stream.indirect_vreg.gather [hbm4b:s4+s0], $0x80, v0, vm0, $0xb8;
	[tilespmem:$0xA100] =	vst v63  }
0xa5: {  	v0 =	vld [tilespmem:$0x1070];
	_ =	sdelay $0x4  }
0xa6: {  	v1 =	vshll.u32 v0, $0x1  }
0xa7: {  	v0 =	vand.u32 $0x7, v0;
	v1 =	vand.u32 $0xFFFFFFF0, v1  }
0xa8: {  	v0 =	vor.u32 v0, v1  }
0xa9: {  	v1 =	vperm.xlane v0, v4;
	_ =	sdelay $0x1  }
0xaa: {  	v0 =	vperm.xlane v0, v6;
	v1 =	vadd.s32 v5, v1;
	_ =	sdelay $0x1  }
0xab: {  	v0 =	vadd.s32 v5, v0;
	_ =	sdelay $0x2  }
0xac: {  	[tilespmem:s24], [sflag:$0x1] =	stream.indirect_vreg.gather [hbm4b:s4+s0], $0x80, v1, vm0, $0xb8;
	[tilespmem:$0xA100] =	vst v63  }
0xad: {  	_ = 	snop  }
0xae: {  	[tilespmem:s25], [sflag:$0x1] =	stream.indirect_vreg.gather [hbm4b:s4+s0], $0x80, v0, vm0, $0xb8;
	[tilespmem:$0xA100] =	vst v63  }
0xaf: {  	_ =	swait.ge [sflag:s26], $0x8000  }
0xb0: {  	s9 =	simm.s32 $0x0;
	[sflag:s26] =	ssyncset.done $0x0  }
0xb1: {  	s0 =	sand.u32 $0x3FFFF000, s9;
	[sflag:s26] =	ssyncadd.s32 $0xFFFF8000  }
0xb2: {  	v0 =	vld [tilespmem:s0+$0x2000];
	_ =	sdelay $0x4  }
0xb3: {  	[tilespmem:$0x1FB00] =	vst v0;
	v0 =	vld [tilespmem:s0+$0x2010];
	_ =	sdelay $0x4  }
0xb4: {  	[tilespmem:$0x1FB10] =	vst v0;
	v0 =	vld [tilespmem:s0+$0x2020];
	_ =	sdelay $0x4  }
0xb5: {  	[tilespmem:$0x1FB20] =	vst v0;
	v0 =	vld [tilespmem:s0+$0x2030];
	_ =	sdelay $0x4  }
0xb6: {  	[tilespmem:$0x1FB30] =	vst v0;
	v0 =	vld [tilespmem:s0+$0x1F80];
	_ =	sdelay $0x4  }
0xb7: {  	[tilespmem:$0x1FB40] =	vst v0;
	v0 =	vld [tilespmem:s0+$0x1F90];
	_ =	sdelay $0x4  }
0xb8: {  	[tilespmem:$0x1FB50] =	vst v0;
	v0 =	vld [tilespmem:s0+$0x1FA0];
	_ =	sdelay $0x4  }
0xb9: {  	[tilespmem:$0x1FB60] =	vst v0;
	v0 =	vld [tilespmem:s0+$0x1FB0];
	_ =	sdelay $0x4  }
0xba: {  	[tilespmem:$0x1FB70] =	vst v0;
	v0 =	vld [tilespmem:s0+$0x1FC0];
	_ =	sdelay $0x4  }
0xbb: {  	[tilespmem:$0x1FB80] =	vst v0;
	v0 =	vld [tilespmem:s0+$0x1FD0];
	_ =	sdelay $0x4  }
0xbc: {  	[tilespmem:$0x1FB90] =	vst v0;
	v0 =	vld [tilespmem:s0+$0x1FE0];
	_ =	sdelay $0x4  }
0xbd: {  	[tilespmem:$0x1FBA0] =	vst v0;
	v0 =	vld [tilespmem:s0+$0x1FF0];
	_ =	sdelay $0x4  }
0xbe: {  	[tilespmem:$0x1FBB0] =	vst v0;
	v0 =	vld [tilespmem:s0+$0x1C00];
	_ =	sdelay $0x4  }
0xbf: {  	[tilespmem:$0x1FBC0] =	vst v0;
	v0 =	vld [tilespmem:s0+$0x1C10];
	_ =	sdelay $0x4  }
0xc0: {  	[tilespmem:$0x1FBD0] =	vst v0;
	v0 =	vld [tilespmem:s0+$0x1C20];
	_ =	sdelay $0x4  }
0xc1: {  	[tilespmem:$0x1FBE0] =	vst v0;
	v0 =	vld [tilespmem:s0+$0x1C30];
	_ =	sdelay $0x4  }
0xc2: {  	[tilespmem:$0x1FBF0] =	vst v0;
	v0 =	vld [tilespmem:s0+$0x1F00];
	_ =	sdelay $0x4  }
0xc3: {  	[tilespmem:$0x1FC00] =	vst v0;
	v0 =	vld [tilespmem:s0+$0x1F10];
	_ =	sdelay $0x4  }
0xc4: {  	[tilespmem:$0x1FC10] =	vst v0;
	v0 =	vld [tilespmem:s0+$0x1F20];
	_ =	sdelay $0x4  }
0xc5: {  	[tilespmem:$0x1FC20] =	vst v0;
	v0 =	vld [tilespmem:s0+$0x1F30];
	_ =	sdelay $0x4  }
0xc6: {  	[tilespmem:$0x1FC30] =	vst v0;
	v0 =	vld [tilespmem:s0+$0x1F40];
	_ =	sdelay $0x4  }
0xc7: {  	[tilespmem:$0x1FC40] =	vst v0;
	v0 =	vld [tilespmem:s0+$0x1F50];
	_ =	sdelay $0x4  }
0xc8: {  	[tilespmem:$0x1FC50] =	vst v0;
	v0 =	vld [tilespmem:s0+$0x1F60];
	_ =	sdelay $0x4  }
0xc9: {  	[tilespmem:$0x1FC60] =	vst v0;
	v0 =	vld [tilespmem:s0+$0x1F70];
	_ =	sdelay $0x4  }
0xca: {  	[tilespmem:$0x1FC70] =	vst v0;
	v0 =	vld [tilespmem:s0+$0x1B80];
	_ =	sdelay $0x4  }
0xcb: {  	[tilespmem:$0x1FF00] =	vst v0;
	v0 =	vld [tilespmem:s0+$0x1B90];
	_ =	sdelay $0x4  }
0xcc: {  	[tilespmem:$0x1FF10] =	vst v0;
	v0 =	vld [tilespmem:s0+$0x1BA0];
	_ =	sdelay $0x4  }
0xcd: {  	[tilespmem:$0x1FC80] =	vst v0;
	v0 =	vld [tilespmem:s0+$0x1BB0];
	_ =	sdelay $0x4  }
0xce: {  	[tilespmem:$0x1FC90] =	vst v0;
	v0 =	vld [tilespmem:s0+$0x1E80];
	_ =	sdelay $0x4  }
0xcf: {  	[tilespmem:$0x1FE80] =	vst v0;
	v0 =	vld [tilespmem:s0+$0x1E90];
	_ =	sdelay $0x4  }
0xd0: {  	[tilespmem:$0x1FE90] =	vst v0;
	v0 =	vld [tilespmem:s0+$0x1EA0];
	_ =	sdelay $0x4  }
0xd1: {  	[tilespmem:$0x1FEA0] =	vst v0;
	v0 =	vld [tilespmem:s0+$0x1EB0];
	_ =	sdelay $0x4  }
0xd2: {  	[tilespmem:$0x1FEC0] =	vst v0;
	v0 =	vld [tilespmem:s0+$0x1EC0];
	_ =	sdelay $0x4  }
0xd3: {  	[tilespmem:$0x1FCA0] =	vst v0;
	v0 =	vld [tilespmem:s0+$0x1ED0];
	_ =	sdelay $0x4  }
0xd4: {  	[tilespmem:$0x1FCB0] =	vst v0;
	v0 =	vld [tilespmem:s0+$0x1EE0];
	_ =	sdelay $0x4  }
0xd5: {  	[tilespmem:$0x1FCC0] =	vst v0;
	v0 =	vld [tilespmem:s0+$0x1EF0];
	_ =	sdelay $0x4  }
0xd6: {  	[tilespmem:$0x1FCD0] =	vst v0;
	v0 =	vld [tilespmem:s0+$0x1B00];
	_ =	sdelay $0x4  }
0xd7: {  	[tilespmem:$0x1FEB0] =	vst v0;
	v0 =	vld [tilespmem:s0+$0x1B10];
	_ =	sdelay $0x4  }
0xd8: {  	[tilespmem:$0x1FED0] =	vst v0;
	v0 =	vld [tilespmem:s0+$0x1B20];
	_ =	sdelay $0x4  }
0xd9: {  	[tilespmem:$0x1FEE0] =	vst v0;
	v0 =	vld [tilespmem:s0+$0x1B30];
	_ =	sdelay $0x4  }
0xda: {  	[tilespmem:$0x1FEF0] =	vst v0;
	v0 =	vld [tilespmem:s0+$0x1E00];
	_ =	sdelay $0x4  }
0xdb: {  	[tilespmem:$0x1FE40] =	vst v0;
	v0 =	vld [tilespmem:s0+$0x1E10];
	_ =	sdelay $0x4  }
0xdc: {  	[tilespmem:$0x1FE50] =	vst v0;
	v0 =	vld [tilespmem:s0+$0x1E20];
	_ =	sdelay $0x4  }
0xdd: {  	[tilespmem:$0x1FE60] =	vst v0;
	v0 =	vld [tilespmem:s0+$0x1E30];
	_ =	sdelay $0x4  }
0xde: {  	[tilespmem:$0x1FE70] =	vst v0;
	v0 =	vld [tilespmem:s0+$0x1E40];
	_ =	sdelay $0x4  }
0xdf: {  	[tilespmem:$0x1FCE0] =	vst v0;
	v0 =	vld [tilespmem:s0+$0x1E50];
	_ =	sdelay $0x4  }
0xe0: {  	[tilespmem:$0x1FCF0] =	vst v0;
	v0 =	vld [tilespmem:s0+$0x1E60];
	_ =	sdelay $0x4  }
0xe1: {  	[tilespmem:$0x1FD00] =	vst v0;
	v0 =	vld [tilespmem:s0+$0x1E70];
	_ =	sdelay $0x4  }
0xe2: {  	[tilespmem:$0x1FD10] =	vst v0;
	v0 =	vld [tilespmem:s0+$0x1DC0];
	_ =	sdelay $0x4  }
0xe3: {  	[tilespmem:$0x1FD20] =	vst v0;
	v0 =	vld [tilespmem:s0+$0x1DD0];
	_ =	sdelay $0x4  }
0xe4: {  	[tilespmem:$0x1FD30] =	vst v0;
	v0 =	vld [tilespmem:s0+$0x1DE0];
	_ =	sdelay $0x4  }
0xe5: {  	[tilespmem:$0x1FD40] =	vst v0;
	v0 =	vld [tilespmem:s0+$0x1DF0];
	_ =	sdelay $0x4  }
0xe6: {  	[tilespmem:$0x1FD50] =	vst v0;
	v0 =	vld [tilespmem:s0+$0x1D40];
	_ =	sdelay $0x4  }
0xe7: {  	[tilespmem:$0x1FD60] =	vst v0;
	v0 =	vld [tilespmem:s0+$0x1D50];
	_ =	sdelay $0x4  }
0xe8: {  	[tilespmem:$0x1FD70] =	vst v0;
	v0 =	vld [tilespmem:s0+$0x1D60];
	_ =	sdelay $0x1  }
0xe9: {  	v47 =	vld [tilespmem:s0+$0x1A80]  }
0xea: {  	v45 =	vld [tilespmem:s0+$0x1A90]  }
0xeb: {  	v46 =	vld [tilespmem:s0+$0x1AA0]  }
0xec: {  	[tilespmem:$0x1FD80] =	vst v0;
	v0 =	vld [tilespmem:s0+$0x1D70]  }
0xed: {  	v42 =	vld [tilespmem:s0+$0x1AB0]  }
0xee: {  	v34 =	vld [tilespmem:s0+$0x1D80]  }
0xef: {  	v35 =	vld [tilespmem:s0+$0x1D90]  }
0xf0: {  	v39 =	vld [tilespmem:s0+$0x1DA0]  }
0xf1: {  	[tilespmem:$0x1FD90] =	vst v0;
	v0 =	vld [tilespmem:s0+$0x1CC0]  }
0xf2: {  	v31 =	vld [tilespmem:s0+$0x1D00]  }
0xf3: {  	v25 =	vld [tilespmem:s0+$0x1C80]  }
0xf4: {  	v22 =	vld [tilespmem:s0+$0x1800]  }
0xf5: {  	v24 =	vld [tilespmem:s0+$0x1780]  }
0xf6: {  	[tilespmem:$0x1FDA0] =	vst v0;
	v0 =	vld [tilespmem:s0+$0x1CD0]  }
0xf7: {  	v41 =	vld [tilespmem:s0+$0x1790]  }
0xf8: {  	v44 =	vld [tilespmem:s0+$0x1700]  }
0xf9: {  	v18 =	vld [tilespmem:s0+$0x1680]  }
0xfa: {  	v57 =	vld [tilespmem:s0+$0x1690]  }
0xfb: {  	[tilespmem:$0x1FDB0] =	vst v0;
	v0 =	vld [tilespmem:s0+$0x1CE0]  }
0xfc: {  	v58 =	vld [tilespmem:s0+$0x16A0]  }
0xfd: {  	v17 =	vld [tilespmem:s0+$0x1600]  }
0xfe: {  	v59 =	vld [tilespmem:s0+$0x1610]  }
0xff: {  	v60 =	vld [tilespmem:s0+$0x1620]  }
0x100: {  	[tilespmem:$0x1FDC0] =	vst v0;
	v0 =	vld [tilespmem:s0+$0x1CF0]  }
0x101: {  	v15 =	vld [tilespmem:s0+$0x1580]  }
0x102: {  	v61 =	vld [tilespmem:s0+$0x1590]  }
0x103: {  	v62 =	vld [tilespmem:s0+$0x15A0]  }
0x104: {  	v33 =	vld [tilespmem:s0+$0x1500]  }
0x105: {  	v63 =	vld [tilespmem:s0+$0x1510];
	[tilespmem:$0x1FDD0] =	vst v0;
	v0 =	vmov s31  }
0x106: {  	v14 =	vld [tilespmem:s0+$0x1520]  }
0x107: {  	v11 =	vld [tilespmem:s0+$0x1480]  }
0x108: {  	s1 =	simm.s32 $0x0;
	v8 =	vld [tilespmem:s0+$0x1490]  }
0x109: {  	s1 =	sand.u32 $0x3FFFFFF0, s1;
	v9 =	vld [tilespmem:s0+$0x14A0]  }
0x10a: {  	v56 =	vld.idx.msk [tilespmem:v0+s1+$0x0 ss:$0x1], $0xffff  }
0x10b: {  	v12 =	vld [tilespmem:s0+$0x1080]  }
0x10c: {  	v1 =	vld [tilespmem:s0+$0x10A0]  }
0x10d: {  	[tilespmem:$0x1FDE0] =	vst v0;
	v0 =	vld [tilespmem:s0+$0x1090]  }
0x10e: {  	v2 =	vld [tilespmem:s0+$0x10B0]  }
0x10f: {  	v10 =	vld [tilespmem:s0+$0x14B0];
	v16 =	vbroadcast v56, $0x0  }
0x110: {  	v6 =	vld [tilespmem:s0+$0x1100]  }
0x111: {  	v5 =	vld [tilespmem:s0+$0x1110];
	v12 =	vmul.f32 v12, v16  }
0x112: {  	v38 =	vimm.f32 $0.0e+00;
	v4 =	vld [tilespmem:s0+$0x1120];
	v0 =	vmul.f32 v0, v16;
	v1 =	vmul.f32 v1, v16  }
0x113: {  	v3 =	vld [tilespmem:s0+$0x1130];
	v2 =	vmul.f32 v2, v16;
	v12 =	vadd.f32 v12, v38  }
0x114: {  	v13 =	vld [tilespmem:s0+$0x1530];
	v0 =	vadd.f32 v0, v38;
	v1 =	vadd.f32 v1, v38  }
0x115: {  	v7 =	vld [tilespmem:s0+$0x1180];
	v2 =	vadd.f32 v2, v38;
	v11 =	vadd.f32 v12, v11;
	v12 =	vbroadcast v56, $0x1  }
0x116: {  	v0 =	vadd.f32 v0, v8;
	v8 =	vimm.f32 $0.0e+00;
	v1 =	vadd.f32 v1, v9;
	v9 =	vld [tilespmem:s0+$0x11A0]  }
0x117: {  	[tilespmem:$0x1FDF0] =	vst v8;
	v8 =	vld [tilespmem:s0+$0x1190];
	v6 =	vmul.f32 v6, v12;
	v5 =	vmul.f32 v5, v12  }
0x118: {  	v2 =	vadd.f32 v2, v10;
	v10 =	vld [tilespmem:s0+$0x11B0];
	v4 =	vmul.f32 v4, v12;
	v3 =	vmul.f32 v3, v12  }
0x119: {  	v6 =	vadd.f32 v6, v11;
	v0 =	vadd.f32 v5, v0;
	v5 =	vld [tilespmem:s0+$0x15B0]  }
0x11a: {  	v1 =	vadd.f32 v4, v1;
	v2 =	vadd.f32 v3, v2;
	v11 =	vbroadcast v56, $0x2;
	v3 =	vld [tilespmem:s0+$0x1200]  }
0x11b: {  	v4 =	vadd.f32 v6, v33;
	v0 =	vadd.f32 v0, v63;
	v6 =	vld [tilespmem:s0+$0x1210]  }
0x11c: {  	v7 =	vmul.f32 v7, v11;
	v8 =	vmul.f32 v8, v11;
	v2 =	vadd.f32 v2, v13;
	v13 =	vld [tilespmem:s0+$0x1230]  }
0x11d: {  	v1 =	vadd.f32 v1, v14;
	v14 =	vld [tilespmem:s0+$0x1220];
	v9 =	vmul.f32 v9, v11;
	v10 =	vmul.f32 v10, v11  }
0x11e: {  	v33 =	vbroadcast v56, $0x3;
	v4 =	vadd.f32 v7, v4;
	v0 =	vadd.f32 v8, v0;
	v7 =	vld [tilespmem:s0+$0x1630]  }
0x11f: {  	v1 =	vadd.f32 v9, v1;
	v2 =	vadd.f32 v10, v2;
	v8 =	vld [tilespmem:s0+$0x1280]  }
0x120: {  	v10 =	vld [tilespmem:s0+$0x1290];
	v3 =	vmul.f32 v3, v33;
	v4 =	vadd.f32 v4, v15;
	v0 =	vadd.f32 v0, v61  }
0x121: {  	v15 =	vld [tilespmem:s0+$0x12A0];
	v2 =	vadd.f32 v2, v5;
	v6 =	vmul.f32 v6, v33;
	v9 =	vmul.f32 v13, v33  }
0x122: {  	v1 =	vadd.f32 v1, v62;
	v5 =	vmul.f32 v14, v33;
	v13 =	vld [tilespmem:s0+$0x12B0];
	v3 =	vadd.f32 v3, v4  }
0x123: {  	v14 =	vld [tilespmem:s0+$0x1320];
	v0 =	vadd.f32 v6, v0;
	v2 =	vadd.f32 v9, v2;
	v9 =	vbroadcast v56, $0x4  }
0x124: {  	v4 =	vld [tilespmem:s0+$0x16B0];
	v1 =	vadd.f32 v5, v1  }
0x125: {  	v5 =	vld [tilespmem:s0+$0x1300];
	v3 =	vadd.f32 v3, v17;
	v0 =	vadd.f32 v0, v59;
	v8 =	vmul.f32 v8, v9  }
0x126: {  	v10 =	vmul.f32 v10, v9;
	v2 =	vadd.f32 v2, v7;
	v7 =	vmul.f32 v15, v9;
	v15 =	vld [tilespmem:s0+$0x1330]  }
0x127: {  	v6 =	vld [tilespmem:s0+$0x1310];
	v1 =	vadd.f32 v1, v60;
	v13 =	vmul.f32 v13, v9  }
0x128: {  	v55 =	vld [tilespmem:s0+$0x1710];
	v3 =	vadd.f32 v8, v3;
	v0 =	vadd.f32 v10, v0  }
0x129: {  	v17 =	vld [tilespmem:s0+$0x1730];
	v1 =	vadd.f32 v7, v1;
	v10 =	vbroadcast v56, $0x5;
	v2 =	vadd.f32 v13, v2  }
0x12a: {  	v7 =	vld [tilespmem:s0+$0x1380];
	v3 =	vadd.f32 v3, v18;
	v0 =	vadd.f32 v0, v57  }
0x12b: {  	v13 =	vld [tilespmem:s0+$0x1390];
	v5 =	vmul.f32 v5, v10;
	v2 =	vadd.f32 v2, v4;
	v8 =	vmul.f32 v15, v10  }
0x12c: {  	v1 =	vadd.f32 v1, v58;
	v6 =	vmul.f32 v6, v10;
	v18 =	vld [tilespmem:s0+$0x13A0];
	v4 =	vmul.f32 v14, v10  }
0x12d: {  	v14 =	vld [tilespmem:s0+$0x13B0];
	v3 =	vadd.f32 v5, v3;
	v2 =	vadd.f32 v8, v2;
	v8 =	vbroadcast v56, $0x6  }
0x12e: {  	v1 =	vadd.f32 v4, v1;
	v4 =	vld [tilespmem:s0+$0x1400]  }
0x12f: {  	v19 =	vld [tilespmem:s0+$0x1720];
	v0 =	vadd.f32 v6, v0;
	v3 =	vadd.f32 v3, v44;
	v7 =	vmul.f32 v7, v8  }
0x130: {  	v15 =	vld [tilespmem:s0+$0x1420]  }
0x131: {  	v6 =	vld [tilespmem:s0+$0x1410];
	v0 =	vadd.f32 v0, v55;
	v3 =	vadd.f32 v7, v3;
	v7 =	vbroadcast v56, $0x7  }
0x132: {  	v5 =	vld [tilespmem:s0+$0x17B0];
	v13 =	vmul.f32 v13, v8;
	v2 =	vadd.f32 v2, v17;
	v14 =	vmul.f32 v14, v8  }
0x133: {  	v17 =	vmul.f32 v18, v8;
	v18 =	vld [tilespmem:s0+$0x1430];
	v3 =	vadd.f32 v3, v24;
	v4 =	vmul.f32 v4, v7  }
0x134: {  	v0 =	vadd.f32 v13, v0;
	v2 =	vadd.f32 v14, v2;
	v14 =	vld [tilespmem:s0+$0x1880]  }
0x135: {  	v3 =	vadd.f32 v4, v3;
	v4 =	vld [tilespmem:s0+$0x1840]  }
0x136: {  	v23 =	vld [tilespmem:s0+$0x1820];
	v0 =	vadd.f32 v0, v41;
	v6 =	vmul.f32 v6, v7  }
0x137: {  	v20 =	vld [tilespmem:s0+$0x17A0]  }
0x138: {  	v1 =	vadd.f32 v1, v19;
	v19 =	vld [tilespmem:s0+$0x18A0];
	v0 =	vadd.f32 v6, v0;
	v6 =	vbroadcast v56, $0x8  }
0x139: {  	v13 =	vld [tilespmem:s0+$0x1830];
	v2 =	vadd.f32 v2, v5;
	v5 =	vmul.f32 v15, v7;
	v15 =	vmul.f32 v18, v7  }
0x13a: {  	v18 =	vld [tilespmem:s0+$0x18B0];
	v3 =	vadd.f32 v3, v22;
	[tilespmem:$0x1FE00] =	vst v4;
	v4 =	vmul.f32 v14, v6  }
0x13b: {  	v1 =	vadd.f32 v17, v1;
	v2 =	vadd.f32 v15, v2;
	v15 =	vld [tilespmem:s0+$0x1850]  }
0x13c: {  	v3 =	vadd.f32 v4, v3;
	v4 =	vld [tilespmem:s0+$0x1870]  }
0x13d: {  	v30 =	vld [tilespmem:s0+$0x1CB0];
	v1 =	vadd.f32 v1, v20  }
0x13e: {  	v27 =	vld [tilespmem:s0+$0x1900]  }
0x13f: {  	v21 =	vld [tilespmem:s0+$0x1810];
	v1 =	vadd.f32 v5, v1  }
0x140: {  	v5 =	vld [tilespmem:s0+$0x1930];
	v2 =	vadd.f32 v2, v13;
	[tilespmem:$0x1FE10] =	vst v15;
	v15 =	vmul.f32 v18, v6  }
0x141: {  	v17 =	vld [tilespmem:s0+$0x1890];
	v1 =	vadd.f32 v1, v23;
	v13 =	vmul.f32 v19, v6;
	[tilespmem:$0x1FE30] =	vst v4;
	v4 =	vbroadcast v56, $0x9  }
0x142: {  	v53 =	vld [tilespmem:s0+$0x1980];
	v2 =	vadd.f32 v15, v2  }
0x143: {  	v40 =	vld [tilespmem:s0+$0x1DB0];
	v1 =	vadd.f32 v13, v1;
	v3 =	vadd.f32 v3, v25;
	v13 =	vmul.f32 v27, v4  }
0x144: {  	v50 =	vld [tilespmem:s0+$0x1A00];
	v2 =	vadd.f32 v2, v30  }
0x145: {  	v26 =	vld [tilespmem:s0+$0x1C90];
	v5 =	vmul.f32 v5, v4;
	v13 =	vadd.f32 v13, v3;
	v3 =	vbroadcast v56, $0xA  }
0x146: {  	v28 =	vld [tilespmem:s0+$0x1910];
	v0 =	vadd.f32 v0, v21;
	v14 =	vmul.f32 v17, v6  }
0x147: {  	v37 =	vld [tilespmem:s0+$0x1D10];
	v2 =	vadd.f32 v5, v2;
	v5 =	vadd.f32 v13, v31;
	v13 =	vmul.f32 v53, v3  }
0x148: {  	v36 =	vld [tilespmem:s0+$0x1D30];
	v0 =	vadd.f32 v14, v0  }
0x149: {  	v52 =	vld [tilespmem:s0+$0x19B0];
	v61 =	vbroadcast v56, $0xB;
	v5 =	vadd.f32 v13, v5  }
0x14a: {  	v54 =	vld [tilespmem:s0+$0x1990];
	v0 =	vadd.f32 v0, v26  }
0x14b: {  	v49 =	vld [tilespmem:s0+$0x1A30];
	v14 =	vmul.f32 v28, v4;
	v13 =	vmul.f32 v50, v61;
	v5 =	vadd.f32 v5, v34  }
0x14c: {  	v20 =	vld [tilespmem:s0+$0x1920]  }
0x14d: {  	v0 =	vadd.f32 v14, v0;
	v5 =	vadd.f32 v13, v5;
	v13 =	vld [tilespmem:$0x1FE40]  }
0x14e: {  	v51 =	vld [tilespmem:s0+$0x1A10];
	v2 =	vadd.f32 v2, v36;
	v18 =	vmul.f32 v52, v3  }
0x14f: {  	v29 =	vld [tilespmem:s0+$0x1CA0];
	v0 =	vadd.f32 v0, v37;
	v14 =	vmul.f32 v54, v3  }
0x150: {  	v48 =	vld [tilespmem:s0+$0x1A20];
	v2 =	vadd.f32 v18, v2  }
0x151: {  	v32 =	vld [tilespmem:s0+$0x1D20];
	v15 =	vmul.f32 v20, v4;
	v0 =	vadd.f32 v14, v0  }
0x152: {  	v20 =	vmul.f32 v49, v61;
	v2 =	vadd.f32 v2, v40;
	v5 =	vadd.f32 v5, v13;
	v13 =	vld [tilespmem:$0x1FE50]  }
0x153: {  	v43 =	vld [tilespmem:s0+$0x19A0];
	v14 =	vmul.f32 v51, v61;
	v0 =	vadd.f32 v0, v35  }
0x154: {  	v1 =	vadd.f32 v1, v29;
	v2 =	vadd.f32 v20, v2;
	v20 =	vld [tilespmem:$0x1FE70]  }
0x155: {  	v38 =	vld [tilespmem:s0+$0x16C0];
	v55 =	vbroadcast v56, $0xC;
	v0 =	vadd.f32 v14, v0  }
0x156: {  	v63 =	vld [tilespmem:s0+$0x17E0];
	v1 =	vadd.f32 v15, v1  }
0x157: {  	v62 =	vld [tilespmem:s0+$0x1760];
	v0 =	vadd.f32 v0, v13;
	v13 =	vmul.f32 v47, v55  }
0x158: {  	v24 =	vld [tilespmem:s0+$0x16E0];
	v1 =	vadd.f32 v1, v32;
	v15 =	vmul.f32 v43, v3  }
0x159: {  	v22 =	vld [tilespmem:s0+$0x17D0];
	v2 =	vadd.f32 v2, v20;
	v5 =	vadd.f32 v13, v5;
	v13 =	vmul.f32 v42, v55  }
0x15a: {  	v21 =	vld [tilespmem:s0+$0x1550]  }
0x15b: {  	v1 =	vadd.f32 v15, v1;
	v2 =	vadd.f32 v13, v2;
	v13 =	vld [tilespmem:$0x1FE80]  }
0x15c: {  	v14 =	vld [tilespmem:$0x1FE60]  }
0x15d: {  	v23 =	vld [tilespmem:s0+$0x17C0];
	v15 =	vmul.f32 v48, v61;
	v1 =	vadd.f32 v1, v39  }
0x15e: {  	v19 =	vld [tilespmem:s0+$0x1650]  }
0x15f: {  	v17 =	vld [tilespmem:s0+$0x1860];
	v1 =	vadd.f32 v15, v1  }
0x160: {  	v5 =	vadd.f32 v5, v13;
	v13 =	vld [tilespmem:$0x1FE90]  }
0x161: {  	v29 =	vld [tilespmem:s0+$0x1570];
	v1 =	vadd.f32 v1, v14;
	v14 =	vmul.f32 v45, v55  }
0x162: {  	v26 =	vld [tilespmem:s0+$0x1750]  }
0x163: {  	v25 =	vld [tilespmem:s0+$0x1770];
	v0 =	vadd.f32 v14, v0  }
0x164: {  	v14 =	vld [tilespmem:$0x1FEC0]  }
0x165: {  	v0 =	vadd.f32 v0, v13;
	v13 =	vld [tilespmem:$0x1FEA0]  }
0x166: {  	[tilespmem:$0x1FE20] =	vst v17;
	v17 =	vld [tilespmem:s0+$0x1670];
	v15 =	vmul.f32 v46, v55  }
0x167: {  	v28 =	vld [tilespmem:s0+$0x17F0]  }
0x168: {  	v27 =	vld [tilespmem:s0+$0x1740];
	v1 =	vadd.f32 v15, v1  }
0x169: {  	v2 =	vadd.f32 v2, v14;
	v14 =	vld [tilespmem:$0x1FED0]  }
0x16a: {  	v1 =	vadd.f32 v1, v13;
	v13 =	vld [tilespmem:$0x1FEB0]  }
0x16b: {  	v36 =	vld [tilespmem:s0+$0x16D0]  }
0x16c: {  	v37 =	vld [tilespmem:s0+$0x16F0];
	v54 =	vbroadcast v56, $0xD  }
0x16d: {  	v32 =	vld [tilespmem:s0+$0x1640]  }
0x16e: {  	v18 =	vld [tilespmem:s0+$0x1660];
	v14 =	vmul.f32 v14, v54  }
0x16f: {  	v51 =	vld [tilespmem:s0+$0x15C0];
	v13 =	vmul.f32 v13, v54  }
0x170: {  	v34 =	vadd.f32 v14, v0;
	v0 =	vld [tilespmem:$0x1FF00]  }
0x171: {  	v31 =	vadd.f32 v13, v5;
	v5 =	vld [tilespmem:$0x1FEF0]  }
0x172: {  	v15 =	vld [tilespmem:$0x1FEE0]  }
0x173: {  	v48 =	vbroadcast v56, $0xE;
	v35 =	vld [tilespmem:s0+$0x1540]  }
0x174: {  	v46 =	vld [tilespmem:s0+$0x15D0]  }
0x175: {  	v13 =	vmul.f32 v0, v48;
	v0 =	vld [tilespmem:$0x1FF10]  }
0x176: {  	v45 =	vld [tilespmem:s0+$0x15E0];
	v5 =	vmul.f32 v5, v54  }
0x177: {  	v20 =	vld [tilespmem:s0+$0x1560];
	v15 =	vmul.f32 v15, v54  }
0x178: {  	v47 =	vld [tilespmem:s0+$0x15F0];
	v40 =	vadd.f32 v5, v2;
	v5 =	vimm.f32 $0.0e+00  }
0x179: {  	s2 =	simm.s32 $0x1;
	s7 =	sor.u32 $0x10, s31;
	v39 =	vadd.f32 v15, v1;
	v1 =	vld [tilespmem:s0+$0x14C0];
	[tilespmem:$0x1FF20] =	vst v5;
	v5 =	vimm.f32 $0.0e+00  }
0x17a: {  	s6 =	sor.u32 $0x20, s31;
	s5 =	sor.u32 $0x30, s31;
	s28 =	sor.u32 $0x40, s31;
	v30 =	vmul.f32 v0, v48;
	v0 =	vld [tilespmem:s0+$0x14E0];
	[tilespmem:$0x1FF30] =	vst v5;
	v5 =	vimm.f32 $0.0e+00  }
0x17b: {  	s3 =	sor.u32 $0x70, s31;
	s9 =	sor.u32 $0x50, s31;
	s1 =	sor.u32 $0x60, s31;
	v57 =	vbroadcast v56, $0xF;
	v2 =	vld [tilespmem:s0+$0x14D0];
	[tilespmem:$0x1FF40] =	vst v5  }
.LBB2_3:
0x17c: {  	v14 =	vld [tilespmem:$0x1FC00];
	_ =	sdelay $0x4  }
0x17d: {  	v31 =	vadd.f32 v31, v14;
	v14 =	vld [tilespmem:$0x1FC10];
	_ =	sdelay $0x4  }
0x17e: {  	v34 =	vadd.f32 v34, v14;
	v14 =	vld [tilespmem:$0x1FC80];
	_ =	sdelay $0x4  }
0x17f: {  	v41 =	vmul.f32 v14, v48;
	v14 =	vld [tilespmem:$0x1FC20];
	_ =	sdelay $0x4  }
0x180: {  	v39 =	vadd.f32 v39, v14;
	v14 =	vld [tilespmem:$0x1FC30];
	_ =	sdelay $0x4  }
0x181: {  	v40 =	vadd.f32 v40, v14;
	v14 =	vld [tilespmem:$0x1FC90];
	_ =	sdelay $0x4  }
0x182: {  	v44 =	vmul.f32 v14, v48;
	v14 =	vld [tilespmem:$0x1FBC0];
	_ =	sdelay $0x4  }
0x183: {  	v13 =	vadd.f32 v13, v31;
	v31 =	vmul.f32 v14, v57;
	v14 =	vld [tilespmem:$0x1FBD0];
	_ =	sdelay $0x4  }
0x184: {  	v53 =	vmul.f32 v14, v57;
	v14 =	vld [tilespmem:$0x1FB40];
	_ =	sdelay $0x4  }
0x185: {  	v13 =	vadd.f32 v13, v14;
	v14 =	vld [tilespmem:$0x1FB50];
	_ =	sdelay $0x2  }
0x186: {  	v30 =	vadd.f32 v30, v34;
	_ =	sdelay $0x1  }
0x187: {  	v30 =	vadd.f32 v30, v14;
	v14 =	vld [tilespmem:$0x1FBE0];
	_ =	sdelay $0x4  }
0x188: {  	v56 =	vmul.f32 v14, v57;
	v14 =	vld [tilespmem:$0x1FB60];
	_ =	sdelay $0x2  }
0x189: {  	v39 =	vadd.f32 v41, v39;
	_ =	sdelay $0x1  }
0x18a: {  	v39 =	vadd.f32 v39, v14;
	v14 =	vld [tilespmem:$0x1FB70];
	_ =	sdelay $0x2  }
0x18b: {  	v40 =	vadd.f32 v44, v40;
	_ =	sdelay $0x1  }
0x18c: {  	v40 =	vadd.f32 v40, v14;
	v14 =	vld [tilespmem:$0x1FBF0];
	_ =	sdelay $0x3  }
0x18d: {  	v43 =	vmov v57;
	v52 =	vld [tilespmem:s0+$0x10E0]  }
0x18e: {  	v58 =	vmul.f32 v14, v43;
	v14 =	vld [tilespmem:$0x1FB00];
	_ =	sdelay $0x2  }
0x18f: {  	v13 =	vadd.f32 v31, v13;
	_ =	sdelay $0x1  }
0x190: {  	v34 =	vmul.f32 v52, v16;
	v52 =	vadd.f32 v13, v14;
	v14 =	vld [tilespmem:$0x1FB20];
	_ =	sdelay $0x2  }
0x191: {  	v39 =	vadd.f32 v56, v39;
	_ =	sdelay $0x1  }
0x192: {  	v14 =	vadd.f32 v39, v14;
	_ =	sdelay $0x1  }
0x193: {  	[tilespmem:$0x1F890] =	vst v14;
	v14 =	vld [tilespmem:$0x1FB30];
	_ =	sdelay $0x2  }
0x194: {  	v40 =	vadd.f32 v58, v40;
	_ =	sdelay $0x1  }
0x195: {  	v42 =	vld [tilespmem:s0+$0x10C0];
	v14 =	vadd.f32 v40, v14  }
0x196: {  	v13 =	vld [tilespmem:$0x1FB10]  }
0x197: {  	[tilespmem:$0x1F8A0] =	vst v14;
	v14 =	vld [tilespmem:$0x1FDF0];
	_ =	sdelay $0x1  }
0x198: {  	v5 =	vld [tilespmem:s0+$0x14F0]  }
0x199: {  	v49 =	vld [tilespmem:s0+$0x10D0];
	v42 =	vmul.f32 v42, v16;
	v30 =	vadd.f32 v53, v30  }
0x19a: {  	v44 =	vld [tilespmem:s0+$0x10F0]  }
0x19b: {  	v53 =	vadd.f32 v30, v13;
	v30 =	vadd.f32 v42, v14;
	v14 =	vld [tilespmem:$0x1FF20]  }
0x19c: {  	v60 =	vld [tilespmem:s0+$0x1140]  }
0x19d: {  	v58 =	vld [tilespmem:$0x1FF40]  }
0x19e: {  	v59 =	vld [tilespmem:s0+$0x1150];
	v31 =	vmul.f32 v49, v16  }
0x19f: {  	v41 =	vld [tilespmem:s0+$0x1160]  }
0x1a0: {  	v13 =	vmul.f32 v44, v16;
	v15 =	vadd.f32 v31, v14;
	v14 =	vld [tilespmem:$0x1FF30]  }
0x1a1: {  	v56 =	vld [tilespmem:s0+$0x1170]  }
0x1a2: {  	v57 =	vld [tilespmem:s0+$0x11D0];
	v13 =	vadd.f32 v13, v58  }
0x1a3: {  	v16 =	vld [tilespmem:s0+$0x11C0]  }
0x1a4: {  	v5 =	vadd.f32 v13, v5;
	v1 =	vadd.f32 v30, v1;
	v30 =	vld [tilespmem:s0+$0x11F0];
	v31 =	vmul.f32 v60, v12  }
0x1a5: {  	v59 =	vmul.f32 v59, v12;
	v60 =	vld [tilespmem:s0+$0x11E0];
	v2 =	vadd.f32 v15, v2;
	v14 =	vadd.f32 v34, v14  }
0x1a6: {  	v13 =	vld [tilespmem:s0+$0x1240];
	v15 =	vmul.f32 v41, v12;
	v12 =	vmul.f32 v56, v12;
	v1 =	vadd.f32 v31, v1  }
0x1a7: {  	v2 =	vadd.f32 v59, v2;
	v0 =	vadd.f32 v14, v0  }
0x1a8: {  	v31 =	vld [tilespmem:s0+$0x1270];
	v5 =	vadd.f32 v12, v5;
	v12 =	vmul.f32 v57, v11;
	v1 =	vadd.f32 v1, v35  }
0x1a9: {  	v2 =	vadd.f32 v2, v21;
	v14 =	vmul.f32 v16, v11;
	v16 =	vld [tilespmem:s0+$0x1250];
	v0 =	vadd.f32 v15, v0  }
0x1aa: {  	v21 =	vmul.f32 v60, v11;
	v5 =	vadd.f32 v5, v29;
	v11 =	vmul.f32 v30, v11;
	v15 =	vld [tilespmem:s0+$0x1260]  }
0x1ab: {  	v2 =	vadd.f32 v12, v2;
	v12 =	vmul.f32 v13, v33;
	v13 =	vld [tilespmem:s0+$0x12D0];
	v0 =	vadd.f32 v0, v20  }
0x1ac: {  	v1 =	vadd.f32 v14, v1;
	v5 =	vadd.f32 v11, v5;
	v14 =	vld [tilespmem:s0+$0x12E0]  }
0x1ad: {  	v2 =	vadd.f32 v2, v46;
	v20 =	vld [tilespmem:s0+$0x12C0];
	v0 =	vadd.f32 v21, v0  }
0x1ae: {  	v1 =	vadd.f32 v1, v51;
	v5 =	vadd.f32 v5, v47;
	v11 =	vmul.f32 v16, v33;
	v16 =	vld [tilespmem:s0+$0x12F0]  }
0x1af: {  	v29 =	vld [tilespmem:s0+$0x1340];
	v21 =	vmul.f32 v31, v33;
	v15 =	vmul.f32 v15, v33;
	v0 =	vadd.f32 v0, v45  }
0x1b0: {  	v1 =	vadd.f32 v12, v1;
	v12 =	vld [tilespmem:s0+$0x1350];
	v13 =	vmul.f32 v13, v9;
	v2 =	vadd.f32 v11, v2  }
0x1b1: {  	v14 =	vmul.f32 v14, v9;
	v5 =	vadd.f32 v21, v5;
	v0 =	vadd.f32 v15, v0;
	v15 =	vld [tilespmem:s0+$0x1360]  }
0x1b2: {  	v1 =	vadd.f32 v1, v32;
	v11 =	vmul.f32 v20, v9;
	v2 =	vadd.f32 v2, v19;
	v19 =	vld [tilespmem:s0+$0x1370]  }
0x1b3: {  	v5 =	vadd.f32 v5, v17;
	v9 =	vmul.f32 v16, v9;
	v16 =	vld [tilespmem:s0+$0x13C0];
	v0 =	vadd.f32 v0, v18  }
0x1b4: {  	v1 =	vadd.f32 v11, v1;
	v2 =	vadd.f32 v13, v2;
	v13 =	vld [tilespmem:s0+$0x13D0]  }
0x1b5: {  	v5 =	vadd.f32 v9, v5;
	v9 =	vmul.f32 v12, v10;
	v12 =	vld [tilespmem:s0+$0x13E0];
	v0 =	vadd.f32 v14, v0  }
0x1b6: {  	v2 =	vadd.f32 v2, v36;
	v14 =	vmul.f32 v15, v10;
	v15 =	vld [tilespmem:s0+$0x13F0]  }
0x1b7: {  	v11 =	vmul.f32 v29, v10;
	v1 =	vadd.f32 v1, v38;
	v0 =	vadd.f32 v0, v24  }
0x1b8: {  	v5 =	vadd.f32 v5, v37;
	v10 =	vmul.f32 v19, v10;
	v2 =	vadd.f32 v9, v2  }
0x1b9: {  	v1 =	vadd.f32 v11, v1;
	v9 =	vmul.f32 v16, v8;
	v11 =	vld [tilespmem:s0+$0x1450];
	v0 =	vadd.f32 v14, v0  }
0x1ba: {  	v5 =	vadd.f32 v10, v5;
	v10 =	vmul.f32 v13, v8;
	v13 =	vld [tilespmem:s0+$0x1460];
	v2 =	vadd.f32 v2, v26  }
0x1bb: {  	v12 =	vmul.f32 v12, v8;
	v0 =	vadd.f32 v0, v62;
	v8 =	vmul.f32 v15, v8;
	v15 =	vld [tilespmem:s0+$0x18C0]  }
0x1bc: {  	v5 =	vadd.f32 v5, v25;
	v2 =	vadd.f32 v10, v2  }
0x1bd: {  	v18 =	vld [tilespmem:s0+$0x1440];
	v1 =	vadd.f32 v1, v27;
	v0 =	vadd.f32 v12, v0  }
0x1be: {  	v2 =	vadd.f32 v2, v22;
	v5 =	vadd.f32 v8, v5;
	v8 =	vmul.f32 v11, v7  }
0x1bf: {  	v11 =	vld [tilespmem:s0+$0x18E0];
	v12 =	vmul.f32 v13, v7;
	v0 =	vadd.f32 v0, v63  }
0x1c0: {  	v1 =	vadd.f32 v9, v1;
	v2 =	vadd.f32 v8, v2;
	v8 =	vmul.f32 v15, v6;
	v15 =	vld [tilespmem:$0x1FE20]  }
0x1c1: {  	v0 =	vadd.f32 v12, v0;
	v12 =	vld [tilespmem:$0x1FE00]  }
0x1c2: {  	v9 =	vmul.f32 v18, v7;
	v1 =	vadd.f32 v1, v23  }
0x1c3: {  	v14 =	vld [tilespmem:s0+$0x1470]  }
0x1c4: {  	v10 =	vld [tilespmem:s0+$0x18D0];
	v1 =	vadd.f32 v9, v1  }
0x1c5: {  	v13 =	vld [tilespmem:s0+$0x18F0];
	v11 =	vmul.f32 v11, v6;
	v0 =	vadd.f32 v0, v15  }
0x1c6: {  	v1 =	vadd.f32 v1, v12;
	v12 =	vld [tilespmem:$0x1FE10]  }
0x1c7: {  	v0 =	vadd.f32 v11, v0;
	v11 =	vld [tilespmem:$0x1FDA0]  }
0x1c8: {  	v7 =	vmul.f32 v14, v7;
	v14 =	vld [tilespmem:s0+$0x1940]  }
0x1c9: {  	v9 =	vld [tilespmem:s0+$0x1950];
	v5 =	vadd.f32 v5, v28  }
0x1ca: {  	v15 =	vld [tilespmem:$0x1FE30];
	v1 =	vadd.f32 v8, v1  }
0x1cb: {  	v5 =	vadd.f32 v7, v5;
	v7 =	vmul.f32 v10, v6;
	v10 =	vld [tilespmem:s0+$0x1960];
	v2 =	vadd.f32 v2, v12  }
0x1cc: {  	v1 =	vadd.f32 v1, v11;
	v11 =	vld [tilespmem:$0x1FDB0]  }
0x1cd: {  	v2 =	vadd.f32 v7, v2;
	v7 =	vmul.f32 v14, v4;
	v14 =	vld [tilespmem:$0x1FDC0]  }
0x1ce: {  	v6 =	vmul.f32 v13, v6;
	v13 =	vld [tilespmem:s0+$0x19C0]  }
0x1cf: {  	v5 =	vadd.f32 v5, v15;
	_ =	sdelay $0x1  }
0x1d0: {  	v5 =	vadd.f32 v6, v5;
	v6 =	vmul.f32 v9, v4;
	v2 =	vadd.f32 v2, v11  }
0x1d1: {  	v10 =	vmul.f32 v10, v4;
	v9 =	vld [tilespmem:s0+$0x19E0];
	v0 =	vadd.f32 v0, v14  }
0x1d2: {  	v2 =	vadd.f32 v6, v2;
	v6 =	vmul.f32 v13, v3;
	v13 =	vld [tilespmem:$0x1FD80]  }
0x1d3: {  	v0 =	vadd.f32 v10, v0;
	v10 =	vld [tilespmem:$0x1FD60];
	_ =	sdelay $0x1  }
0x1d4: {  	v12 =	vld [tilespmem:s0+$0x1970]  }
0x1d5: {  	v1 =	vadd.f32 v7, v1;
	v14 =	vld [tilespmem:$0x1FDD0]  }
0x1d6: {  	v8 =	vld [tilespmem:s0+$0x19D0];
	v9 =	vmul.f32 v9, v3;
	v0 =	vadd.f32 v0, v13  }
0x1d7: {  	v1 =	vadd.f32 v1, v10;
	v10 =	vld [tilespmem:$0x1FD70]  }
0x1d8: {  	v0 =	vadd.f32 v9, v0;
	v9 =	vld [tilespmem:$0x1FD20]  }
0x1d9: {  	v4 =	vmul.f32 v12, v4;
	v12 =	vld [tilespmem:s0+$0x1A40]  }
0x1da: {  	v11 =	vld [tilespmem:s0+$0x19F0];
	v5 =	vadd.f32 v5, v14  }
0x1db: {  	v13 =	vld [tilespmem:$0x1FD90];
	v1 =	vadd.f32 v6, v1  }
0x1dc: {  	v7 =	vld [tilespmem:s0+$0x1A50];
	v4 =	vadd.f32 v4, v5;
	v5 =	vmul.f32 v8, v3;
	v2 =	vadd.f32 v2, v10  }
0x1dd: {  	v1 =	vadd.f32 v1, v9;
	v9 =	vld [tilespmem:$0x1FD30]  }
0x1de: {  	v2 =	vadd.f32 v5, v2;
	v5 =	vmul.f32 v12, v61;
	v12 =	vld [tilespmem:$0x1FD40]  }
0x1df: {  	v3 =	vmul.f32 v11, v3;
	v11 =	vld [tilespmem:s0+$0x1AC0]  }
0x1e0: {  	v8 =	vld [tilespmem:s0+$0x1A60];
	v4 =	vadd.f32 v4, v13;
	_ =	sdelay $0x1  }
0x1e1: {  	v10 =	vld [tilespmem:s0+$0x1A70];
	v3 =	vadd.f32 v3, v4;
	v4 =	vmul.f32 v7, v61;
	v2 =	vadd.f32 v2, v9  }
0x1e2: {  	v0 =	vadd.f32 v0, v12;
	v12 =	vld [tilespmem:$0x1FD50]  }
0x1e3: {  	v2 =	vadd.f32 v4, v2;
	v4 =	vmul.f32 v11, v55;
	v11 =	vld [tilespmem:$0x1FD00]  }
0x1e4: {  	v8 =	vmul.f32 v8, v61;
	_ =	sdelay $0x1  }
0x1e5: {  	v0 =	vadd.f32 v8, v0  }
0x1e6: {  	v10 =	vmul.f32 v10, v61;
	v9 =	vld [tilespmem:s0+$0x1AF0];
	v3 =	vadd.f32 v3, v12  }
0x1e7: {  	v0 =	vadd.f32 v0, v11;
	v11 =	vld [tilespmem:$0x1FD10]  }
0x1e8: {  	v3 =	vadd.f32 v10, v3;
	v10 =	vld [tilespmem:$0x1FCE0];
	_ =	sdelay $0x1  }
0x1e9: {  	v6 =	vld [tilespmem:s0+$0x1AD0]  }
0x1ea: {  	v7 =	vld [tilespmem:s0+$0x1AE0];
	v1 =	vadd.f32 v5, v1  }
0x1eb: {  	v9 =	vmul.f32 v9, v55;
	v12 =	vld [tilespmem:s0+$0x1B40];
	v3 =	vadd.f32 v3, v11  }
0x1ec: {  	v1 =	vadd.f32 v1, v10;
	v10 =	vld [tilespmem:$0x1FCF0]  }
0x1ed: {  	v3 =	vadd.f32 v9, v3;
	v9 =	vld [tilespmem:$0x1FCA0]  }
0x1ee: {  	v8 =	vld [tilespmem:s0+$0x1B60]  }
0x1ef: {  	v11 =	vld [tilespmem:s0+$0x1BC0]  }
0x1f0: {  	v1 =	vadd.f32 v4, v1;
	v4 =	vmul.f32 v12, v54;
	v12 =	vld [tilespmem:$0x1FCC0]  }
0x1f1: {  	v7 =	vmul.f32 v7, v55  }
0x1f2: {  	v2 =	vadd.f32 v2, v10;
	v10 =	vld [tilespmem:s0+$0x1B70];
	v1 =	vadd.f32 v1, v9  }
0x1f3: {  	v0 =	vadd.f32 v7, v0;
	v9 =	vld [tilespmem:$0x1FCB0]  }
0x1f4: {  	v6 =	vmul.f32 v6, v55;
	v1 =	vadd.f32 v4, v1;
	v4 =	vmul.f32 v11, v48;
	v11 =	vld [tilespmem:$0x1FC60]  }
0x1f5: {  	v8 =	vmul.f32 v8, v54;
	v0 =	vadd.f32 v0, v12;
	v12 =	vld [tilespmem:$0x1FCD0]  }
0x1f6: {  	v2 =	vadd.f32 v6, v2  }
0x1f7: {  	v0 =	vadd.f32 v8, v0  }
0x1f8: {  	v2 =	vadd.f32 v2, v9;
	v9 =	vld [tilespmem:s0+$0x1BF0]  }
0x1f9: {  	v0 =	vadd.f32 v0, v11;
	v11 =	vld [tilespmem:$0x1FC70]  }
0x1fa: {  	v10 =	vmul.f32 v10, v54;
	v3 =	vadd.f32 v3, v12;
	_ =	sdelay $0x1  }
0x1fb: {  	v3 =	vadd.f32 v10, v3;
	v10 =	vld [tilespmem:$0x1FC40]  }
0x1fc: {  	v5 =	vld [tilespmem:s0+$0x1B50]  }
0x1fd: {  	v7 =	vld [tilespmem:s0+$0x1BE0];
	v9 =	vmul.f32 v9, v48;
	v3 =	vadd.f32 v3, v11  }
0x1fe: {  	v6 =	vld [tilespmem:s0+$0x1BD0]  }
0x1ff: {  	v3 =	vadd.f32 v9, v3;
	v9 =	vld [tilespmem:$0x1FB80]  }
0x200: {  	v1 =	vadd.f32 v1, v10;
	v10 =	vld [tilespmem:$0x1FC50]  }
0x201: {  	v5 =	vmul.f32 v5, v54;
	v8 =	vld [tilespmem:s0+$0x1C60]  }
0x202: {  	v12 =	vld [tilespmem:s0+$0x1C40];
	v1 =	vadd.f32 v4, v1  }
0x203: {  	v7 =	vmul.f32 v7, v48;
	v2 =	vadd.f32 v5, v2;
	v5 =	vld [tilespmem:s0+$0x1C50]  }
0x204: {  	v1 =	vadd.f32 v1, v9;
	v9 =	vld [tilespmem:$0x1FB90]  }
0x205: {  	v6 =	vmul.f32 v6, v48;
	v0 =	vadd.f32 v7, v0;
	v7 =	vld [tilespmem:s0+$0x2060];
	v2 =	vadd.f32 v2, v10  }
0x206: {  	v11 =	vld [tilespmem:s0+$0x2040]  }
0x207: {  	v10 =	vld [tilespmem:s0+$0x1C70];
	v2 =	vadd.f32 v6, v2  }
0x208: {  	s8 =	sshll.u32 s2, $0xC;
	v6 =	vld [tilespmem:s0+$0x2050]  }
0x209: {  	v2 =	vadd.f32 v2, v9;
	v9 =	vld [tilespmem:s0+$0x2070];
	s0 =	sand.u32 $0x3FFFF000, s8  }
0x20a: {  	v4 =	vmul.f32 v12, v43;
	v12 =	vld [tilespmem:s0+$0x2000];
	_ =	sdelay $0x4  }
0x20b: {  	[tilespmem:$0x1FB00] =	vst v12;
	v12 =	vld [tilespmem:$0x1FBA0];
	_ =	sdelay $0x4  }
0x20c: {  	v0 =	vadd.f32 v0, v12;
	v12 =	vld [tilespmem:$0x1FBB0];
	_ =	sdelay $0x2  }
0x20d: {  	v8 =	vmul.f32 v8, v43;
	_ =	sdelay $0x1  }
0x20e: {  	v10 =	vmul.f32 v10, v43;
	v0 =	vadd.f32 v8, v0;
	v3 =	vadd.f32 v3, v12;
	_ =	sdelay $0x1  }
0x20f: {  	v0 =	vadd.f32 v0, v7;
	v3 =	vadd.f32 v10, v3;
	_ =	sdelay $0x1  }
0x210: {  	[tilespmem:$0x1FF30] =	vst v0;
	v0 =	vadd.f32 v3, v9;
	_ =	sdelay $0x1  }
0x211: {  	[tilespmem:$0x1FF40] =	vst v0;
	v0 =	vld [tilespmem:s0+$0x1F90];
	_ =	sdelay $0x4  }
0x212: {  	[tilespmem:$0x1FB50] =	vst v0;
	v0 =	vld [tilespmem:s0+$0x1FA0];
	_ =	sdelay $0x4  }
0x213: {  	[tilespmem:$0x1FB60] =	vst v0;
	v0 =	vld [tilespmem:s0+$0x1FB0];
	_ =	sdelay $0x4  }
0x214: {  	[tilespmem:$0x1FB70] =	vst v0;
	v0 =	vld [tilespmem:s0+$0x1FC0];
	_ =	sdelay $0x4  }
0x215: {  	[tilespmem:$0x1FB80] =	vst v0;
	v0 =	vld [tilespmem:s0+$0x1FD0];
	_ =	sdelay $0x4  }
0x216: {  	[tilespmem:$0x1FB90] =	vst v0;
	v0 =	vld [tilespmem:s0+$0x1FE0];
	_ =	sdelay $0x4  }
0x217: {  	[tilespmem:$0x1FBA0] =	vst v0;
	v0 =	vld [tilespmem:s0+$0x1FF0];
	_ =	sdelay $0x4  }
0x218: {  	[tilespmem:$0x1FBB0] =	vst v0;
	v0 =	vld [tilespmem:s0+$0x1C00];
	_ =	sdelay $0x4  }
0x219: {  	[tilespmem:$0x1FBC0] =	vst v0;
	v0 =	vld [tilespmem:s0+$0x1C10];
	_ =	sdelay $0x4  }
0x21a: {  	[tilespmem:$0x1FBD0] =	vst v0;
	v0 =	vld [tilespmem:s0+$0x1C20];
	_ =	sdelay $0x4  }
0x21b: {  	[tilespmem:$0x1FBE0] =	vst v0;
	v0 =	vld [tilespmem:s0+$0x1C30];
	_ =	sdelay $0x4  }
0x21c: {  	[tilespmem:$0x1FBF0] =	vst v0;
	v0 =	vld [tilespmem:s0+$0x1F00];
	_ =	sdelay $0x4  }
0x21d: {  	[tilespmem:$0x1FC00] =	vst v0;
	v0 =	vld [tilespmem:s0+$0x1F10];
	_ =	sdelay $0x4  }
0x21e: {  	[tilespmem:$0x1FC10] =	vst v0;
	v0 =	vld [tilespmem:s0+$0x1F20];
	_ =	sdelay $0x4  }
0x21f: {  	[tilespmem:$0x1FC20] =	vst v0;
	v0 =	vld [tilespmem:s0+$0x1F30];
	_ =	sdelay $0x4  }
0x220: {  	[tilespmem:$0x1FC30] =	vst v0;
	v0 =	vld [tilespmem:s0+$0x1F40];
	_ =	sdelay $0x4  }
0x221: {  	[tilespmem:$0x1FC40] =	vst v0;
	v0 =	vld [tilespmem:s0+$0x1F50];
	_ =	sdelay $0x4  }
0x222: {  	[tilespmem:$0x1FC50] =	vst v0;
	v0 =	vld [tilespmem:s0+$0x1F60];
	_ =	sdelay $0x4  }
0x223: {  	[tilespmem:$0x1FC60] =	vst v0;
	v0 =	vld [tilespmem:s0+$0x1F70];
	_ =	sdelay $0x4  }
0x224: {  	[tilespmem:$0x1FC70] =	vst v0;
	v0 =	vld [tilespmem:s0+$0x1B80];
	_ =	sdelay $0x4  }
0x225: {  	[tilespmem:$0x1FAE0] =	vst v0;
	v0 =	vld [tilespmem:s0+$0x1B90];
	_ =	sdelay $0x4  }
0x226: {  	[tilespmem:$0x1FAF0] =	vst v0;
	v0 =	vld [tilespmem:s0+$0x1BA0];
	_ =	sdelay $0x4  }
0x227: {  	[tilespmem:$0x1FC80] =	vst v0;
	v0 =	vld [tilespmem:s0+$0x1BB0];
	_ =	sdelay $0x4  }
0x228: {  	[tilespmem:$0x1FC90] =	vst v0;
	v0 =	vld [tilespmem:s0+$0x1E80];
	_ =	sdelay $0x4  }
0x229: {  	[tilespmem:$0x1FA80] =	vst v0;
	v0 =	vld [tilespmem:s0+$0x1E90];
	_ =	sdelay $0x4  }
0x22a: {  	[tilespmem:$0x1FA90] =	vst v0;
	v0 =	vld [tilespmem:s0+$0x1EA0];
	_ =	sdelay $0x4  }
0x22b: {  	[tilespmem:$0x1FAB0] =	vst v0;
	v0 =	vld [tilespmem:s0+$0x1EB0];
	_ =	sdelay $0x4  }
0x22c: {  	[tilespmem:$0x1FAC0] =	vst v0;
	v0 =	vld [tilespmem:s0+$0x1EC0];
	_ =	sdelay $0x4  }
0x22d: {  	[tilespmem:$0x1FCA0] =	vst v0;
	v0 =	vld [tilespmem:s0+$0x1ED0];
	_ =	sdelay $0x4  }
0x22e: {  	[tilespmem:$0x1FCB0] =	vst v0;
	v0 =	vld [tilespmem:s0+$0x1EE0];
	_ =	sdelay $0x4  }
0x22f: {  	[tilespmem:$0x1FCC0] =	vst v0;
	v0 =	vld [tilespmem:s0+$0x1EF0];
	_ =	sdelay $0x4  }
0x230: {  	[tilespmem:$0x1FCD0] =	vst v0;
	v0 =	vld [tilespmem:s0+$0x1B00];
	_ =	sdelay $0x4  }
0x231: {  	[tilespmem:$0x1FA60] =	vst v0;
	v0 =	vld [tilespmem:s0+$0x1B10];
	_ =	sdelay $0x4  }
0x232: {  	[tilespmem:$0x1FA70] =	vst v0;
	v0 =	vld [tilespmem:s0+$0x1B20];
	_ =	sdelay $0x4  }
0x233: {  	[tilespmem:$0x1FAA0] =	vst v0;
	v0 =	vld [tilespmem:s0+$0x1B30];
	_ =	sdelay $0x4  }
0x234: {  	[tilespmem:$0x1FAD0] =	vst v0;
	v0 =	vld [tilespmem:s0+$0x1E00];
	_ =	sdelay $0x4  }
0x235: {  	[tilespmem:$0x1FA00] =	vst v0;
	v0 =	vld [tilespmem:s0+$0x1E10];
	_ =	sdelay $0x4  }
0x236: {  	[tilespmem:$0x1FA10] =	vst v0;
	v0 =	vld [tilespmem:s0+$0x1E20];
	_ =	sdelay $0x4  }
0x237: {  	[tilespmem:$0x1FA30] =	vst v0;
	v0 =	vld [tilespmem:s0+$0x1E30];
	_ =	sdelay $0x4  }
0x238: {  	[tilespmem:$0x1FA40] =	vst v0;
	v0 =	vld [tilespmem:s0+$0x1E40];
	_ =	sdelay $0x4  }
0x239: {  	[tilespmem:$0x1FCE0] =	vst v0;
	v0 =	vld [tilespmem:s0+$0x1E50];
	_ =	sdelay $0x4  }
0x23a: {  	[tilespmem:$0x1FCF0] =	vst v0;
	v0 =	vld [tilespmem:s0+$0x1E60];
	_ =	sdelay $0x4  }
0x23b: {  	[tilespmem:$0x1FD00] =	vst v0;
	v0 =	vld [tilespmem:s0+$0x1E70];
	_ =	sdelay $0x4  }
0x23c: {  	[tilespmem:$0x1FD10] =	vst v0;
	v0 =	vld [tilespmem:s0+$0x1A80];
	_ =	sdelay $0x4  }
0x23d: {  	[tilespmem:$0x1F9E0] =	vst v0;
	v0 =	vld [tilespmem:s0+$0x1A90];
	_ =	sdelay $0x4  }
0x23e: {  	[tilespmem:$0x1F9F0] =	vst v0;
	v0 =	vld [tilespmem:s0+$0x1AA0];
	_ =	sdelay $0x4  }
0x23f: {  	[tilespmem:$0x1FA20] =	vst v0;
	v0 =	vld [tilespmem:s0+$0x1AB0];
	_ =	sdelay $0x4  }
0x240: {  	[tilespmem:$0x1FA50] =	vst v0;
	v0 =	vld [tilespmem:s0+$0x1D80];
	_ =	sdelay $0x4  }
0x241: {  	[tilespmem:$0x1F980] =	vst v0;
	v0 =	vld [tilespmem:s0+$0x1D90];
	_ =	sdelay $0x4  }
0x242: {  	[tilespmem:$0x1F990] =	vst v0;
	v0 =	vld [tilespmem:s0+$0x1DA0];
	_ =	sdelay $0x4  }
0x243: {  	[tilespmem:$0x1F9B0] =	vst v0;
	v0 =	vld [tilespmem:s0+$0x1DB0];
	_ =	sdelay $0x4  }
0x244: {  	[tilespmem:$0x1F9C0] =	vst v0;
	v0 =	vld [tilespmem:s0+$0x1DC0];
	_ =	sdelay $0x4  }
0x245: {  	[tilespmem:$0x1FD20] =	vst v0;
	v0 =	vld [tilespmem:s0+$0x1DD0];
	_ =	sdelay $0x4  }
0x246: {  	[tilespmem:$0x1FD30] =	vst v0;
	v0 =	vld [tilespmem:s0+$0x1DE0];
	_ =	sdelay $0x4  }
0x247: {  	[tilespmem:$0x1FD40] =	vst v0;
	v0 =	vld [tilespmem:s0+$0x1DF0];
	_ =	sdelay $0x4  }
0x248: {  	[tilespmem:$0x1FD50] =	vst v0;
	v0 =	vld [tilespmem:s0+$0x1A00];
	_ =	sdelay $0x4  }
0x249: {  	[tilespmem:$0x1F960] =	vst v0;
	v0 =	vld [tilespmem:s0+$0x1A10];
	_ =	sdelay $0x4  }
0x24a: {  	[tilespmem:$0x1F970] =	vst v0;
	v0 =	vld [tilespmem:s0+$0x1A20];
	_ =	sdelay $0x4  }
0x24b: {  	[tilespmem:$0x1F9A0] =	vst v0;
	v0 =	vld [tilespmem:s0+$0x1A30];
	_ =	sdelay $0x4  }
0x24c: {  	[tilespmem:$0x1F9D0] =	vst v0;
	v0 =	vld [tilespmem:s0+$0x1D00];
	_ =	sdelay $0x4  }
0x24d: {  	[tilespmem:$0x1F900] =	vst v0;
	v0 =	vld [tilespmem:s0+$0x1D10];
	_ =	sdelay $0x4  }
0x24e: {  	[tilespmem:$0x1F910] =	vst v0;
	v0 =	vld [tilespmem:s0+$0x1D20];
	_ =	sdelay $0x4  }
0x24f: {  	[tilespmem:$0x1F930] =	vst v0;
	v0 =	vld [tilespmem:s0+$0x1D30];
	_ =	sdelay $0x4  }
0x250: {  	[tilespmem:$0x1F940] =	vst v0;
	v0 =	vld [tilespmem:s0+$0x1D40];
	_ =	sdelay $0x4  }
0x251: {  	[tilespmem:$0x1FD60] =	vst v0;
	v0 =	vld [tilespmem:s0+$0x1D50];
	_ =	sdelay $0x4  }
0x252: {  	[tilespmem:$0x1FD70] =	vst v0;
	v0 =	vld [tilespmem:s0+$0x1D60];
	_ =	sdelay $0x4  }
0x253: {  	[tilespmem:$0x1FD80] =	vst v0;
	v0 =	vld [tilespmem:s0+$0x1D70];
	_ =	sdelay $0x4  }
0x254: {  	[tilespmem:$0x1FD90] =	vst v0;
	v0 =	vld [tilespmem:s0+$0x1980];
	_ =	sdelay $0x4  }
0x255: {  	[tilespmem:$0x1F8E0] =	vst v0;
	v0 =	vld [tilespmem:s0+$0x1990];
	_ =	sdelay $0x4  }
0x256: {  	[tilespmem:$0x1F8F0] =	vst v0;
	v0 =	vld [tilespmem:s0+$0x19A0]  }
0x257: {  	v1 =	vadd.f32 v4, v1;
	v4 =	vld [tilespmem:s0+$0x2020]  }
0x258: {  	v46 =	vld [tilespmem:s0+$0x1820]  }
0x259: {  	v35 =	vld [tilespmem:s0+$0x1830]  }
0x25a: {  	v29 =	vld [tilespmem:s0+$0x1780]  }
0x25b: {  	[tilespmem:$0x1F920] =	vst v0;
	v0 =	vld [tilespmem:s0+$0x19B0]  }
0x25c: {  	v20 =	vld [tilespmem:s0+$0x1790]  }
0x25d: {  	v31 =	vld [tilespmem:s0+$0x17A0]  }
0x25e: {  	v18 =	vld [tilespmem:s0+$0x1700]  }
0x25f: {  	v19 =	vld [tilespmem:s0+$0x1720]  }
0x260: {  	[tilespmem:$0x1F950] =	vst v0;
	v0 =	vld [tilespmem:s0+$0x1C80]  }
0x261: {  	v39 =	vld [tilespmem:s0+$0x1730]  }
0x262: {  	v41 =	vld [tilespmem:s0+$0x1680]  }
0x263: {  	v40 =	vld [tilespmem:s0+$0x16A0]  }
0x264: {  	v42 =	vld [tilespmem:s0+$0x16B0]  }
0x265: {  	[tilespmem:$0x1F8B0] =	vst v0;
	v0 =	vld [tilespmem:s0+$0x1CA0]  }
0x266: {  	v44 =	vld [tilespmem:s0+$0x1600]  }
0x267: {  	v30 =	vld [tilespmem:s0+$0x1610]  }
0x268: {  	v13 =	vld [tilespmem:s0+$0x1630]  }
0x269: {  	v56 =	vld [tilespmem:s0+$0x1580]  }
0x26a: {  	[tilespmem:$0x1F8C0] =	vst v0;
	v0 =	vld [tilespmem:s0+$0x1CB0]  }
0x26b: {  	v14 =	vld [tilespmem:s0+$0x1590]  }
0x26c: {  	v15 =	vld [tilespmem:s0+$0x15A0]  }
0x26d: {  	v50 =	vld [tilespmem:s0+$0x1500]  }
0x26e: {  	v60 =	vld [tilespmem:s0+$0x1510]  }
0x26f: {  	[tilespmem:$0x1F8D0] =	vst v0;
	v0 =	vld [tilespmem:s0+$0x1CC0]  }
0x270: {  	v62 =	vld [tilespmem:s0+$0x1520]  }
0x271: {  	v25 =	vld [tilespmem:s0+$0x1530]  }
0x272: {  	v26 =	vld [tilespmem:s0+$0x1480]  }
0x273: {  	v27 =	vld [tilespmem:s0+$0x1490]  }
0x274: {  	[tilespmem:$0x1FDA0] =	vst v0;
	v0 =	vld [tilespmem:s0+$0x1CD0]  }
0x275: {  	v3 =	vld [tilespmem:$0x1FDE0]  }
0x276: {  	v28 =	vld [tilespmem:s0+$0x14A0]  }
0x277: {  	v22 =	vld [tilespmem:s0+$0x14B0]  }
0x278: {  	v23 =	vld [tilespmem:s0+$0x1080]  }
0x279: {  	[tilespmem:$0x1FDB0] =	vst v0;
	v0 =	vld [tilespmem:s0+$0x1CE0]  }
0x27a: {  	v24 =	vld [tilespmem:s0+$0x1090]  }
0x27b: {  	s8 =	sshll.u32 s2, $0x4;
	v36 =	vld [tilespmem:s0+$0x10A0]  }
0x27c: {  	s8 =	sand.u32 $0x3FFFFFF0, s8;
	v37 =	vld [tilespmem:s0+$0x10B0]  }
0x27d: {  	v1 =	vadd.f32 v1, v11;
	v11 =	vld.idx.msk [tilespmem:v3+s8+$0x0 ss:$0x1], $0xffff  }
0x27e: {  	[tilespmem:$0x1FDC0] =	vst v0;
	v0 =	vld [tilespmem:s0+$0x1CF0]  }
0x27f: {  	v38 =	vld [tilespmem:s0+$0x1100]  }
0x280: {  	v5 =	vmul.f32 v5, v43;
	v43 =	vld [tilespmem:s0+$0x1110]  }
0x281: {  	v63 =	vld [tilespmem:s0+$0x1120]  }
0x282: {  	v17 =	vld [tilespmem:s0+$0x1130]  }
0x283: {  	v16 =	vbroadcast v11, $0x0;
	[tilespmem:$0x1FDD0] =	vst v0;
	v0 =	vld [tilespmem:s0+$0x1840]  }
0x284: {  	v32 =	vld [tilespmem:s0+$0x1180]  }
0x285: {  	v2 =	vadd.f32 v5, v2;
	[tilespmem:$0x1FB20] =	vst v4;
	v4 =	vld [tilespmem:s0+$0x2030];
	v24 =	vmul.f32 v24, v16  }
0x286: {  	v12 =	vld [tilespmem:s0+$0x2010]  }
0x287: {  	[tilespmem:$0x1FDF0] =	vst v1;
	v1 =	vadd.f32 v2, v6;
	v48 =	vbroadcast v11, $0xE;
	v24 =	vadd.f32 v24, v53;
	v53 =	vld [tilespmem:$0x1F890]  }
0x288: {  	v57 =	vbroadcast v11, $0xF;
	v55 =	vbroadcast v11, $0xC;
	[tilespmem:$0x1FE00] =	vst v0;
	v0 =	vld [tilespmem:s0+$0x1850]  }
0x289: {  	[tilespmem:$0x1FF20] =	vst v1;
	v1 =	vld [tilespmem:s0+$0x1F80];
	v54 =	vbroadcast v11, $0xD;
	v3 =	vbroadcast v11, $0xA  }
0x28a: {  	v5 =	vld [tilespmem:s0+$0x1620];
	v61 =	vbroadcast v11, $0xB;
	v36 =	vmul.f32 v36, v16  }
0x28b: {  	v2 =	vld [tilespmem:s0+$0x1710];
	[tilespmem:$0x1FB30] =	vst v4;
	v6 =	vbroadcast v11, $0x8;
	v23 =	vmul.f32 v23, v16  }
0x28c: {  	[tilespmem:$0x1FB10] =	vst v12;
	v4 =	vbroadcast v11, $0x9;
	v8 =	vbroadcast v11, $0x6;
	v36 =	vadd.f32 v36, v53;
	v53 =	vld [tilespmem:$0x1F8A0]  }
0x28d: {  	v7 =	vbroadcast v11, $0x7;
	v12 =	vbroadcast v11, $0x1;
	v23 =	vadd.f32 v23, v52;
	[tilespmem:$0x1FE10] =	vst v0;
	v0 =	vld [tilespmem:s0+$0x1860]  }
0x28e: {  	[tilespmem:$0x1FB40] =	vst v1;
	v1 =	vld [tilespmem:s0+$0x1690];
	v9 =	vbroadcast v11, $0x4;
	v10 =	vbroadcast v11, $0x5  }
0x28f: {  	v37 =	vmul.f32 v37, v16;
	v38 =	vmul.f32 v38, v12;
	v52 =	vld [tilespmem:s0+$0x1190];
	v23 =	vadd.f32 v23, v26  }
0x290: {  	v33 =	vbroadcast v11, $0x3;
	v43 =	vmul.f32 v43, v12;
	v24 =	vadd.f32 v24, v27;
	v27 =	vld [tilespmem:s0+$0x11B0]  }
0x291: {  	v11 =	vbroadcast v11, $0x2;
	v23 =	vadd.f32 v38, v23;
	v37 =	vadd.f32 v37, v53;
	v53 =	vld [tilespmem:s0+$0x11A0]  }
0x292: {  	v26 =	vmul.f32 v63, v12;
	v24 =	vadd.f32 v43, v24;
	v28 =	vadd.f32 v36, v28;
	[tilespmem:$0x1FE20] =	vst v0;
	v0 =	vld [tilespmem:s0+$0x1870]  }
0x293: {  	v17 =	vmul.f32 v17, v12;
	v23 =	vadd.f32 v23, v50;
	v50 =	vld [tilespmem:s0+$0x1230];
	v22 =	vadd.f32 v37, v22  }
0x294: {  	v36 =	vld [tilespmem:s0+$0x1200];
	v26 =	vadd.f32 v26, v28  }
0x295: {  	v32 =	vmul.f32 v32, v11;
	v24 =	vadd.f32 v24, v60;
	v28 =	vld [tilespmem:s0+$0x1220];
	v17 =	vadd.f32 v17, v22  }
0x296: {  	v26 =	vadd.f32 v26, v62;
	v37 =	vld [tilespmem:s0+$0x1210];
	v22 =	vmul.f32 v52, v11;
	v63 =	vmul.f32 v53, v11  }
0x297: {  	v23 =	vadd.f32 v32, v23;
	v17 =	vadd.f32 v17, v25;
	v25 =	vmul.f32 v27, v11;
	[tilespmem:$0x1FE30] =	vst v0;
	v0 =	vld [tilespmem:s0+$0x15B0]  }
0x298: {  	v27 =	vld [tilespmem:s0+$0x1280];
	v22 =	vadd.f32 v22, v24;
	v26 =	vadd.f32 v63, v26  }
0x299: {  	v23 =	vadd.f32 v23, v56;
	v53 =	vld [tilespmem:s0+$0x12A0];
	v24 =	vmul.f32 v36, v33;
	v17 =	vadd.f32 v25, v17  }
0x29a: {  	v52 =	vld [tilespmem:s0+$0x1290];
	v14 =	vadd.f32 v22, v14;
	v22 =	vmul.f32 v28, v33;
	v15 =	vadd.f32 v26, v15  }
0x29b: {  	v25 =	vmul.f32 v37, v33;
	v28 =	vld [tilespmem:s0+$0x12B0];
	v23 =	vadd.f32 v24, v23  }
0x29c: {  	v26 =	vld [tilespmem:s0+$0x1300];
	v15 =	vadd.f32 v22, v15;
	v0 =	vadd.f32 v17, v0;
	v17 =	vmul.f32 v50, v33  }
0x29d: {  	v14 =	vadd.f32 v25, v14;
	v25 =	vld [tilespmem:s0+$0x1310];
	v23 =	vadd.f32 v23, v44;
	v24 =	vmul.f32 v27, v9  }
0x29e: {  	v22 =	vld [tilespmem:s0+$0x1320];
	v27 =	vmul.f32 v53, v9;
	v5 =	vadd.f32 v15, v5;
	v0 =	vadd.f32 v17, v0  }
0x29f: {  	v14 =	vadd.f32 v14, v30;
	v30 =	vld [tilespmem:s0+$0x1330];
	v23 =	vadd.f32 v24, v23;
	v17 =	vmul.f32 v52, v9  }
0x2a0: {  	v15 =	vld [tilespmem:s0+$0x1380];
	v5 =	vadd.f32 v27, v5;
	v0 =	vadd.f32 v0, v13;
	v13 =	vmul.f32 v28, v9  }
0x2a1: {  	v24 =	vld [tilespmem:s0+$0x1390];
	v23 =	vadd.f32 v23, v41;
	v14 =	vadd.f32 v17, v14  }
0x2a2: {  	v17 =	vmul.f32 v26, v10;
	v0 =	vadd.f32 v13, v0;
	v13 =	vmul.f32 v25, v10;
	v25 =	vld [tilespmem:s0+$0x13A0]  }
0x2a3: {  	v5 =	vadd.f32 v5, v40;
	v1 =	vadd.f32 v14, v1;
	v14 =	vmul.f32 v22, v10;
	v22 =	vld [tilespmem:s0+$0x13B0]  }
0x2a4: {  	v21 =	vld [tilespmem:s0+$0x17B0];
	v26 =	vmul.f32 v30, v10;
	v17 =	vadd.f32 v17, v23;
	v0 =	vadd.f32 v0, v42  }
0x2a5: {  	v1 =	vadd.f32 v13, v1;
	v13 =	vmul.f32 v15, v8;
	v15 =	vld [tilespmem:s0+$0x1410];
	v5 =	vadd.f32 v14, v5  }
0x2a6: {  	v23 =	vld [tilespmem:s0+$0x1420];
	v14 =	vmul.f32 v24, v8;
	v17 =	vadd.f32 v17, v18;
	v0 =	vadd.f32 v26, v0  }
0x2a7: {  	v18 =	vld [tilespmem:s0+$0x1430];
	v1 =	vadd.f32 v1, v2;
	v5 =	vadd.f32 v5, v19;
	v2 =	vmul.f32 v25, v8  }
0x2a8: {  	v27 =	vld [tilespmem:s0+$0x1400];
	v13 =	vadd.f32 v13, v17;
	v19 =	vmul.f32 v22, v8;
	v0 =	vadd.f32 v0, v39  }
0x2a9: {  	v17 =	vld [tilespmem:s0+$0x1890];
	v1 =	vadd.f32 v14, v1;
	v2 =	vadd.f32 v2, v5  }
0x2aa: {  	v5 =	vmul.f32 v15, v7;
	v15 =	vld [tilespmem:s0+$0x18A0];
	v0 =	vadd.f32 v19, v0  }
0x2ab: {  	v1 =	vadd.f32 v1, v20;
	v19 =	vmul.f32 v23, v7;
	v20 =	vld [tilespmem:s0+$0x18B0];
	v2 =	vadd.f32 v2, v31  }
0x2ac: {  	v18 =	vmul.f32 v18, v7;
	v0 =	vadd.f32 v0, v21  }
0x2ad: {  	v45 =	vld [tilespmem:s0+$0x1800];
	v14 =	vmul.f32 v27, v7;
	v13 =	vadd.f32 v13, v29;
	v2 =	vadd.f32 v19, v2  }
0x2ae: {  	v24 =	vld [tilespmem:s0+$0x1880];
	v0 =	vadd.f32 v18, v0  }
0x2af: {  	v13 =	vadd.f32 v14, v13;
	v15 =	vmul.f32 v15, v6;
	v2 =	vadd.f32 v2, v46  }
0x2b0: {  	v59 =	vld [tilespmem:s0+$0x1920];
	v14 =	vmul.f32 v17, v6;
	v17 =	vmul.f32 v20, v6;
	v0 =	vadd.f32 v0, v35  }
0x2b1: {  	v2 =	vadd.f32 v15, v2;
	v15 =	vld [tilespmem:$0x1F8B0]  }
0x2b2: {  	v0 =	vadd.f32 v17, v0;
	v17 =	vld [tilespmem:$0x1F8C0]  }
0x2b3: {  	v1 =	vadd.f32 v5, v1;
	v5 =	vmul.f32 v24, v6;
	v13 =	vadd.f32 v13, v45;
	_ =	sdelay $0x1  }
0x2b4: {  	v47 =	vld [tilespmem:s0+$0x1900];
	v5 =	vadd.f32 v5, v13  }
0x2b5: {  	v34 =	vld [tilespmem:s0+$0x1810]  }
0x2b6: {  	v51 =	vld [tilespmem:s0+$0x1C90];
	v5 =	vadd.f32 v5, v15;
	v15 =	vmul.f32 v59, v4;
	v2 =	vadd.f32 v2, v17  }
0x2b7: {  	v49 =	vld [tilespmem:s0+$0x1910]  }
0x2b8: {  	v2 =	vadd.f32 v15, v2;
	v15 =	vld [tilespmem:$0x1F900]  }
0x2b9: {  	v58 =	vld [tilespmem:s0+$0x1930];
	v13 =	vmul.f32 v47, v4  }
0x2ba: {  	v1 =	vadd.f32 v1, v34;
	v17 =	vld [tilespmem:$0x1F8D0]  }
0x2bb: {  	v5 =	vadd.f32 v13, v5  }
0x2bc: {  	v1 =	vadd.f32 v14, v1  }
0x2bd: {  	v5 =	vadd.f32 v5, v15;
	v15 =	vld [tilespmem:$0x1F910]  }
0x2be: {  	v14 =	vmul.f32 v49, v4;
	v1 =	vadd.f32 v1, v51  }
0x2bf: {  	v0 =	vadd.f32 v0, v17;
	v17 =	vmul.f32 v58, v4  }
0x2c0: {  	v1 =	vadd.f32 v14, v1  }
0x2c1: {  	v0 =	vadd.f32 v17, v0;
	v17 =	vld [tilespmem:$0x1F930]  }
0x2c2: {  	v1 =	vadd.f32 v1, v15;
	v15 =	vld [tilespmem:$0x1F920];
	_ =	sdelay $0x1  }
0x2c3: {  	v38 =	vld [tilespmem:s0+$0x16C0]  }
0x2c4: {  	v13 =	vld [tilespmem:$0x1F8E0]  }
0x2c5: {  	v32 =	vld [tilespmem:s0+$0x1640]  }
0x2c6: {  	v62 =	vld [tilespmem:s0+$0x1760];
	v2 =	vadd.f32 v2, v17;
	v15 =	vmul.f32 v15, v3  }
0x2c7: {  	v17 =	vld [tilespmem:$0x1F940]  }
0x2c8: {  	v2 =	vadd.f32 v15, v2;
	v15 =	vld [tilespmem:$0x1F980]  }
0x2c9: {  	v14 =	vld [tilespmem:$0x1F8F0];
	v13 =	vmul.f32 v13, v3  }
0x2ca: {  	v36 =	vld [tilespmem:s0+$0x16D0]  }
0x2cb: {  	v20 =	vld [tilespmem:$0x1F9B0];
	v5 =	vadd.f32 v13, v5  }
0x2cc: {  	v0 =	vadd.f32 v0, v17;
	v17 =	vld [tilespmem:$0x1F950]  }
0x2cd: {  	v5 =	vadd.f32 v5, v15;
	v15 =	vld [tilespmem:$0x1F990]  }
0x2ce: {  	v63 =	vld [tilespmem:s0+$0x17E0];
	v14 =	vmul.f32 v14, v3  }
0x2cf: {  	v37 =	vld [tilespmem:s0+$0x16F0]  }
0x2d0: {  	v28 =	vld [tilespmem:s0+$0x17F0];
	v1 =	vadd.f32 v14, v1  }
0x2d1: {  	v2 =	vadd.f32 v2, v20;
	v20 =	vld [tilespmem:$0x1F9C0]  }
0x2d2: {  	v17 =	vmul.f32 v17, v3;
	v1 =	vadd.f32 v1, v15;
	v15 =	vld [tilespmem:$0x1F9A0]  }
0x2d3: {  	v26 =	vld [tilespmem:s0+$0x1750]  }
0x2d4: {  	v22 =	vld [tilespmem:s0+$0x17D0];
	v0 =	vadd.f32 v17, v0  }
0x2d5: {  	v13 =	vld [tilespmem:$0x1F960]  }
0x2d6: {  	v0 =	vadd.f32 v0, v20;
	v20 =	vld [tilespmem:$0x1F9D0]  }
0x2d7: {  	v25 =	vld [tilespmem:s0+$0x1770];
	v15 =	vmul.f32 v15, v61  }
0x2d8: {  	v27 =	vld [tilespmem:s0+$0x1740]  }
0x2d9: {  	v2 =	vadd.f32 v15, v2;
	v15 =	vld [tilespmem:$0x1FA00]  }
0x2da: {  	v13 =	vmul.f32 v13, v61;
	v14 =	vld [tilespmem:$0x1F970]  }
0x2db: {  	v23 =	vld [tilespmem:s0+$0x17C0];
	v20 =	vmul.f32 v20, v61  }
0x2dc: {  	v31 =	vld [tilespmem:$0x1FAB0];
	v5 =	vadd.f32 v13, v5  }
0x2dd: {  	v0 =	vadd.f32 v20, v0;
	v20 =	vld [tilespmem:$0x1FA30]  }
0x2de: {  	v5 =	vadd.f32 v5, v15;
	v15 =	vld [tilespmem:$0x1FA10]  }
0x2df: {  	v24 =	vld [tilespmem:s0+$0x16E0];
	v14 =	vmul.f32 v14, v61  }
0x2e0: {  	v45 =	vld [tilespmem:s0+$0x15E0]  }
0x2e1: {  	v21 =	vld [tilespmem:s0+$0x1550];
	v1 =	vadd.f32 v14, v1  }
0x2e2: {  	v2 =	vadd.f32 v2, v20;
	v20 =	vld [tilespmem:$0x1FA40]  }
0x2e3: {  	v1 =	vadd.f32 v1, v15;
	v15 =	vld [tilespmem:$0x1FA20]  }
0x2e4: {  	v19 =	vld [tilespmem:s0+$0x1650]  }
0x2e5: {  	v18 =	vld [tilespmem:s0+$0x1660]  }
0x2e6: {  	v13 =	vld [tilespmem:$0x1F9E0]  }
0x2e7: {  	v47 =	vld [tilespmem:s0+$0x15F0]  }
0x2e8: {  	v0 =	vadd.f32 v0, v20;
	v20 =	vld [tilespmem:$0x1FA50];
	v15 =	vmul.f32 v15, v55  }
0x2e9: {  	v46 =	vld [tilespmem:s0+$0x15D0]  }
0x2ea: {  	v2 =	vadd.f32 v15, v2;
	v15 =	vld [tilespmem:$0x1FA80]  }
0x2eb: {  	v13 =	vmul.f32 v13, v55;
	v14 =	vld [tilespmem:$0x1F9F0]  }
0x2ec: {  	v58 =	vadd.f32 v2, v31;
	v2 =	vld [tilespmem:$0x1FAC0]  }
0x2ed: {  	v35 =	vld [tilespmem:s0+$0x1540];
	v5 =	vadd.f32 v13, v5;
	v29 =	vmul.f32 v20, v55  }
0x2ee: {  	v13 =	vld [tilespmem:$0x1FA60]  }
0x2ef: {  	v0 =	vadd.f32 v29, v0;
	v5 =	vadd.f32 v5, v15;
	v15 =	vld [tilespmem:$0x1FA90]  }
0x2f0: {  	v51 =	vld [tilespmem:s0+$0x15C0];
	v14 =	vmul.f32 v14, v55  }
0x2f1: {  	v59 =	vadd.f32 v0, v2;
	v0 =	vld [tilespmem:$0x1FAD0]  }
0x2f2: {  	v17 =	vld [tilespmem:s0+$0x1670];
	v1 =	vadd.f32 v14, v1  }
0x2f3: {  	v13 =	vmul.f32 v13, v54;
	v14 =	vld [tilespmem:$0x1FA70]  }
0x2f4: {  	v15 =	vadd.f32 v1, v15;
	v1 =	vld [tilespmem:$0x1FAA0]  }
0x2f5: {  	v31 =	vadd.f32 v13, v5;
	v5 =	vld [tilespmem:$0x1FAF0]  }
0x2f6: {  	p0 =	sne.s32 s2, $0x7;
	v60 =	vmul.f32 v0, v54;
	v0 =	vld [tilespmem:$0x1FAE0]  }
.Ltmp0:
0x2f7: {  	v20 =	vld [tilespmem:s0+$0x1560];
	(pc) =	sbr.rel @p0 .LBB2_3-.Ltmp0, $4  }
0x2f8: {  	v29 =	vld [tilespmem:s0+$0x1570];
	v14 =	vmul.f32 v14, v54  }
0x2f9: {  	v2 =	vld [tilespmem:s0+$0x14D0];
	v30 =	vmul.f32 v1, v54  }
0x2fa: {  	v34 =	vadd.f32 v14, v15;
	v40 =	vadd.f32 v60, v59;
	v1 =	vld [tilespmem:s0+$0x14C0]  }
0x2fb: {  	s2 =	sadd.s32 $0x1, s2;
	v13 =	vmul.f32 v0, v48;
	v0 =	vld [tilespmem:s0+$0x14E0];
	v39 =	vadd.f32 v30, v58;
	v30 =	vmul.f32 v5, v48  }
0x2fc: {  	v14 =	vld [tilespmem:s0+$0x11F0]  }
0x2fd: {  	v15 =	vld [tilespmem:s0+$0x1250];
	_ =	sdelay $0x3  }
0x2fe: {  	[tilespmem:$0x1F720] =	vst v14;
	v14 =	vld [tilespmem:s0+$0x1270]  }
0x2ff: {  	[tilespmem:$0x1F730] =	vst v15;
	v15 =	vld [tilespmem:s0+$0x12C0];
	_ =	sdelay $0x2  }
0x300: {  	v56 =	vld [tilespmem:s0+$0x11E0]  }
0x301: {  	[tilespmem:$0x1F760] =	vst v14;
	v14 =	vld [tilespmem:s0+$0x12E0]  }
0x302: {  	[tilespmem:$0x1F700] =	vst v15;
	v15 =	vld [tilespmem:s0+$0x12F0];
	_ =	sdelay $0x2  }
0x303: {  	[tilespmem:$0x1F710] =	vst v56;
	v56 =	vld [tilespmem:s0+$0x1260]  }
0x304: {  	[tilespmem:$0x1F790] =	vst v14;
	v14 =	vld [tilespmem:s0+$0x1350]  }
0x305: {  	[tilespmem:$0x1F7A0] =	vst v15;
	v15 =	vld [tilespmem:s0+$0x1360];
	_ =	sdelay $0x2  }
0x306: {  	[tilespmem:$0x1F750] =	vst v56;
	v56 =	vld [tilespmem:s0+$0x12D0]  }
0x307: {  	[tilespmem:$0x1F7B0] =	vst v14;
	v14 =	vld [tilespmem:s0+$0x13C0]  }
0x308: {  	[tilespmem:$0x1F7D0] =	vst v15;
	v15 =	vld [tilespmem:s0+$0x13D0];
	_ =	sdelay $0x2  }
0x309: {  	[tilespmem:$0x1F770] =	vst v56;
	v56 =	vld [tilespmem:s0+$0x1340]  }
0x30a: {  	[tilespmem:$0x1F780] =	vst v14;
	v14 =	vld [tilespmem:s0+$0x13F0]  }
0x30b: {  	[tilespmem:$0x1F7F0] =	vst v15;
	v15 =	vld [tilespmem:s0+$0x1440];
	_ =	sdelay $0x2  }
0x30c: {  	[tilespmem:$0x1F740] =	vst v56;
	v56 =	vld [tilespmem:s0+$0x1370]  }
0x30d: {  	[tilespmem:$0x1F820] =	vst v14;
	v14 =	vld [tilespmem:s0+$0x1450]  }
0x30e: {  	[tilespmem:$0x1F7C0] =	vst v15;
	v15 =	vld [tilespmem:$0x1FC10];
	_ =	sdelay $0x2  }
0x30f: {  	[tilespmem:$0x1F7E0] =	vst v56;
	v56 =	vld [tilespmem:s0+$0x13E0]  }
0x310: {  	[tilespmem:$0x1F800] =	vst v14;
	v14 =	vld [tilespmem:$0x1FC30]  }
0x311: {  	v15 =	vadd.f32 v34, v15;
	v34 =	vld [tilespmem:$0x1FC20];
	_ =	sdelay $0x1  }
0x312: {  	v5 =	vld [tilespmem:s0+$0x14F0]  }
0x313: {  	[tilespmem:$0x1F810] =	vst v56;
	v56 =	vld [tilespmem:$0x1FC00]  }
0x314: {  	v40 =	vadd.f32 v40, v14;
	v14 =	vld [tilespmem:$0x1FC90]  }
0x315: {  	v34 =	vadd.f32 v39, v34;
	v39 =	vld [tilespmem:$0x1FC80]  }
0x316: {  	v41 =	vld [tilespmem:s0+$0x10C0]  }
0x317: {  	v44 =	vld [tilespmem:s0+$0x10D0]  }
0x318: {  	v43 =	vmov v48;
	v31 =	vadd.f32 v31, v56;
	v56 =	vld [tilespmem:s0+$0x1460]  }
0x319: {  	v48 =	vld [tilespmem:s0+$0x10E0];
	v14 =	vmul.f32 v14, v43  }
0x31a: {  	v52 =	vld [tilespmem:s0+$0x10F0];
	[tilespmem:$0x1F6F0] =	vst v5;
	v5 =	vmul.f32 v39, v43  }
0x31b: {  	v14 =	vadd.f32 v14, v40;
	v40 =	vld [tilespmem:$0x1FB40]  }
0x31c: {  	v5 =	vadd.f32 v5, v34;
	v34 =	vmul.f32 v41, v16;
	v41 =	vld [tilespmem:$0x1FB50]  }
0x31d: {  	[tilespmem:$0x1F840] =	vst v56;
	v56 =	vld [tilespmem:s0+$0x1470]  }
0x31e: {  	v31 =	vadd.f32 v13, v31;
	v15 =	vadd.f32 v30, v15;
	v30 =	vld [tilespmem:s0+$0x18D0]  }
0x31f: {  	v13 =	vld [tilespmem:$0x1FBC0]  }
0x320: {  	v31 =	vadd.f32 v31, v40;
	v40 =	vld [tilespmem:$0x1FDF0]  }
0x321: {  	v15 =	vadd.f32 v15, v41;
	v41 =	vld [tilespmem:s0+$0x18F0]  }
0x322: {  	[tilespmem:$0x1F850] =	vst v56;
	v56 =	vld [tilespmem:s0+$0x18E0]  }
0x323: {  	v42 =	vld [tilespmem:s0+$0x1140]  }
0x324: {  	v53 =	vld [tilespmem:s0+$0x1150]  }
0x325: {  	[tilespmem:$0x1F830] =	vst v30;
	v30 =	vld [tilespmem:$0x1FB60]  }
0x326: {  	v34 =	vadd.f32 v34, v40;
	[tilespmem:$0x1F870] =	vst v41;
	v41 =	vmul.f32 v13, v57;
	v40 =	vld [tilespmem:$0x1FBD0]  }
0x327: {  	[tilespmem:$0x1F860] =	vst v56;
	v56 =	vld [tilespmem:$0x1FB70]  }
0x328: {  	v31 =	vadd.f32 v41, v31;
	v41 =	vld [tilespmem:$0x1FBF0]  }
0x329: {  	v50 =	vld [tilespmem:s0+$0x1160]  }
0x32a: {  	v59 =	vld [tilespmem:s0+$0x1170]  }
0x32b: {  	v30 =	vadd.f32 v5, v30;
	v13 =	vld [tilespmem:$0x1FBE0];
	v5 =	vmul.f32 v40, v57  }
0x32c: {  	v58 =	vld [tilespmem:s0+$0x11C0]  }
0x32d: {  	v60 =	vld [tilespmem:s0+$0x11D0];
	v14 =	vadd.f32 v14, v56;
	v5 =	vadd.f32 v5, v15;
	v15 =	vmul.f32 v41, v57  }
0x32e: {  	v41 =	vld [tilespmem:$0x1FB00]  }
0x32f: {  	v14 =	vadd.f32 v15, v14;
	v15 =	vmul.f32 v44, v16;
	v44 =	vld [tilespmem:$0x1FB10]  }
0x330: {  	v49 =	vld [tilespmem:s0+$0x1240];
	v34 =	vadd.f32 v34, v1;
	v1 =	vmul.f32 v13, v57;
	v13 =	vmul.f32 v42, v12  }
0x331: {  	v39 =	vld [tilespmem:s0+$0x18C0]  }
0x332: {  	v40 =	vld [tilespmem:s0+$0x1940];
	v13 =	vadd.f32 v13, v34  }
0x333: {  	v56 =	vmov v57;
	v57 =	vld [tilespmem:s0+$0x1960];
	v1 =	vadd.f32 v1, v30;
	v30 =	vadd.f32 v31, v41  }
0x334: {  	v41 =	vadd.f32 v5, v44;
	v5 =	vadd.f32 v13, v35;
	v35 =	vld [tilespmem:$0x1FB20]  }
0x335: {  	v44 =	vld [tilespmem:$0x1FF20]  }
0x336: {  	v42 =	vld [tilespmem:s0+$0x1950]  }
0x337: {  	v34 =	vld [tilespmem:s0+$0x19C0]  }
0x338: {  	v48 =	vmul.f32 v48, v16;
	v16 =	vmul.f32 v52, v16;
	v52 =	vld [tilespmem:$0x1FB30]  }
0x339: {  	[tilespmem:$0x1F880] =	vst v57;
	v57 =	vld [tilespmem:s0+$0x1970]  }
0x33a: {  	v31 =	vadd.f32 v1, v35;
	v1 =	vadd.f32 v15, v44;
	v44 =	vld [tilespmem:$0x1FF30]  }
0x33b: {  	v13 =	vmul.f32 v58, v11;
	v58 =	vld [tilespmem:s0+$0x19D0]  }
0x33c: {  	v35 =	vld [tilespmem:s0+$0x19E0]  }
0x33d: {  	v15 =	vadd.f32 v14, v52;
	v52 =	vld [tilespmem:s0+$0x19F0]  }
0x33e: {  	v1 =	vadd.f32 v1, v2;
	v2 =	vmul.f32 v53, v12;
	v53 =	vld [tilespmem:s0+$0x1A40]  }
0x33f: {  	v5 =	vadd.f32 v13, v5;
	v13 =	vadd.f32 v48, v44;
	v48 =	vld [tilespmem:$0x1FF40]  }
0x340: {  	v1 =	vadd.f32 v2, v1;
	v2 =	vld [tilespmem:s0+$0x1A70]  }
0x341: {  	v44 =	vmul.f32 v49, v33;
	v49 =	vld [tilespmem:$0x1F6F0]  }
0x342: {  	v1 =	vadd.f32 v1, v21;
	v21 =	vld [tilespmem:s0+$0x1AD0]  }
0x343: {  	v0 =	vadd.f32 v13, v0;
	v13 =	vld [tilespmem:$0x1F710]  }
0x344: {  	v14 =	vadd.f32 v16, v48;
	v48 =	vld [tilespmem:s0+$0x1A50]  }
0x345: {  	v16 =	vadd.f32 v5, v51;
	v5 =	vld [tilespmem:s0+$0x1A60]  }
0x346: {  	v51 =	vmul.f32 v50, v12;
	v50 =	vmul.f32 v59, v12;
	v59 =	vld [tilespmem:$0x1F700]  }
0x347: {  	v12 =	vld [tilespmem:s0+$0x1AE0];
	v14 =	vadd.f32 v14, v49  }
0x348: {  	v16 =	vadd.f32 v44, v16;
	v0 =	vadd.f32 v51, v0;
	v44 =	vld [tilespmem:s0+$0x1AC0]  }
0x349: {  	v51 =	vmul.f32 v60, v11;
	v14 =	vadd.f32 v50, v14;
	v50 =	vld [tilespmem:$0x1F720]  }
0x34a: {  	v20 =	vadd.f32 v0, v20;
	v0 =	vld [tilespmem:s0+$0x1AF0]  }
0x34b: {  	v16 =	vadd.f32 v16, v32;
	v1 =	vadd.f32 v51, v1;
	v32 =	vld [tilespmem:s0+$0x1B40]  }
0x34c: {  	v49 =	vmul.f32 v13, v11;
	v60 =	vmul.f32 v59, v9;
	v59 =	vld [tilespmem:$0x1F730]  }
0x34d: {  	v1 =	vadd.f32 v1, v46;
	v46 =	vld [tilespmem:$0x1F740]  }
0x34e: {  	v13 =	vadd.f32 v49, v20;
	v20 =	vld [tilespmem:s0+$0x1B50]  }
0x34f: {  	v14 =	vadd.f32 v14, v29;
	v29 =	vld [tilespmem:s0+$0x1BC0]  }
0x350: {  	v16 =	vadd.f32 v60, v16;
	v13 =	vadd.f32 v13, v45;
	v45 =	vld [tilespmem:s0+$0x1BD0]  }
0x351: {  	v51 =	vmul.f32 v50, v11;
	v50 =	vld [tilespmem:$0x1F750]  }
0x352: {  	v16 =	vadd.f32 v16, v38;
	v38 =	vld [tilespmem:$0x1F7C0];
	v60 =	vmul.f32 v59, v33  }
0x353: {  	v11 =	vadd.f32 v51, v14;
	v14 =	vld [tilespmem:s0+$0x1B60]  }
0x354: {  	v49 =	vmul.f32 v46, v10;
	v1 =	vadd.f32 v60, v1;
	v60 =	vld [tilespmem:$0x1F760]  }
0x355: {  	v59 =	vadd.f32 v11, v47;
	v11 =	vld [tilespmem:s0+$0x1B70]  }
0x356: {  	v16 =	vadd.f32 v49, v16;
	v49 =	vld [tilespmem:$0x1F780]  }
0x357: {  	v47 =	vld [tilespmem:$0x1F770];
	v51 =	vmul.f32 v50, v33  }
0x358: {  	v27 =	vadd.f32 v16, v27;
	v16 =	vld [tilespmem:s0+$0x1BE0]  }
0x359: {  	v13 =	vadd.f32 v51, v13;
	v51 =	vld [tilespmem:$0x1F790]  }
0x35a: {  	v46 =	vmul.f32 v60, v33;
	v60 =	vld [tilespmem:$0x1F7A0]  }
0x35b: {  	v50 =	vmul.f32 v49, v8;
	v49 =	vld [tilespmem:$0x1F7E0]  }
0x35c: {  	v1 =	vadd.f32 v1, v19;
	v19 =	vmul.f32 v47, v9;
	v33 =	vadd.f32 v46, v59;
	v46 =	vld [tilespmem:$0x1F7D0]  }
0x35d: {  	v27 =	vadd.f32 v50, v27;
	v50 =	vld [tilespmem:$0x1F7F0]  }
0x35e: {  	v1 =	vadd.f32 v19, v1;
	v17 =	vadd.f32 v33, v17;
	v33 =	vld [tilespmem:$0x1F7B0]  }
0x35f: {  	v13 =	vadd.f32 v13, v18;
	v59 =	vmul.f32 v51, v9;
	v19 =	vmul.f32 v60, v9;
	v9 =	vld [tilespmem:s0+$0x1BF0]  }
0x360: {  	v1 =	vadd.f32 v1, v36;
	v36 =	vadd.f32 v27, v23;
	v27 =	vld [tilespmem:s0+$0x1C50]  }
0x361: {  	v23 =	vmul.f32 v38, v7;
	v38 =	vld [tilespmem:$0x1FD60]  }
0x362: {  	v13 =	vadd.f32 v59, v13;
	v59 =	vld [tilespmem:$0x1FE00]  }
0x363: {  	v47 =	vmul.f32 v46, v10;
	v46 =	vld [tilespmem:$0x1F800]  }
0x364: {  	v17 =	vadd.f32 v19, v17;
	v19 =	vadd.f32 v23, v36;
	v36 =	vmul.f32 v49, v10;
	v49 =	vld [tilespmem:$0x1FDA0]  }
0x365: {  	v13 =	vadd.f32 v13, v24;
	v24 =	vld [tilespmem:$0xA080]  }
0x366: {  	v51 =	vmul.f32 v50, v8;
	v50 =	vld [tilespmem:$0x1F810]  }
0x367: {  	v18 =	vmul.f32 v33, v10;
	v33 =	vld [tilespmem:s0+$0x1C40]  }
0x368: {  	v10 =	vld [tilespmem:s0+$0x1C70]  }
0x369: {  	v17 =	vadd.f32 v17, v37;
	v37 =	vld [tilespmem:s0+$0x2040]  }
0x36a: {  	v1 =	vadd.f32 v18, v1;
	v18 =	vld [tilespmem:s0+$0x1C60]  }
0x36b: {  	v19 =	vadd.f32 v19, v59;
	v59 =	vld [tilespmem:$0x1F820]  }
0x36c: {  	v17 =	vadd.f32 v36, v17;
	v36 =	vld [tilespmem:$0x1F830]  }
0x36d: {  	v13 =	vadd.f32 v47, v13;
	v47 =	vmul.f32 v46, v7;
	v46 =	vld [tilespmem:$0x1FDB0]  }
0x36e: {  	v60 =	vmul.f32 v39, v6;
	v1 =	vadd.f32 v1, v26;
	v26 =	vld [tilespmem:s0+$0x2050]  }
0x36f: {  	v24 =	vadd.f32 v24, v30;
	v30 =	vld [tilespmem:s0+$0x2060]  }
0x370: {  	v23 =	vadd.f32 v60, v19;
	v19 =	vld [tilespmem:s0+$0x2070]  }
0x371: {  	v17 =	vadd.f32 v17, v25;
	v25 =	vld [tilespmem:$0x1FE10]  }
0x372: {  	v1 =	vadd.f32 v51, v1;
	v51 =	vmul.f32 v40, v4;
	v40 =	vld [tilespmem:$0x1F840]  }
0x373: {  	v23 =	vadd.f32 v23, v49;
	[tilespmem:s31+$0x9080] =	vst v24;
	v49 =	vld [tilespmem:$0x1F850]  }
0x374: {  	v13 =	vadd.f32 v13, v62;
	v62 =	vld [tilespmem:$0xA090]  }
0x375: {  	v60 =	vmul.f32 v59, v8;
	v59 =	vmul.f32 v53, v61;
	v53 =	vld [tilespmem:$0x1FDD0]  }
0x376: {  	v24 =	vmul.f32 v50, v8;
	v1 =	vadd.f32 v1, v22;
	v23 =	vadd.f32 v51, v23;
	v51 =	vld [tilespmem:$0x1FD20]  }
0x377: {  	v8 =	vadd.f32 v60, v17;
	v60 =	vld [tilespmem:$0x1FE20]  }
0x378: {  	v13 =	vadd.f32 v24, v13;
	v17 =	vmul.f32 v36, v6;
	v36 =	vld [tilespmem:$0x1FE30];
	v1 =	vadd.f32 v47, v1  }
0x379: {  	v39 =	vmul.f32 v34, v3;
	v23 =	vadd.f32 v23, v38;
	v38 =	vld [tilespmem:$0x1FCE0]  }
0x37a: {  	v13 =	vadd.f32 v13, v63;
	v47 =	vmul.f32 v42, v4;
	v42 =	vld [tilespmem:$0x1FDC0];
	v1 =	vadd.f32 v1, v25  }
0x37b: {  	v23 =	vadd.f32 v39, v23;
	v22 =	vadd.f32 v62, v41;
	v62 =	vld [tilespmem:$0x1F860]  }
0x37c: {  	v8 =	vadd.f32 v8, v28;
	v28 =	vld [tilespmem:$0x1FD70];
	v1 =	vadd.f32 v17, v1;
	v17 =	vmul.f32 v40, v7  }
0x37d: {  	v50 =	vmul.f32 v49, v7;
	v23 =	vadd.f32 v23, v51;
	[tilespmem:s7+$0x9080] =	vst v22;
	v40 =	vld [tilespmem:$0x1F870]  }
0x37e: {  	v34 =	vmul.f32 v58, v3;
	v63 =	vld [tilespmem:$0xA0A0];
	v13 =	vadd.f32 v17, v13;
	v1 =	vadd.f32 v1, v46  }
0x37f: {  	v24 =	vmul.f32 v29, v43;
	v7 =	vadd.f32 v50, v8;
	v50 =	vld [tilespmem:$0x1FCA0];
	v25 =	vadd.f32 v59, v23  }
0x380: {  	v46 =	vld [tilespmem:$0x1F880];
	v17 =	vmul.f32 v62, v6;
	v13 =	vadd.f32 v13, v60;
	v1 =	vadd.f32 v47, v1  }
0x381: {  	v39 =	vmul.f32 v44, v55;
	v7 =	vadd.f32 v7, v36;
	v8 =	vadd.f32 v25, v38;
	v47 =	vld [tilespmem:$0x1FD30]  }
0x382: {  	v41 =	vmul.f32 v40, v6;
	v13 =	vadd.f32 v17, v13;
	v1 =	vadd.f32 v1, v28  }
0x383: {  	v49 =	vmul.f32 v48, v61;
	v23 =	vld [tilespmem:$0x1FC40];
	v8 =	vadd.f32 v39, v8;
	v44 =	vadd.f32 v63, v31  }
0x384: {  	v51 =	vmul.f32 v32, v54;
	v60 =	vld [tilespmem:$0x1FD80];
	v6 =	vadd.f32 v41, v7;
	v1 =	vadd.f32 v34, v1  }
0x385: {  	v62 =	vld [tilespmem:$0x1FCF0];
	v22 =	vmul.f32 v46, v4;
	v13 =	vadd.f32 v13, v42;
	v8 =	vadd.f32 v8, v50  }
0x386: {  	v29 =	vld [tilespmem:$0x1FB80];
	v59 =	vmul.f32 v57, v4;
	[tilespmem:s6+$0x9080] =	vst v44;
	v6 =	vadd.f32 v6, v53;
	v1 =	vadd.f32 v1, v47  }
0x387: {  	v58 =	vld [tilespmem:$0xA0B0];
	v13 =	vadd.f32 v22, v13;
	v8 =	vadd.f32 v51, v8  }
0x388: {  	v25 =	vld [tilespmem:$0x1FD40];
	v4 =	vadd.f32 v59, v6;
	v1 =	vadd.f32 v49, v1  }
0x389: {  	v63 =	vmul.f32 v35, v3;
	v28 =	vld [tilespmem:$0x1FCB0];
	v13 =	vadd.f32 v13, v60;
	v6 =	vadd.f32 v8, v23  }
0x38a: {  	v21 =	vmul.f32 v21, v55;
	v1 =	vadd.f32 v1, v62  }
0x38b: {  	v32 =	vmul.f32 v33, v56;
	v33 =	vld [tilespmem:$0x1FD90];
	v13 =	vadd.f32 v63, v13;
	v6 =	vadd.f32 v24, v6  }
0x38c: {  	v36 =	vld [tilespmem:$0x1FD00];
	v7 =	vadd.f32 v58, v15;
	v1 =	vadd.f32 v21, v1  }
0x38d: {  	v5 =	vmul.f32 v5, v61;
	v40 =	vmul.f32 v45, v43;
	v39 =	vld [tilespmem:$0x1FC50];
	v8 =	vadd.f32 v13, v25  }
0x38e: {  	v45 =	vld [tilespmem:$0x1FCC0];
	v31 =	vmul.f32 v20, v54;
	v6 =	vadd.f32 v6, v29;
	[tilespmem:s5+$0x9080] =	vst v7;
	v1 =	vadd.f32 v1, v28  }
0x38f: {  	v34 =	vld [tilespmem:$0xA0C0];
	v5 =	vadd.f32 v5, v8  }
0x390: {  	v38 =	vmul.f32 v12, v55;
	v44 =	vld [tilespmem:$0x1FD50];
	v6 =	vadd.f32 v32, v6;
	v1 =	vadd.f32 v31, v1  }
0x391: {  	v35 =	vmul.f32 v52, v3;
	v46 =	vld [tilespmem:$0x1FB90];
	v4 =	vadd.f32 v4, v33;
	v5 =	vadd.f32 v5, v36  }
0x392: {  	v6 =	vadd.f32 v6, v37;
	v1 =	vadd.f32 v1, v39  }
0x393: {  	v3 =	vadd.f32 v35, v4;
	v41 =	vadd.f32 v38, v5  }
0x394: {  	v50 =	vld [tilespmem:$0x1FD10];
	v42 =	vadd.f32 v34, v6;
	v1 =	vadd.f32 v40, v1  }
0x395: {  	v2 =	vmul.f32 v2, v61;
	v48 =	vmul.f32 v27, v56;
	v51 =	vld [tilespmem:$0x1FC60];
	v3 =	vadd.f32 v3, v44  }
0x396: {  	v47 =	vmul.f32 v14, v54;
	v4 =	vadd.f32 v41, v45;
	[tilespmem:s28+$0x9080] =	vst v42;
	v1 =	vadd.f32 v1, v46  }
0x397: {  	v2 =	vadd.f32 v2, v3;
	v49 =	vld [tilespmem:$0xA0D0]  }
0x398: {  	v0 =	vmul.f32 v0, v55;
	v55 =	vld [tilespmem:$0x1FCD0];
	v4 =	vadd.f32 v47, v4;
	v1 =	vadd.f32 v48, v1  }
0x399: {  	v58 =	vld [tilespmem:$0x1FBA0];
	v2 =	vadd.f32 v2, v50  }
0x39a: {  	v52 =	vmul.f32 v16, v43;
	v4 =	vadd.f32 v4, v51;
	v1 =	vadd.f32 v1, v26  }
0x39b: {  	v0 =	vadd.f32 v0, v2  }
0x39c: {  	v53 =	vadd.f32 v52, v4;
	v1 =	vadd.f32 v49, v1  }
0x39d: {  	v57 =	vmul.f32 v11, v54;
	v60 =	vld [tilespmem:$0x1FC70]  }
0x39e: {  	v59 =	vmul.f32 v18, v56;
	v0 =	vadd.f32 v0, v55;
	v2 =	vadd.f32 v53, v58;
	[tilespmem:s9+$0x9080] =	vst v1  }
0x39f: {  	v1 =	vld [tilespmem:$0xA0E0]  }
0x3a0: {  	v0 =	vadd.f32 v57, v0;
	v2 =	vadd.f32 v59, v2  }
0x3a1: {  	v62 =	vld [tilespmem:$0x1FBB0]  }
0x3a2: {  	v61 =	vmul.f32 v9, v43;
	v0 =	vadd.f32 v0, v60;
	v2 =	vadd.f32 v2, v30;
	_ =	sdelay $0x1  }
0x3a3: {  	v0 =	vadd.f32 v61, v0;
	v1 =	vadd.f32 v1, v2;
	_ =	sdelay $0x1  }
0x3a4: {  	v63 =	vmul.f32 v10, v56;
	v0 =	vadd.f32 v0, v62;
	[tilespmem:s1+$0x9080] =	vst v1  }
0x3a5: {  	v1 =	vld [tilespmem:$0xA0F0]  }
0x3a6: {  	s30 =	sadd.s32 $0x1, s30;
	v0 =	vadd.f32 v63, v0  }
0x3a7: {  	p0 =	sne.s32 s30, $0x20  }
.Ltmp1:
0x3a8: {  	v0 =	vadd.f32 v0, v19;
	(pc) =	sbr.rel @p0 .LBB2_2-.Ltmp1, $3  }
0x3a9: {  	_ = 	snop  }
0x3aa: {  	v0 =	vadd.f32 v1, v0;
	_ =	sdelay $0x1  }
0x3ab: {  	[tilespmem:s3+$0x9080] =	vst v0  }
0x3ac: {  	s8 =	simm.s32 $0x0;
	s0 =	rddreg [dreg:$0x6];
	s1 =	simm.s32 $0x9080  }
0x3ad: {  	[hbm4b:s0+s8] =	stream.linear.scatter [tilespmem:s1], [sflag:$0x2], $0x1000, $0x38;
	[tilespmem:$0xA100] =	vst v63  }
0x3ae: {  	s1 =	simm.s32 $0x2  }
0x3af: {  	_ =	swait.ge [sflag:s1], $0x1000  }
0x3b0: {  	s29 =	sadd.s32 $0x1, s29;
	s31 =	rddreg [dreg:$0x7]  }
0x3b1: {  	p0 =	sne.s32 s29, s31  }
.Ltmp2:
0x3b2: {  	_ = 	snop;
	(pc) =	sbr.rel @p0 .LBB2_1-.Ltmp2, $3  }
0x3b3: {  	_ =	sdelay $0x1  }
0x3b4: {  	[sflag:s1] =	ssyncset.done $0x0  }
0x3b5: {  	[sflag:s1] =	ssyncadd.s32 $0xFFFFF000  }
0x3b6: {  	_ =	sfence.sel $0x180000  }
0x3b7: {  	[bflag:$0x0] =	sbarrier.arrive $0xFFFF  }
0x3b8: {  	_ =	strace $0x90000047  }
0x3b9: {  	s0 =	stileid.u32;
	[bflag:$0x2] =	sbarrier.arrive $0xFFFF  }
0x3ba: {  	p0 =	sne.s32 s0, $0x0;
	s0 =	rddreg [dreg:$0x4]  }
0x3bb: {  	s0 =	sadd.s32 @!p0 $0x100000, s0  }
0x3bc: {  	[sflag:s0] =	ssyncadd.tile.s32 @!p0 $0x1;
	_ =	shalt  }
.Lfunc_end2:
_tile_overlayer_lowered:
.L_overlay_start_2:
0x3bd: {  	(tag) =	ssettag $0x2  }
0x3be: {  	s0 =	rddreg [dreg:$0x0];
	s2 =	stileid.u32  }
0x3bf: {  	s1 =	rddreg [dreg:$0x1];
	p0 =	sne.s32 s2, $0x0  }
0x3c0: {  	s3 =	rddreg [dreg:$0x2];
	[bflag:$0x3] =	sbarrier.arrive $0xFFFF;
	s2 =	simm.s32 @!p0 $0x1C02  }
0x3c1: {  	[timem:s3], [sflag:s2] =	dma.local @!p0 [hbm:s0], s1  }
0x3c2: {  	s0 =	simm.s32 @!p0 $0x2  }
0x3c3: {  	_ =	swait.ge @!p0 [sflag:s0], s1  }
0x3c4: {  	s1 =	ssub.s32 @!p0 $0x0, s1;
	[sflag:s0] =	ssyncset.done @!p0 $0x0  }
0x3c5: {  	[sflag:s0] =	ssyncadd.s32 @!p0 s1  }
0x3c6: {  	[bflag:$0x3] =	sbarrier.arrive $0xFFFF  }
0x3c7: {  	_ =	shalt  }

</sc_bundles>
